<compile_context>
chip_gen: v7x
topology: tpu7x:2x2x1
jax: 0.10.2.dev20260603
libtpu: 0.0.44.dev20260713+nightly
codegen_flags: <defaults>
</compile_context>

<pallas_src>
import functools

import jax
import jax.numpy as jnp
from jax import lax
from jax.experimental import pallas as pl
from jax.experimental.pallas import tpu as pltpu
from jax.experimental.pallas import tpu_sc as plsc

NC = 2
NS = 16
NW = NC * NS
B = 204800
D = 64
BPW = B // NW
CHUNK = 128
NCHUNK = BPW // CHUNK
NCOL = B // CHUNK
CPAD = CHUNK + 1
DPAD = 80
NBUF = 5

_mesh = plsc.VectorSubcoreMesh(core_axis_name="c", subcore_axis_name="s")


def _transpose_block(g_v, gt_v, scatter_idx):

    @plsc.parallel_loop(0, CHUNK, unroll=8)
    def _(i):
        ci = jnp.broadcast_to(i, (16,)).astype(jnp.int32)
        for k, (rv, zv, cv) in enumerate(scatter_idx):
            v = g_v[i, pl.ds(16 * k, 16)]
            plsc.store_scatter(gt_v, [rv, zv, cv, ci], v)


@functools.partial(
    pl.kernel,
    mesh=_mesh,
    out_type=jax.ShapeDtypeStruct((8, NCOL, 8, CHUNK), jnp.float32),
    scratch_types=[
        pltpu.VMEM((BPW,), jnp.int32),
        pltpu.VMEM((NBUF, CHUNK, DPAD), jnp.float32),
        pltpu.VMEM((NBUF, 8, 1, 8, CPAD), jnp.float32),
        pltpu.SemaphoreType.DMA((NBUF,)),
        pltpu.SemaphoreType.DMA((NBUF,)),
    ],
    compiler_params=pltpu.CompilerParams(
        use_tc_tiling_on_sc=False, needs_layout_passes=False
    ),
)
def _gather_kernel(idx_hbm, table_hbm, y_hbm, idx_v, g_v, gt_v, gsem, wsem):
    wid = lax.axis_index("s") * NC + lax.axis_index("c")
    cb = wid * NCHUNK
    pltpu.sync_copy(idx_hbm.at[pl.ds(wid * BPW, BPW)], idx_v)

    lanes = jax.lax.iota(jnp.int32, 16)
    zv = jnp.zeros((16,), jnp.int32)
    scatter_idx = []
    for k in range(D // 16):
        dv = lanes + (16 * k)
        scatter_idx.append(
            (lax.shift_right_logical(dv, 3), zv, lax.bitwise_and(dv, 7))
        )

    def gt_src(b):
        return gt_v.at[b, :, :, :, pl.ds(0, CHUNK)]

    for b in range(NBUF):
        pltpu.async_copy(
            table_hbm.at[idx_v.at[pl.ds(b * CHUNK, CHUNK)]], g_v.at[b], gsem.at[b]
        )

    def step(t, carry):
        for b in range(NBUF):
            k = NBUF * t + b
            pltpu.make_async_copy(
                table_hbm.at[idx_v.at[pl.ds(k * CHUNK, CHUNK)]], g_v.at[b], gsem.at[b]
            ).wait()

            @pl.when(t > 0)
            def _():
                pltpu.make_async_copy(
                    gt_src(b), y_hbm.at[:, pl.ds(cb + k - NBUF, 1)], wsem.at[b]
                ).wait()

            _transpose_block(g_v.at[b], gt_v.at[b], scatter_idx)
            pltpu.async_copy(gt_src(b), y_hbm.at[:, pl.ds(cb + k, 1)], wsem.at[b])

            @pl.when(t < NCHUNK // NBUF - 1)
            def _():
                pltpu.async_copy(
                    table_hbm.at[idx_v.at[pl.ds((k + NBUF) * CHUNK, CHUNK)]],
                    g_v.at[b],
                    gsem.at[b],
                )

        return carry

    lax.fori_loop(0, NCHUNK // NBUF, step, 0)

    for b in range(NBUF):
        pltpu.make_async_copy(
            gt_src(b), y_hbm.at[:, pl.ds(cb + NCHUNK - NBUF + b, 1)], wsem.at[b]
        ).wait()


def kernel(indices, table):
    tp = jnp.pad(table, ((0, 0), (0, DPAD - D)))
    y = _gather_kernel(indices.astype(jnp.int32), tp)
    return y.transpose(1, 3, 0, 2).reshape(B, D)

# --- scband reference (transcript-rebuilt; emitter-appended) ---
"""Pipeline reference for scband-single-table-test-model-84877143704275 (READ-ONLY COPY).

The authoritative reference and input builder live on the scoring server;
editing this copy changes nothing except your own understanding.
"""

import jax, jax.numpy as jnp
import numpy as np


def setup_inputs(seed: int = 0) -> dict:
    key = jax.random.key(seed)
    k1, k2 = jax.random.split(key)
    indices = jax.random.randint(k1, (204800,), 0, 100000, dtype=jnp.int64) if jax.config.jax_enable_x64 else jax.random.randint(k1, (204800,), 0, 100000, dtype=jnp.int32)
    table = jax.random.normal(k2, (100000, 64), dtype=jnp.float32)
    return {"indices": indices, "table": table}


def reference(indices, table):
    # Single EmbeddingCollection with one table over a KeyedJaggedTensor:
    # the output is the concatenation of per-key jagged values' embeddings,
    # which for a single key is simply the gather of all jagged values.
    out = jnp.take(table, indices, axis=0)
    return out

if __name__ == "__main__":
    import jax
    _d = setup_inputs()
    print(jax.jit(kernel)(*tuple(_d.values())))

</pallas_src>

<mosaic_0001>
#map = affine_map<(d0, d1) -> (0)>
#map1 = affine_map<(d0, d1) -> (0, 0)>
#map2 = affine_map<(d0, d1) -> (0, 0, 0, 0)>
module attributes {stable_mosaic.version = 14 : i64} {
  func.func @_gather_kernel(%arg0: i32, %arg1: i32, %arg2: memref<204800xi32, #tpu.memory_space<hbm>>, %arg3: memref<100000x80xf32, #tpu.memory_space<hbm>>, %arg4: memref<8x1600x8x128xf32, #tpu.memory_space<hbm>>, %arg5: memref<6400xi32, #tpu.memory_space<vmem>>, %arg6: memref<5x128x80xf32, #tpu.memory_space<vmem>>, %arg7: memref<5x8x1x8x129xf32, #tpu.memory_space<vmem>>, %arg8: memref<5x!tpu.dma_semaphore, #tpu.memory_space<semaphore_mem>>, %arg9: memref<5x!tpu.dma_semaphore, #tpu.memory_space<semaphore_mem>>) attributes {dimension_semantics = [#tpu.dimension_semantics<core_parallel>, #tpu.dimension_semantics<subcore_parallel>], iteration_bounds = array<i64: 2, 16>, scalar_prefetch = 0 : i64, scratch_operands = 5 : i64, tpu.core_type = #tpu.core_type<sc_vector_subcore>, window_params = [{transform_indices = #map}, {transform_indices = #map1}, {transform_indices = #map2}]} {
    %mul3A = arith.constant 2 : i32
    %mul3A_0 = arith.muli %arg1, %mul3A : i32
    %add3A = arith.addi %mul3A_0, %arg0 : i32
    %mul3A_1 = arith.constant 50 : i32
    %mul3A_2 = arith.muli %add3A, %mul3A_1 : i32
    %mul3A_3 = arith.constant 6400 : i32
    %mul3A_4 = arith.muli %add3A, %mul3A_3 : i32
    "tpu.region"() ({
      %run_scoped3A = tpu.sem_alloc : memref<!tpu.dma_semaphore, #tpu.memory_space<semaphore_mem>>
      %dma_start3A_257 = tpu.memref_slice %arg2[%mul3A_4] : memref<204800xi32, #tpu.memory_space<hbm>> -> memref<6400xi32, #tpu.memory_space<hbm>>
      %dma_start3A_258 = tpu.memref_slice %arg2[%mul3A_4] : memref<204800xi32, #tpu.memory_space<hbm>> -> memref<6400xi32, #tpu.memory_space<hbm>>
      tpu.enqueue_dma source(%dma_start3A_258 : memref<6400xi32, #tpu.memory_space<hbm>>) target(%arg5 : memref<6400xi32, #tpu.memory_space<vmem>>) target_semaphore(%run_scoped3A : memref<!tpu.dma_semaphore, #tpu.memory_space<semaphore_mem>>)
      %dma_wait3A_259 = tpu.memref_slice %arg2[%mul3A_4] : memref<204800xi32, #tpu.memory_space<hbm>> -> memref<6400xi32, #tpu.memory_space<hbm>>
      %dma_wait3A_260 = tpu.memref_slice %arg2[%mul3A_4] : memref<204800xi32, #tpu.memory_space<hbm>> -> memref<6400xi32, #tpu.memory_space<hbm>>
      tpu.wait_dma2 semaphore(%run_scoped3A : memref<!tpu.dma_semaphore, #tpu.memory_space<semaphore_mem>>) src(%dma_wait3A_260 : memref<6400xi32, #tpu.memory_space<hbm>>) dst(%arg5 : memref<6400xi32, #tpu.memory_space<vmem>>)
      tpu.yield
    }) : () -> ()
    %iota3A = tpu.iota {dimensions = array<i32: 0>} : vector<16xi32>
    %broadcast_in_dim3A = arith.constant 0 : i32
    %broadcast_in_dim3A_5 = vector.broadcast %broadcast_in_dim3A : i32 to vector<16xi32>
    %add3A_6 = arith.constant 0 : i32
    %add3A_7 = vector.broadcast %add3A_6 : i32 to vector<16xi32>
    %add3A_8 = arith.addi %iota3A, %add3A_7 : vector<16xi32>
    %shift_right_logical3A = arith.constant 3 : i32
    %shift_right_logical3A_9 = vector.broadcast %shift_right_logical3A : i32 to vector<16xi32>
    %shift_right_logical3A_10 = arith.shrui %add3A_8, %shift_right_logical3A_9 : vector<16xi32>
    %and3A = arith.constant 7 : i32
    %and3A_11 = vector.broadcast %and3A : i32 to vector<16xi32>
    %and3A_12 = arith.andi %add3A_8, %and3A_11 : vector<16xi32>
    %add3A_13 = arith.constant 16 : i32
    %add3A_14 = vector.broadcast %add3A_13 : i32 to vector<16xi32>
    %add3A_15 = arith.addi %iota3A, %add3A_14 : vector<16xi32>
    %shift_right_logical3A_16 = arith.constant 3 : i32
    %shift_right_logical3A_17 = vector.broadcast %shift_right_logical3A_16 : i32 to vector<16xi32>
    %shift_right_logical3A_18 = arith.shrui %add3A_15, %shift_right_logical3A_17 : vector<16xi32>
    %and3A_19 = arith.constant 7 : i32
    %and3A_20 = vector.broadcast %and3A_19 : i32 to vector<16xi32>
    %and3A_21 = arith.andi %add3A_15, %and3A_20 : vector<16xi32>
    %add3A_22 = arith.constant 32 : i32
    %add3A_23 = vector.broadcast %add3A_22 : i32 to vector<16xi32>
    %add3A_24 = arith.addi %iota3A, %add3A_23 : vector<16xi32>
    %shift_right_logical3A_25 = arith.constant 3 : i32
    %shift_right_logical3A_26 = vector.broadcast %shift_right_logical3A_25 : i32 to vector<16xi32>
    %shift_right_logical3A_27 = arith.shrui %add3A_24, %shift_right_logical3A_26 : vector<16xi32>
    %and3A_28 = arith.constant 7 : i32
    %and3A_29 = vector.broadcast %and3A_28 : i32 to vector<16xi32>
    %and3A_30 = arith.andi %add3A_24, %and3A_29 : vector<16xi32>
    %add3A_31 = arith.constant 48 : i32
    %add3A_32 = vector.broadcast %add3A_31 : i32 to vector<16xi32>
    %add3A_33 = arith.addi %iota3A, %add3A_32 : vector<16xi32>
    %shift_right_logical3A_34 = arith.constant 3 : i32
    %shift_right_logical3A_35 = vector.broadcast %shift_right_logical3A_34 : i32 to vector<16xi32>
    %shift_right_logical3A_36 = arith.shrui %add3A_33, %shift_right_logical3A_35 : vector<16xi32>
    %and3A_37 = arith.constant 7 : i32
    %and3A_38 = vector.broadcast %and3A_37 : i32 to vector<16xi32>
    %and3A_39 = arith.andi %add3A_33, %and3A_38 : vector<16xi32>
    %dma_start3A = arith.constant 0 : i32
    %dma_start3A_40 = arith.constant 0 : i32
    %dma_start3A_41 = arith.constant 0 : i32
    %dma_start3A_42 = arith.constant 0 : i32
    %dma_start3A_43 = tpu.memref_slice %arg6[%dma_start3A, %dma_start3A_41, %dma_start3A_42] : memref<5x128x80xf32, #tpu.memory_space<vmem>> -> memref<1x128x80xf32, #tpu.memory_space<vmem>>
    %dma_start3A_44 = tpu.memref_squeeze %dma_start3A_43 : memref<1x128x80xf32, #tpu.memory_space<vmem>> -> memref<128x80xf32, #tpu.memory_space<vmem>>
    %dma_start3A_45 = arith.constant 0 : i32
    %dma_start3A_46 = tpu.memref_slice %arg5[%dma_start3A_45] : memref<6400xi32, #tpu.memory_space<vmem>> -> memref<128xi32, #tpu.memory_space<vmem>>
    %dma_start3A_47 = arith.constant 0 : i32
    %dma_start3A_48 = arith.constant 0 : i32
    %dma_start3A_49 = tpu.memref_slice %arg3[%dma_start3A_47, %dma_start3A_48] : memref<100000x80xf32, #tpu.memory_space<hbm>> -> memref<100000x80xf32, #tpu.memory_space<hbm>>
    %dma_start3A_50 = tpu.memref_slice %arg8[%dma_start3A_40] : memref<5x!tpu.dma_semaphore, #tpu.memory_space<semaphore_mem>> -> memref<1x!tpu.dma_semaphore, #tpu.memory_space<semaphore_mem>>
    %dma_start3A_51 = tpu.memref_squeeze %dma_start3A_50 : memref<1x!tpu.dma_semaphore, #tpu.memory_space<semaphore_mem>> -> memref<!tpu.dma_semaphore, #tpu.memory_space<semaphore_mem>>
    tpu.enqueue_indirect_dma source(%dma_start3A_49 : memref<100000x80xf32, #tpu.memory_space<hbm>>) target(%dma_start3A_44 : memref<128x80xf32, #tpu.memory_space<vmem>>) offsets(%dma_start3A_46 : memref<128xi32, #tpu.memory_space<vmem>>) semaphore(%dma_start3A_51 : memref<!tpu.dma_semaphore, #tpu.memory_space<semaphore_mem>>)
    %dma_start3A_52 = arith.constant 1 : i32
    %dma_start3A_53 = arith.constant 1 : i32
    %dma_start3A_54 = arith.constant 0 : i32
    %dma_start3A_55 = arith.constant 0 : i32
    %dma_start3A_56 = tpu.memref_slice %arg6[%dma_start3A_52, %dma_start3A_54, %dma_start3A_55] : memref<5x128x80xf32, #tpu.memory_space<vmem>> -> memref<1x128x80xf32, #tpu.memory_space<vmem>>
    %dma_start3A_57 = tpu.memref_squeeze %dma_start3A_56 : memref<1x128x80xf32, #tpu.memory_space<vmem>> -> memref<128x80xf32, #tpu.memory_space<vmem>>
    %dma_start3A_58 = arith.constant 128 : i32
    %dma_start3A_59 = tpu.memref_slice %arg5[%dma_start3A_58] : memref<6400xi32, #tpu.memory_space<vmem>> -> memref<128xi32, #tpu.memory_space<vmem>>
    %dma_start3A_60 = arith.constant 0 : i32
    %dma_start3A_61 = arith.constant 0 : i32
    %dma_start3A_62 = tpu.memref_slice %arg3[%dma_start3A_60, %dma_start3A_61] : memref<100000x80xf32, #tpu.memory_space<hbm>> -> memref<100000x80xf32, #tpu.memory_space<hbm>>
    %dma_start3A_63 = tpu.memref_slice %arg8[%dma_start3A_53] : memref<5x!tpu.dma_semaphore, #tpu.memory_space<semaphore_mem>> -> memref<1x!tpu.dma_semaphore, #tpu.memory_space<semaphore_mem>>
    %dma_start3A_64 = tpu.memref_squeeze %dma_start3A_63 : memref<1x!tpu.dma_semaphore, #tpu.memory_space<semaphore_mem>> -> memref<!tpu.dma_semaphore, #tpu.memory_space<semaphore_mem>>
    tpu.enqueue_indirect_dma source(%dma_start3A_62 : memref<100000x80xf32, #tpu.memory_space<hbm>>) target(%dma_start3A_57 : memref<128x80xf32, #tpu.memory_space<vmem>>) offsets(%dma_start3A_59 : memref<128xi32, #tpu.memory_space<vmem>>) semaphore(%dma_start3A_64 : memref<!tpu.dma_semaphore, #tpu.memory_space<semaphore_mem>>)
    %dma_start3A_65 = arith.constant 2 : i32
    %dma_start3A_66 = arith.constant 2 : i32
    %dma_start3A_67 = arith.constant 0 : i32
    %dma_start3A_68 = arith.constant 0 : i32
    %dma_start3A_69 = tpu.memref_slice %arg6[%dma_start3A_65, %dma_start3A_67, %dma_start3A_68] : memref<5x128x80xf32, #tpu.memory_space<vmem>> -> memref<1x128x80xf32, #tpu.memory_space<vmem>>
    %dma_start3A_70 = tpu.memref_squeeze %dma_start3A_69 : memref<1x128x80xf32, #tpu.memory_space<vmem>> -> memref<128x80xf32, #tpu.memory_space<vmem>>
    %dma_start3A_71 = arith.constant 256 : i32
    %dma_start3A_72 = tpu.memref_slice %arg5[%dma_start3A_71] : memref<6400xi32, #tpu.memory_space<vmem>> -> memref<128xi32, #tpu.memory_space<vmem>>
    %dma_start3A_73 = arith.constant 0 : i32
    %dma_start3A_74 = arith.constant 0 : i32
    %dma_start3A_75 = tpu.memref_slice %arg3[%dma_start3A_73, %dma_start3A_74] : memref<100000x80xf32, #tpu.memory_space<hbm>> -> memref<100000x80xf32, #tpu.memory_space<hbm>>
    %dma_start3A_76 = tpu.memref_slice %arg8[%dma_start3A_66] : memref<5x!tpu.dma_semaphore, #tpu.memory_space<semaphore_mem>> -> memref<1x!tpu.dma_semaphore, #tpu.memory_space<semaphore_mem>>
    %dma_start3A_77 = tpu.memref_squeeze %dma_start3A_76 : memref<1x!tpu.dma_semaphore, #tpu.memory_space<semaphore_mem>> -> memref<!tpu.dma_semaphore, #tpu.memory_space<semaphore_mem>>
    tpu.enqueue_indirect_dma source(%dma_start3A_75 : memref<100000x80xf32, #tpu.memory_space<hbm>>) target(%dma_start3A_70 : memref<128x80xf32, #tpu.memory_space<vmem>>) offsets(%dma_start3A_72 : memref<128xi32, #tpu.memory_space<vmem>>) semaphore(%dma_start3A_77 : memref<!tpu.dma_semaphore, #tpu.memory_space<semaphore_mem>>)
    %dma_start3A_78 = arith.constant 3 : i32
    %dma_start3A_79 = arith.constant 3 : i32
    %dma_start3A_80 = arith.constant 0 : i32
    %dma_start3A_81 = arith.constant 0 : i32
    %dma_start3A_82 = tpu.memref_slice %arg6[%dma_start3A_78, %dma_start3A_80, %dma_start3A_81] : memref<5x128x80xf32, #tpu.memory_space<vmem>> -> memref<1x128x80xf32, #tpu.memory_space<vmem>>
    %dma_start3A_83 = tpu.memref_squeeze %dma_start3A_82 : memref<1x128x80xf32, #tpu.memory_space<vmem>> -> memref<128x80xf32, #tpu.memory_space<vmem>>
    %dma_start3A_84 = arith.constant 384 : i32
    %dma_start3A_85 = tpu.memref_slice %arg5[%dma_start3A_84] : memref<6400xi32, #tpu.memory_space<vmem>> -> memref<128xi32, #tpu.memory_space<vmem>>
    %dma_start3A_86 = arith.constant 0 : i32
    %dma_start3A_87 = arith.constant 0 : i32
    %dma_start3A_88 = tpu.memref_slice %arg3[%dma_start3A_86, %dma_start3A_87] : memref<100000x80xf32, #tpu.memory_space<hbm>> -> memref<100000x80xf32, #tpu.memory_space<hbm>>
    %dma_start3A_89 = tpu.memref_slice %arg8[%dma_start3A_79] : memref<5x!tpu.dma_semaphore, #tpu.memory_space<semaphore_mem>> -> memref<1x!tpu.dma_semaphore, #tpu.memory_space<semaphore_mem>>
    %dma_start3A_90 = tpu.memref_squeeze %dma_start3A_89 : memref<1x!tpu.dma_semaphore, #tpu.memory_space<semaphore_mem>> -> memref<!tpu.dma_semaphore, #tpu.memory_space<semaphore_mem>>
    tpu.enqueue_indirect_dma source(%dma_start3A_88 : memref<100000x80xf32, #tpu.memory_space<hbm>>) target(%dma_start3A_83 : memref<128x80xf32, #tpu.memory_space<vmem>>) offsets(%dma_start3A_85 : memref<128xi32, #tpu.memory_space<vmem>>) semaphore(%dma_start3A_90 : memref<!tpu.dma_semaphore, #tpu.memory_space<semaphore_mem>>)
    %dma_start3A_91 = arith.constant 4 : i32
    %dma_start3A_92 = arith.constant 4 : i32
    %dma_start3A_93 = arith.constant 0 : i32
    %dma_start3A_94 = arith.constant 0 : i32
    %dma_start3A_95 = tpu.memref_slice %arg6[%dma_start3A_91, %dma_start3A_93, %dma_start3A_94] : memref<5x128x80xf32, #tpu.memory_space<vmem>> -> memref<1x128x80xf32, #tpu.memory_space<vmem>>
    %dma_start3A_96 = tpu.memref_squeeze %dma_start3A_95 : memref<1x128x80xf32, #tpu.memory_space<vmem>> -> memref<128x80xf32, #tpu.memory_space<vmem>>
    %dma_start3A_97 = arith.constant 512 : i32
    %dma_start3A_98 = tpu.memref_slice %arg5[%dma_start3A_97] : memref<6400xi32, #tpu.memory_space<vmem>> -> memref<128xi32, #tpu.memory_space<vmem>>
    %dma_start3A_99 = arith.constant 0 : i32
    %dma_start3A_100 = arith.constant 0 : i32
    %dma_start3A_101 = tpu.memref_slice %arg3[%dma_start3A_99, %dma_start3A_100] : memref<100000x80xf32, #tpu.memory_space<hbm>> -> memref<100000x80xf32, #tpu.memory_space<hbm>>
    %dma_start3A_102 = tpu.memref_slice %arg8[%dma_start3A_92] : memref<5x!tpu.dma_semaphore, #tpu.memory_space<semaphore_mem>> -> memref<1x!tpu.dma_semaphore, #tpu.memory_space<semaphore_mem>>
    %dma_start3A_103 = tpu.memref_squeeze %dma_start3A_102 : memref<1x!tpu.dma_semaphore, #tpu.memory_space<semaphore_mem>> -> memref<!tpu.dma_semaphore, #tpu.memory_space<semaphore_mem>>
    tpu.enqueue_indirect_dma source(%dma_start3A_101 : memref<100000x80xf32, #tpu.memory_space<hbm>>) target(%dma_start3A_96 : memref<128x80xf32, #tpu.memory_space<vmem>>) offsets(%dma_start3A_98 : memref<128xi32, #tpu.memory_space<vmem>>) semaphore(%dma_start3A_103 : memref<!tpu.dma_semaphore, #tpu.memory_space<semaphore_mem>>)
    %scan3A = arith.constant 0 : i32
    %scan3A_104 = arith.constant 0 : i32
    %scan3A_105 = arith.constant 10 : i32
    %scan3A_106 = arith.addi %scan3A_104, %scan3A_105 : i32
    %scan3A_107 = arith.constant 1 : i32
    scf.for %scan3A_257 = %scan3A_104 to %scan3A_106 step %scan3A_107  : i32 {
      %mul3A_258 = arith.constant 5 : i32
      %mul3A_259 = arith.muli %mul3A_258, %scan3A_257 : i32
      %add3A_260 = arith.constant 0 : i32
      %add3A_261 = arith.addi %mul3A_259, %add3A_260 : i32
      %mul3A_262 = arith.constant 128 : i32
      %mul3A_263 = arith.muli %add3A_261, %mul3A_262 : i32
      %dma_wait3A_264 = arith.constant 0 : i32
      %dma_wait3A_265 = arith.constant 0 : i32
      %dma_wait3A_266 = arith.constant 0 : i32
      %dma_wait3A_267 = arith.constant 0 : i32
      %dma_wait3A_268 = tpu.memref_slice %arg6[%dma_wait3A_264, %dma_wait3A_266, %dma_wait3A_267] : memref<5x128x80xf32, #tpu.memory_space<vmem>> -> memref<1x128x80xf32, #tpu.memory_space<vmem>>
      %dma_wait3A_269 = tpu.memref_squeeze %dma_wait3A_268 : memref<1x128x80xf32, #tpu.memory_space<vmem>> -> memref<128x80xf32, #tpu.memory_space<vmem>>
      %dma_wait3A_270 = tpu.memref_slice %arg5[%mul3A_263] : memref<6400xi32, #tpu.memory_space<vmem>> -> memref<128xi32, #tpu.memory_space<vmem>>
      %dma_wait3A_271 = arith.constant 0 : i32
      %dma_wait3A_272 = arith.constant 0 : i32
      %dma_wait3A_273 = tpu.memref_slice %arg3[%dma_wait3A_271, %dma_wait3A_272] : memref<100000x80xf32, #tpu.memory_space<hbm>> -> memref<100000x80xf32, #tpu.memory_space<hbm>>
      %dma_wait3A_274 = tpu.memref_slice %arg8[%dma_wait3A_265] : memref<5x!tpu.dma_semaphore, #tpu.memory_space<semaphore_mem>> -> memref<1x!tpu.dma_semaphore, #tpu.memory_space<semaphore_mem>>
      %dma_wait3A_275 = tpu.memref_squeeze %dma_wait3A_274 : memref<1x!tpu.dma_semaphore, #tpu.memory_space<semaphore_mem>> -> memref<!tpu.dma_semaphore, #tpu.memory_space<semaphore_mem>>
      tpu.wait_indirect_dma semaphore(%dma_wait3A_275 : memref<!tpu.dma_semaphore, #tpu.memory_space<semaphore_mem>>) src(%dma_wait3A_273 : memref<100000x80xf32, #tpu.memory_space<hbm>>) dst(%dma_wait3A_269 : memref<128x80xf32, #tpu.memory_space<vmem>>)
      %gt3A = arith.constant 0 : i32
      %gt3A_276 = arith.cmpi sgt, %scan3A_257, %gt3A : i32
      %convert_element_type3A = arith.extui %gt3A_276 : i1 to i32
      %cond3A = arith.constant 0 : i32
      %cond3A_277 = arith.cmpi ne, %convert_element_type3A, %cond3A : i32
      scf.if %cond3A_277 {
        %add3A_543 = arith.addi %mul3A_2, %add3A_261 : i32
        %sub3A_544 = arith.constant 5 : i32
        %sub3A_545 = arith.subi %add3A_543, %sub3A_544 : i32
        %dma_wait3A_546 = arith.constant 0 : i32
        %dma_wait3A_547 = arith.constant 0 : i32
        %dma_wait3A_548 = arith.constant 0 : i32
        %dma_wait3A_549 = arith.constant 0 : i32
        %dma_wait3A_550 = arith.constant 0 : i32
        %dma_wait3A_551 = arith.constant 0 : i32
        %dma_wait3A_552 = tpu.memref_slice %arg7[%dma_wait3A_546, %dma_wait3A_548, %dma_wait3A_549, %dma_wait3A_550, %dma_wait3A_551] : memref<5x8x1x8x129xf32, #tpu.memory_space<vmem>> -> memref<1x8x1x8x128xf32, #tpu.memory_space<vmem>>
        %dma_wait3A_553 = tpu.memref_squeeze %dma_wait3A_552 : memref<1x8x1x8x128xf32, #tpu.memory_space<vmem>> -> memref<8x1x8x128xf32, #tpu.memory_space<vmem>>
        %dma_wait3A_554 = arith.constant 0 : i32
        %dma_wait3A_555 = arith.constant 0 : i32
        %dma_wait3A_556 = arith.constant 0 : i32
        %dma_wait3A_557 = tpu.memref_slice %arg4[%dma_wait3A_554, %sub3A_545, %dma_wait3A_555, %dma_wait3A_556] : memref<8x1600x8x128xf32, #tpu.memory_space<hbm>> -> memref<8x1x8x128xf32, #tpu.memory_space<hbm>>
        %dma_wait3A_558 = tpu.memref_slice %arg9[%dma_wait3A_547] : memref<5x!tpu.dma_semaphore, #tpu.memory_space<semaphore_mem>> -> memref<1x!tpu.dma_semaphore, #tpu.memory_space<semaphore_mem>>
        %dma_wait3A_559 = tpu.memref_squeeze %dma_wait3A_558 : memref<1x!tpu.dma_semaphore, #tpu.memory_space<semaphore_mem>> -> memref<!tpu.dma_semaphore, #tpu.memory_space<semaphore_mem>>
        %dma_wait3A_560 = arith.constant 0 : i32
        %dma_wait3A_561 = arith.constant 0 : i32
        %dma_wait3A_562 = arith.constant 0 : i32
        %dma_wait3A_563 = tpu.memref_slice %arg4[%dma_wait3A_560, %sub3A_545, %dma_wait3A_561, %dma_wait3A_562] : memref<8x1600x8x128xf32, #tpu.memory_space<hbm>> -> memref<8x1x8x128xf32, #tpu.memory_space<hbm>>
        %dma_wait3A_564 = arith.constant 0 : i32
        %dma_wait3A_565 = arith.constant 0 : i32
        %dma_wait3A_566 = arith.constant 0 : i32
        %dma_wait3A_567 = arith.constant 0 : i32
        %dma_wait3A_568 = tpu.memref_slice %arg7[%dma_wait3A_546, %dma_wait3A_564, %dma_wait3A_565, %dma_wait3A_566, %dma_wait3A_567] : memref<5x8x1x8x129xf32, #tpu.memory_space<vmem>> -> memref<1x8x1x8x128xf32, #tpu.memory_space<vmem>>
        %dma_wait3A_569 = tpu.memref_squeeze %dma_wait3A_568 : memref<1x8x1x8x128xf32, #tpu.memory_space<vmem>> -> memref<8x1x8x128xf32, #tpu.memory_space<vmem>>
        tpu.wait_dma2 semaphore(%dma_wait3A_559 : memref<!tpu.dma_semaphore, #tpu.memory_space<semaphore_mem>>) src(%dma_wait3A_569 : memref<8x1x8x128xf32, #tpu.memory_space<vmem>>) dst(%dma_wait3A_563 : memref<8x1x8x128xf32, #tpu.memory_space<hbm>>)
      } else {
      }
      %parallel_loop3A = arith.constant 0 : i32
      %parallel_loop3A_278 = arith.constant 128 : i32
      %parallel_loop3A_279 = arith.constant 1 : i32
      %parallel_loop3A_280 = arith.constant 0 : i32
      %parallel_loop3A_281 = arith.constant 0 : i32
      scf.for %parallel_loop3A_543 = %parallel_loop3A to %parallel_loop3A_278 step %parallel_loop3A_279  : i32 {
        %parallel_loop3A_544 = vector.broadcast %parallel_loop3A_543 : i32 to vector<16xi32>
        %parallel_loop3A_545 = arith.constant 0 : i32
        %parallel_loop3A_546 = arith.constant 0 : i32
        %parallel_loop3A_547 = tpu.memref_slice %arg6[%parallel_loop3A_280, %parallel_loop3A_545, %parallel_loop3A_546] : memref<5x128x80xf32, #tpu.memory_space<vmem>> -> memref<1x128x80xf32, #tpu.memory_space<vmem>>
        %parallel_loop3A_548 = tpu.memref_squeeze %parallel_loop3A_547 : memref<1x128x80xf32, #tpu.memory_space<vmem>> -> memref<128x80xf32, #tpu.memory_space<vmem>>
        %parallel_loop3A_549 = arith.index_cast %parallel_loop3A_543 : i32 to index
        %parallel_loop3A_550 = arith.constant 0 : index
        %parallel_loop3A_551 = tpu.vector_load %parallel_loop3A_548[%parallel_loop3A_549, %parallel_loop3A_550] {strides = array<i32>} : memref<128x80xf32, #tpu.memory_space<vmem>>, vector<16xf32>,
        %parallel_loop3A_552 = arith.constant 0 : i32
        %parallel_loop3A_553 = arith.constant 0 : i32
        %parallel_loop3A_554 = arith.constant 0 : i32
        %parallel_loop3A_555 = arith.constant 0 : i32
        %parallel_loop3A_556 = tpu.memref_slice %arg7[%parallel_loop3A_281, %parallel_loop3A_552, %parallel_loop3A_553, %parallel_loop3A_554, %parallel_loop3A_555] : memref<5x8x1x8x129xf32, #tpu.memory_space<vmem>> -> memref<1x8x1x8x129xf32, #tpu.memory_space<vmem>>
        %parallel_loop3A_557 = tpu.memref_squeeze %parallel_loop3A_556 : memref<1x8x1x8x129xf32, #tpu.memory_space<vmem>> -> memref<8x1x8x129xf32, #tpu.memory_space<vmem>>
        tpu.vector_store_idx %parallel_loop3A_557[%shift_right_logical3A_10, %broadcast_in_dim3A_5, %and3A_12, %parallel_loop3A_544], %parallel_loop3A_551 : memref<8x1x8x129xf32, #tpu.memory_space<vmem>>[vector<16xi32>, vector<16xi32>, vector<16xi32>, vector<16xi32>], vector<16xf32>,
        %parallel_loop3A_558 = arith.constant 0 : i32
        %parallel_loop3A_559 = arith.constant 0 : i32
        %parallel_loop3A_560 = tpu.memref_slice %arg6[%parallel_loop3A_280, %parallel_loop3A_558, %parallel_loop3A_559] : memref<5x128x80xf32, #tpu.memory_space<vmem>> -> memref<1x128x80xf32, #tpu.memory_space<vmem>>
        %parallel_loop3A_561 = tpu.memref_squeeze %parallel_loop3A_560 : memref<1x128x80xf32, #tpu.memory_space<vmem>> -> memref<128x80xf32, #tpu.memory_space<vmem>>
        %parallel_loop3A_562 = arith.index_cast %parallel_loop3A_543 : i32 to index
        %parallel_loop3A_563 = arith.constant 16 : index
        %parallel_loop3A_564 = tpu.vector_load %parallel_loop3A_561[%parallel_loop3A_562, %parallel_loop3A_563] {strides = array<i32>} : memref<128x80xf32, #tpu.memory_space<vmem>>, vector<16xf32>,
        %parallel_loop3A_565 = arith.constant 0 : i32
        %parallel_loop3A_566 = arith.constant 0 : i32
        %parallel_loop3A_567 = arith.constant 0 : i32
        %parallel_loop3A_568 = arith.constant 0 : i32
        %parallel_loop3A_569 = tpu.memref_slice %arg7[%parallel_loop3A_281, %parallel_loop3A_565, %parallel_loop3A_566, %parallel_loop3A_567, %parallel_loop3A_568] : memref<5x8x1x8x129xf32, #tpu.memory_space<vmem>> -> memref<1x8x1x8x129xf32, #tpu.memory_space<vmem>>
        %parallel_loop3A_570 = tpu.memref_squeeze %parallel_loop3A_569 : memref<1x8x1x8x129xf32, #tpu.memory_space<vmem>> -> memref<8x1x8x129xf32, #tpu.memory_space<vmem>>
        tpu.vector_store_idx %parallel_loop3A_570[%shift_right_logical3A_18, %broadcast_in_dim3A_5, %and3A_21, %parallel_loop3A_544], %parallel_loop3A_564 : memref<8x1x8x129xf32, #tpu.memory_space<vmem>>[vector<16xi32>, vector<16xi32>, vector<16xi32>, vector<16xi32>], vector<16xf32>,
        %parallel_loop3A_571 = arith.constant 0 : i32
        %parallel_loop3A_572 = arith.constant 0 : i32
        %parallel_loop3A_573 = tpu.memref_slice %arg6[%parallel_loop3A_280, %parallel_loop3A_571, %parallel_loop3A_572] : memref<5x128x80xf32, #tpu.memory_space<vmem>> -> memref<1x128x80xf32, #tpu.memory_space<vmem>>
        %parallel_loop3A_574 = tpu.memref_squeeze %parallel_loop3A_573 : memref<1x128x80xf32, #tpu.memory_space<vmem>> -> memref<128x80xf32, #tpu.memory_space<vmem>>
        %parallel_loop3A_575 = arith.index_cast %parallel_loop3A_543 : i32 to index
        %parallel_loop3A_576 = arith.constant 32 : index
        %parallel_loop3A_577 = tpu.vector_load %parallel_loop3A_574[%parallel_loop3A_575, %parallel_loop3A_576] {strides = array<i32>} : memref<128x80xf32, #tpu.memory_space<vmem>>, vector<16xf32>,
        %parallel_loop3A_578 = arith.constant 0 : i32
        %parallel_loop3A_579 = arith.constant 0 : i32
        %parallel_loop3A_580 = arith.constant 0 : i32
        %parallel_loop3A_581 = arith.constant 0 : i32
        %parallel_loop3A_582 = tpu.memref_slice %arg7[%parallel_loop3A_281, %parallel_loop3A_578, %parallel_loop3A_579, %parallel_loop3A_580, %parallel_loop3A_581] : memref<5x8x1x8x129xf32, #tpu.memory_space<vmem>> -> memref<1x8x1x8x129xf32, #tpu.memory_space<vmem>>
        %parallel_loop3A_583 = tpu.memref_squeeze %parallel_loop3A_582 : memref<1x8x1x8x129xf32, #tpu.memory_space<vmem>> -> memref<8x1x8x129xf32, #tpu.memory_space<vmem>>
        tpu.vector_store_idx %parallel_loop3A_583[%shift_right_logical3A_27, %broadcast_in_dim3A_5, %and3A_30, %parallel_loop3A_544], %parallel_loop3A_577 : memref<8x1x8x129xf32, #tpu.memory_space<vmem>>[vector<16xi32>, vector<16xi32>, vector<16xi32>, vector<16xi32>], vector<16xf32>,
        %parallel_loop3A_584 = arith.constant 0 : i32
        %parallel_loop3A_585 = arith.constant 0 : i32
        %parallel_loop3A_586 = tpu.memref_slice %arg6[%parallel_loop3A_280, %parallel_loop3A_584, %parallel_loop3A_585] : memref<5x128x80xf32, #tpu.memory_space<vmem>> -> memref<1x128x80xf32, #tpu.memory_space<vmem>>
        %parallel_loop3A_587 = tpu.memref_squeeze %parallel_loop3A_586 : memref<1x128x80xf32, #tpu.memory_space<vmem>> -> memref<128x80xf32, #tpu.memory_space<vmem>>
        %parallel_loop3A_588 = arith.index_cast %parallel_loop3A_543 : i32 to index
        %parallel_loop3A_589 = arith.constant 48 : index
        %parallel_loop3A_590 = tpu.vector_load %parallel_loop3A_587[%parallel_loop3A_588, %parallel_loop3A_589] {strides = array<i32>} : memref<128x80xf32, #tpu.memory_space<vmem>>, vector<16xf32>,
        %parallel_loop3A_591 = arith.constant 0 : i32
        %parallel_loop3A_592 = arith.constant 0 : i32
        %parallel_loop3A_593 = arith.constant 0 : i32
        %parallel_loop3A_594 = arith.constant 0 : i32
        %parallel_loop3A_595 = tpu.memref_slice %arg7[%parallel_loop3A_281, %parallel_loop3A_591, %parallel_loop3A_592, %parallel_loop3A_593, %parallel_loop3A_594] : memref<5x8x1x8x129xf32, #tpu.memory_space<vmem>> -> memref<1x8x1x8x129xf32, #tpu.memory_space<vmem>>
        %parallel_loop3A_596 = tpu.memref_squeeze %parallel_loop3A_595 : memref<1x8x1x8x129xf32, #tpu.memory_space<vmem>> -> memref<8x1x8x129xf32, #tpu.memory_space<vmem>>
        tpu.vector_store_idx %parallel_loop3A_596[%shift_right_logical3A_36, %broadcast_in_dim3A_5, %and3A_39, %parallel_loop3A_544], %parallel_loop3A_590 : memref<8x1x8x129xf32, #tpu.memory_space<vmem>>[vector<16xi32>, vector<16xi32>, vector<16xi32>, vector<16xi32>], vector<16xf32>,
      } {sc.loop_unroll_factor = 8 : i64, sc.parallel_access}
      %add3A_282 = arith.addi %mul3A_2, %add3A_261 : i32
      %dma_start3A_283 = arith.constant 0 : i32
      %dma_start3A_284 = arith.constant 0 : i32
      %dma_start3A_285 = arith.constant 0 : i32
      %dma_start3A_286 = arith.constant 0 : i32
      %dma_start3A_287 = arith.constant 0 : i32
      %dma_start3A_288 = arith.constant 0 : i32
      %dma_start3A_289 = tpu.memref_slice %arg7[%dma_start3A_283, %dma_start3A_285, %dma_start3A_286, %dma_start3A_287, %dma_start3A_288] : memref<5x8x1x8x129xf32, #tpu.memory_space<vmem>> -> memref<1x8x1x8x128xf32, #tpu.memory_space<vmem>>
      %dma_start3A_290 = tpu.memref_squeeze %dma_start3A_289 : memref<1x8x1x8x128xf32, #tpu.memory_space<vmem>> -> memref<8x1x8x128xf32, #tpu.memory_space<vmem>>
      %dma_start3A_291 = arith.constant 0 : i32
      %dma_start3A_292 = arith.constant 0 : i32
      %dma_start3A_293 = arith.constant 0 : i32
      %dma_start3A_294 = tpu.memref_slice %arg4[%dma_start3A_291, %add3A_282, %dma_start3A_292, %dma_start3A_293] : memref<8x1600x8x128xf32, #tpu.memory_space<hbm>> -> memref<8x1x8x128xf32, #tpu.memory_space<hbm>>
      %dma_start3A_295 = tpu.memref_slice %arg9[%dma_start3A_284] : memref<5x!tpu.dma_semaphore, #tpu.memory_space<semaphore_mem>> -> memref<1x!tpu.dma_semaphore, #tpu.memory_space<semaphore_mem>>
      %dma_start3A_296 = tpu.memref_squeeze %dma_start3A_295 : memref<1x!tpu.dma_semaphore, #tpu.memory_space<semaphore_mem>> -> memref<!tpu.dma_semaphore, #tpu.memory_space<semaphore_mem>>
      %dma_start3A_297 = arith.constant 0 : i32
      %dma_start3A_298 = arith.constant 0 : i32
      %dma_start3A_299 = arith.constant 0 : i32
      %dma_start3A_300 = tpu.memref_slice %arg4[%dma_start3A_297, %add3A_282, %dma_start3A_298, %dma_start3A_299] : memref<8x1600x8x128xf32, #tpu.memory_space<hbm>> -> memref<8x1x8x128xf32, #tpu.memory_space<hbm>>
      %dma_start3A_301 = arith.constant 0 : i32
      %dma_start3A_302 = arith.constant 0 : i32
      %dma_start3A_303 = arith.constant 0 : i32
      %dma_start3A_304 = arith.constant 0 : i32
      %dma_start3A_305 = tpu.memref_slice %arg7[%dma_start3A_283, %dma_start3A_301, %dma_start3A_302, %dma_start3A_303, %dma_start3A_304] : memref<5x8x1x8x129xf32, #tpu.memory_space<vmem>> -> memref<1x8x1x8x128xf32, #tpu.memory_space<vmem>>
      %dma_start3A_306 = tpu.memref_squeeze %dma_start3A_305 : memref<1x8x1x8x128xf32, #tpu.memory_space<vmem>> -> memref<8x1x8x128xf32, #tpu.memory_space<vmem>>
      tpu.enqueue_dma source(%dma_start3A_306 : memref<8x1x8x128xf32, #tpu.memory_space<vmem>>) target(%dma_start3A_300 : memref<8x1x8x128xf32, #tpu.memory_space<hbm>>) target_semaphore(%dma_start3A_296 : memref<!tpu.dma_semaphore, #tpu.memory_space<semaphore_mem>>)
      %lt3A = arith.constant 9 : i32
      %lt3A_307 = arith.cmpi slt, %scan3A_257, %lt3A : i32
      %convert_element_type3A_308 = arith.extui %lt3A_307 : i1 to i32
      %cond3A_309 = arith.constant 0 : i32
      %cond3A_310 = arith.cmpi ne, %convert_element_type3A_308, %cond3A_309 : i32
      scf.if %cond3A_310 {
        %add3A_543 = arith.constant 5 : i32
        %add3A_544 = arith.addi %add3A_261, %add3A_543 : i32
        %mul3A_545 = arith.constant 128 : i32
        %mul3A_546 = arith.muli %add3A_544, %mul3A_545 : i32
        %dma_start3A_547 = arith.constant 0 : i32
        %dma_start3A_548 = arith.constant 0 : i32
        %dma_start3A_549 = arith.constant 0 : i32
        %dma_start3A_550 = arith.constant 0 : i32
        %dma_start3A_551 = tpu.memref_slice %arg6[%dma_start3A_547, %dma_start3A_549, %dma_start3A_550] : memref<5x128x80xf32, #tpu.memory_space<vmem>> -> memref<1x128x80xf32, #tpu.memory_space<vmem>>
        %dma_start3A_552 = tpu.memref_squeeze %dma_start3A_551 : memref<1x128x80xf32, #tpu.memory_space<vmem>> -> memref<128x80xf32, #tpu.memory_space<vmem>>
        %dma_start3A_553 = tpu.memref_slice %arg5[%mul3A_546] : memref<6400xi32, #tpu.memory_space<vmem>> -> memref<128xi32, #tpu.memory_space<vmem>>
        %dma_start3A_554 = arith.constant 0 : i32
        %dma_start3A_555 = arith.constant 0 : i32
        %dma_start3A_556 = tpu.memref_slice %arg3[%dma_start3A_554, %dma_start3A_555] : memref<100000x80xf32, #tpu.memory_space<hbm>> -> memref<100000x80xf32, #tpu.memory_space<hbm>>
        %dma_start3A_557 = tpu.memref_slice %arg8[%dma_start3A_548] : memref<5x!tpu.dma_semaphore, #tpu.memory_space<semaphore_mem>> -> memref<1x!tpu.dma_semaphore, #tpu.memory_space<semaphore_mem>>
        %dma_start3A_558 = tpu.memref_squeeze %dma_start3A_557 : memref<1x!tpu.dma_semaphore, #tpu.memory_space<semaphore_mem>> -> memref<!tpu.dma_semaphore, #tpu.memory_space<semaphore_mem>>
        tpu.enqueue_indirect_dma source(%dma_start3A_556 : memref<100000x80xf32, #tpu.memory_space<hbm>>) target(%dma_start3A_552 : memref<128x80xf32, #tpu.memory_space<vmem>>) offsets(%dma_start3A_553 : memref<128xi32, #tpu.memory_space<vmem>>) semaphore(%dma_start3A_558 : memref<!tpu.dma_semaphore, #tpu.memory_space<semaphore_mem>>)
      } else {
      }
      %mul3A_311 = arith.constant 5 : i32
      %mul3A_312 = arith.muli %mul3A_311, %scan3A_257 : i32
      %add3A_313 = arith.constant 1 : i32
      %add3A_314 = arith.addi %mul3A_312, %add3A_313 : i32
      %mul3A_315 = arith.constant 128 : i32
      %mul3A_316 = arith.muli %add3A_314, %mul3A_315 : i32
      %dma_wait3A_317 = arith.constant 1 : i32
      %dma_wait3A_318 = arith.constant 1 : i32
      %dma_wait3A_319 = arith.constant 0 : i32
      %dma_wait3A_320 = arith.constant 0 : i32
      %dma_wait3A_321 = tpu.memref_slice %arg6[%dma_wait3A_317, %dma_wait3A_319, %dma_wait3A_320] : memref<5x128x80xf32, #tpu.memory_space<vmem>> -> memref<1x128x80xf32, #tpu.memory_space<vmem>>
      %dma_wait3A_322 = tpu.memref_squeeze %dma_wait3A_321 : memref<1x128x80xf32, #tpu.memory_space<vmem>> -> memref<128x80xf32, #tpu.memory_space<vmem>>
      %dma_wait3A_323 = tpu.memref_slice %arg5[%mul3A_316] : memref<6400xi32, #tpu.memory_space<vmem>> -> memref<128xi32, #tpu.memory_space<vmem>>
      %dma_wait3A_324 = arith.constant 0 : i32
      %dma_wait3A_325 = arith.constant 0 : i32
      %dma_wait3A_326 = tpu.memref_slice %arg3[%dma_wait3A_324, %dma_wait3A_325] : memref<100000x80xf32, #tpu.memory_space<hbm>> -> memref<100000x80xf32, #tpu.memory_space<hbm>>
      %dma_wait3A_327 = tpu.memref_slice %arg8[%dma_wait3A_318] : memref<5x!tpu.dma_semaphore, #tpu.memory_space<semaphore_mem>> -> memref<1x!tpu.dma_semaphore, #tpu.memory_space<semaphore_mem>>
      %dma_wait3A_328 = tpu.memref_squeeze %dma_wait3A_327 : memref<1x!tpu.dma_semaphore, #tpu.memory_space<semaphore_mem>> -> memref<!tpu.dma_semaphore, #tpu.memory_space<semaphore_mem>>
      tpu.wait_indirect_dma semaphore(%dma_wait3A_328 : memref<!tpu.dma_semaphore, #tpu.memory_space<semaphore_mem>>) src(%dma_wait3A_326 : memref<100000x80xf32, #tpu.memory_space<hbm>>) dst(%dma_wait3A_322 : memref<128x80xf32, #tpu.memory_space<vmem>>)
      %gt3A_329 = arith.constant 0 : i32
      %gt3A_330 = arith.cmpi sgt, %scan3A_257, %gt3A_329 : i32
      %convert_element_type3A_331 = arith.extui %gt3A_330 : i1 to i32
      %cond3A_332 = arith.constant 0 : i32
      %cond3A_333 = arith.cmpi ne, %convert_element_type3A_331, %cond3A_332 : i32
      scf.if %cond3A_333 {
        %add3A_543 = arith.addi %mul3A_2, %add3A_314 : i32
        %sub3A_544 = arith.constant 5 : i32
        %sub3A_545 = arith.subi %add3A_543, %sub3A_544 : i32
        %dma_wait3A_546 = arith.constant 1 : i32
        %dma_wait3A_547 = arith.constant 1 : i32
        %dma_wait3A_548 = arith.constant 0 : i32
        %dma_wait3A_549 = arith.constant 0 : i32
        %dma_wait3A_550 = arith.constant 0 : i32
        %dma_wait3A_551 = arith.constant 0 : i32
        %dma_wait3A_552 = tpu.memref_slice %arg7[%dma_wait3A_546, %dma_wait3A_548, %dma_wait3A_549, %dma_wait3A_550, %dma_wait3A_551] : memref<5x8x1x8x129xf32, #tpu.memory_space<vmem>> -> memref<1x8x1x8x128xf32, #tpu.memory_space<vmem>>
        %dma_wait3A_553 = tpu.memref_squeeze %dma_wait3A_552 : memref<1x8x1x8x128xf32, #tpu.memory_space<vmem>> -> memref<8x1x8x128xf32, #tpu.memory_space<vmem>>
        %dma_wait3A_554 = arith.constant 0 : i32
        %dma_wait3A_555 = arith.constant 0 : i32
        %dma_wait3A_556 = arith.constant 0 : i32
        %dma_wait3A_557 = tpu.memref_slice %arg4[%dma_wait3A_554, %sub3A_545, %dma_wait3A_555, %dma_wait3A_556] : memref<8x1600x8x128xf32, #tpu.memory_space<hbm>> -> memref<8x1x8x128xf32, #tpu.memory_space<hbm>>
        %dma_wait3A_558 = tpu.memref_slice %arg9[%dma_wait3A_547] : memref<5x!tpu.dma_semaphore, #tpu.memory_space<semaphore_mem>> -> memref<1x!tpu.dma_semaphore, #tpu.memory_space<semaphore_mem>>
        %dma_wait3A_559 = tpu.memref_squeeze %dma_wait3A_558 : memref<1x!tpu.dma_semaphore, #tpu.memory_space<semaphore_mem>> -> memref<!tpu.dma_semaphore, #tpu.memory_space<semaphore_mem>>
        %dma_wait3A_560 = arith.constant 0 : i32
        %dma_wait3A_561 = arith.constant 0 : i32
        %dma_wait3A_562 = arith.constant 0 : i32
        %dma_wait3A_563 = tpu.memref_slice %arg4[%dma_wait3A_560, %sub3A_545, %dma_wait3A_561, %dma_wait3A_562] : memref<8x1600x8x128xf32, #tpu.memory_space<hbm>> -> memref<8x1x8x128xf32, #tpu.memory_space<hbm>>
        %dma_wait3A_564 = arith.constant 0 : i32
        %dma_wait3A_565 = arith.constant 0 : i32
        %dma_wait3A_566 = arith.constant 0 : i32
        %dma_wait3A_567 = arith.constant 0 : i32
        %dma_wait3A_568 = tpu.memref_slice %arg7[%dma_wait3A_546, %dma_wait3A_564, %dma_wait3A_565, %dma_wait3A_566, %dma_wait3A_567] : memref<5x8x1x8x129xf32, #tpu.memory_space<vmem>> -> memref<1x8x1x8x128xf32, #tpu.memory_space<vmem>>
        %dma_wait3A_569 = tpu.memref_squeeze %dma_wait3A_568 : memref<1x8x1x8x128xf32, #tpu.memory_space<vmem>> -> memref<8x1x8x128xf32, #tpu.memory_space<vmem>>
        tpu.wait_dma2 semaphore(%dma_wait3A_559 : memref<!tpu.dma_semaphore, #tpu.memory_space<semaphore_mem>>) src(%dma_wait3A_569 : memref<8x1x8x128xf32, #tpu.memory_space<vmem>>) dst(%dma_wait3A_563 : memref<8x1x8x128xf32, #tpu.memory_space<hbm>>)
      } else {
      }
      %parallel_loop3A_334 = arith.constant 0 : i32
      %parallel_loop3A_335 = arith.constant 128 : i32
      %parallel_loop3A_336 = arith.constant 1 : i32
      %parallel_loop3A_337 = arith.constant 1 : i32
      %parallel_loop3A_338 = arith.constant 1 : i32
      scf.for %parallel_loop3A_543 = %parallel_loop3A_334 to %parallel_loop3A_335 step %parallel_loop3A_336  : i32 {
        %parallel_loop3A_544 = vector.broadcast %parallel_loop3A_543 : i32 to vector<16xi32>
        %parallel_loop3A_545 = arith.constant 0 : i32
        %parallel_loop3A_546 = arith.constant 0 : i32
        %parallel_loop3A_547 = tpu.memref_slice %arg6[%parallel_loop3A_337, %parallel_loop3A_545, %parallel_loop3A_546] : memref<5x128x80xf32, #tpu.memory_space<vmem>> -> memref<1x128x80xf32, #tpu.memory_space<vmem>>
        %parallel_loop3A_548 = tpu.memref_squeeze %parallel_loop3A_547 : memref<1x128x80xf32, #tpu.memory_space<vmem>> -> memref<128x80xf32, #tpu.memory_space<vmem>>
        %parallel_loop3A_549 = arith.index_cast %parallel_loop3A_543 : i32 to index
        %parallel_loop3A_550 = arith.constant 0 : index
        %parallel_loop3A_551 = tpu.vector_load %parallel_loop3A_548[%parallel_loop3A_549, %parallel_loop3A_550] {strides = array<i32>} : memref<128x80xf32, #tpu.memory_space<vmem>>, vector<16xf32>,
        %parallel_loop3A_552 = arith.constant 0 : i32
        %parallel_loop3A_553 = arith.constant 0 : i32
        %parallel_loop3A_554 = arith.constant 0 : i32
        %parallel_loop3A_555 = arith.constant 0 : i32
        %parallel_loop3A_556 = tpu.memref_slice %arg7[%parallel_loop3A_338, %parallel_loop3A_552, %parallel_loop3A_553, %parallel_loop3A_554, %parallel_loop3A_555] : memref<5x8x1x8x129xf32, #tpu.memory_space<vmem>> -> memref<1x8x1x8x129xf32, #tpu.memory_space<vmem>>
        %parallel_loop3A_557 = tpu.memref_squeeze %parallel_loop3A_556 : memref<1x8x1x8x129xf32, #tpu.memory_space<vmem>> -> memref<8x1x8x129xf32, #tpu.memory_space<vmem>>
        tpu.vector_store_idx %parallel_loop3A_557[%shift_right_logical3A_10, %broadcast_in_dim3A_5, %and3A_12, %parallel_loop3A_544], %parallel_loop3A_551 : memref<8x1x8x129xf32, #tpu.memory_space<vmem>>[vector<16xi32>, vector<16xi32>, vector<16xi32>, vector<16xi32>], vector<16xf32>,
        %parallel_loop3A_558 = arith.constant 0 : i32
        %parallel_loop3A_559 = arith.constant 0 : i32
        %parallel_loop3A_560 = tpu.memref_slice %arg6[%parallel_loop3A_337, %parallel_loop3A_558, %parallel_loop3A_559] : memref<5x128x80xf32, #tpu.memory_space<vmem>> -> memref<1x128x80xf32, #tpu.memory_space<vmem>>
        %parallel_loop3A_561 = tpu.memref_squeeze %parallel_loop3A_560 : memref<1x128x80xf32, #tpu.memory_space<vmem>> -> memref<128x80xf32, #tpu.memory_space<vmem>>
        %parallel_loop3A_562 = arith.index_cast %parallel_loop3A_543 : i32 to index
        %parallel_loop3A_563 = arith.constant 16 : index
        %parallel_loop3A_564 = tpu.vector_load %parallel_loop3A_561[%parallel_loop3A_562, %parallel_loop3A_563] {strides = array<i32>} : memref<128x80xf32, #tpu.memory_space<vmem>>, vector<16xf32>,
        %parallel_loop3A_565 = arith.constant 0 : i32
        %parallel_loop3A_566 = arith.constant 0 : i32
        %parallel_loop3A_567 = arith.constant 0 : i32
        %parallel_loop3A_568 = arith.constant 0 : i32
        %parallel_loop3A_569 = tpu.memref_slice %arg7[%parallel_loop3A_338, %parallel_loop3A_565, %parallel_loop3A_566, %parallel_loop3A_567, %parallel_loop3A_568] : memref<5x8x1x8x129xf32, #tpu.memory_space<vmem>> -> memref<1x8x1x8x129xf32, #tpu.memory_space<vmem>>
        %parallel_loop3A_570 = tpu.memref_squeeze %parallel_loop3A_569 : memref<1x8x1x8x129xf32, #tpu.memory_space<vmem>> -> memref<8x1x8x129xf32, #tpu.memory_space<vmem>>
        tpu.vector_store_idx %parallel_loop3A_570[%shift_right_logical3A_18, %broadcast_in_dim3A_5, %and3A_21, %parallel_loop3A_544], %parallel_loop3A_564 : memref<8x1x8x129xf32, #tpu.memory_space<vmem>>[vector<16xi32>, vector<16xi32>, vector<16xi32>, vector<16xi32>], vector<16xf32>,
        %parallel_loop3A_571 = arith.constant 0 : i32
        %parallel_loop3A_572 = arith.constant 0 : i32
        %parallel_loop3A_573 = tpu.memref_slice %arg6[%parallel_loop3A_337, %parallel_loop3A_571, %parallel_loop3A_572] : memref<5x128x80xf32, #tpu.memory_space<vmem>> -> memref<1x128x80xf32, #tpu.memory_space<vmem>>
        %parallel_loop3A_574 = tpu.memref_squeeze %parallel_loop3A_573 : memref<1x128x80xf32, #tpu.memory_space<vmem>> -> memref<128x80xf32, #tpu.memory_space<vmem>>
        %parallel_loop3A_575 = arith.index_cast %parallel_loop3A_543 : i32 to index
        %parallel_loop3A_576 = arith.constant 32 : index
        %parallel_loop3A_577 = tpu.vector_load %parallel_loop3A_574[%parallel_loop3A_575, %parallel_loop3A_576] {strides = array<i32>} : memref<128x80xf32, #tpu.memory_space<vmem>>, vector<16xf32>,
        %parallel_loop3A_578 = arith.constant 0 : i32
        %parallel_loop3A_579 = arith.constant 0 : i32
        %parallel_loop3A_580 = arith.constant 0 : i32
        %parallel_loop3A_581 = arith.constant 0 : i32
        %parallel_loop3A_582 = tpu.memref_slice %arg7[%parallel_loop3A_338, %parallel_loop3A_578, %parallel_loop3A_579, %parallel_loop3A_580, %parallel_loop3A_581] : memref<5x8x1x8x129xf32, #tpu.memory_space<vmem>> -> memref<1x8x1x8x129xf32, #tpu.memory_space<vmem>>
        %parallel_loop3A_583 = tpu.memref_squeeze %parallel_loop3A_582 : memref<1x8x1x8x129xf32, #tpu.memory_space<vmem>> -> memref<8x1x8x129xf32, #tpu.memory_space<vmem>>
        tpu.vector_store_idx %parallel_loop3A_583[%shift_right_logical3A_27, %broadcast_in_dim3A_5, %and3A_30, %parallel_loop3A_544], %parallel_loop3A_577 : memref<8x1x8x129xf32, #tpu.memory_space<vmem>>[vector<16xi32>, vector<16xi32>, vector<16xi32>, vector<16xi32>], vector<16xf32>,
        %parallel_loop3A_584 = arith.constant 0 : i32
        %parallel_loop3A_585 = arith.constant 0 : i32
        %parallel_loop3A_586 = tpu.memref_slice %arg6[%parallel_loop3A_337, %parallel_loop3A_584, %parallel_loop3A_585] : memref<5x128x80xf32, #tpu.memory_space<vmem>> -> memref<1x128x80xf32, #tpu.memory_space<vmem>>
        %parallel_loop3A_587 = tpu.memref_squeeze %parallel_loop3A_586 : memref<1x128x80xf32, #tpu.memory_space<vmem>> -> memref<128x80xf32, #tpu.memory_space<vmem>>
        %parallel_loop3A_588 = arith.index_cast %parallel_loop3A_543 : i32 to index
        %parallel_loop3A_589 = arith.constant 48 : index
        %parallel_loop3A_590 = tpu.vector_load %parallel_loop3A_587[%parallel_loop3A_588, %parallel_loop3A_589] {strides = array<i32>} : memref<128x80xf32, #tpu.memory_space<vmem>>, vector<16xf32>,
        %parallel_loop3A_591 = arith.constant 0 : i32
        %parallel_loop3A_592 = arith.constant 0 : i32
        %parallel_loop3A_593 = arith.constant 0 : i32
        %parallel_loop3A_594 = arith.constant 0 : i32
        %parallel_loop3A_595 = tpu.memref_slice %arg7[%parallel_loop3A_338, %parallel_loop3A_591, %parallel_loop3A_592, %parallel_loop3A_593, %parallel_loop3A_594] : memref<5x8x1x8x129xf32, #tpu.memory_space<vmem>> -> memref<1x8x1x8x129xf32, #tpu.memory_space<vmem>>
        %parallel_loop3A_596 = tpu.memref_squeeze %parallel_loop3A_595 : memref<1x8x1x8x129xf32, #tpu.memory_space<vmem>> -> memref<8x1x8x129xf32, #tpu.memory_space<vmem>>
        tpu.vector_store_idx %parallel_loop3A_596[%shift_right_logical3A_36, %broadcast_in_dim3A_5, %and3A_39, %parallel_loop3A_544], %parallel_loop3A_590 : memref<8x1x8x129xf32, #tpu.memory_space<vmem>>[vector<16xi32>, vector<16xi32>, vector<16xi32>, vector<16xi32>], vector<16xf32>,
      } {sc.loop_unroll_factor = 8 : i64, sc.parallel_access}
      %add3A_339 = arith.addi %mul3A_2, %add3A_314 : i32
      %dma_start3A_340 = arith.constant 1 : i32
      %dma_start3A_341 = arith.constant 1 : i32
      %dma_start3A_342 = arith.constant 0 : i32
      %dma_start3A_343 = arith.constant 0 : i32
      %dma_start3A_344 = arith.constant 0 : i32
      %dma_start3A_345 = arith.constant 0 : i32
      %dma_start3A_346 = tpu.memref_slice %arg7[%dma_start3A_340, %dma_start3A_342, %dma_start3A_343, %dma_start3A_344, %dma_start3A_345] : memref<5x8x1x8x129xf32, #tpu.memory_space<vmem>> -> memref<1x8x1x8x128xf32, #tpu.memory_space<vmem>>
      %dma_start3A_347 = tpu.memref_squeeze %dma_start3A_346 : memref<1x8x1x8x128xf32, #tpu.memory_space<vmem>> -> memref<8x1x8x128xf32, #tpu.memory_space<vmem>>
      %dma_start3A_348 = arith.constant 0 : i32
      %dma_start3A_349 = arith.constant 0 : i32
      %dma_start3A_350 = arith.constant 0 : i32
      %dma_start3A_351 = tpu.memref_slice %arg4[%dma_start3A_348, %add3A_339, %dma_start3A_349, %dma_start3A_350] : memref<8x1600x8x128xf32, #tpu.memory_space<hbm>> -> memref<8x1x8x128xf32, #tpu.memory_space<hbm>>
      %dma_start3A_352 = tpu.memref_slice %arg9[%dma_start3A_341] : memref<5x!tpu.dma_semaphore, #tpu.memory_space<semaphore_mem>> -> memref<1x!tpu.dma_semaphore, #tpu.memory_space<semaphore_mem>>
      %dma_start3A_353 = tpu.memref_squeeze %dma_start3A_352 : memref<1x!tpu.dma_semaphore, #tpu.memory_space<semaphore_mem>> -> memref<!tpu.dma_semaphore, #tpu.memory_space<semaphore_mem>>
      %dma_start3A_354 = arith.constant 0 : i32
      %dma_start3A_355 = arith.constant 0 : i32
      %dma_start3A_356 = arith.constant 0 : i32
      %dma_start3A_357 = tpu.memref_slice %arg4[%dma_start3A_354, %add3A_339, %dma_start3A_355, %dma_start3A_356] : memref<8x1600x8x128xf32, #tpu.memory_space<hbm>> -> memref<8x1x8x128xf32, #tpu.memory_space<hbm>>
      %dma_start3A_358 = arith.constant 0 : i32
      %dma_start3A_359 = arith.constant 0 : i32
      %dma_start3A_360 = arith.constant 0 : i32
      %dma_start3A_361 = arith.constant 0 : i32
      %dma_start3A_362 = tpu.memref_slice %arg7[%dma_start3A_340, %dma_start3A_358, %dma_start3A_359, %dma_start3A_360, %dma_start3A_361] : memref<5x8x1x8x129xf32, #tpu.memory_space<vmem>> -> memref<1x8x1x8x128xf32, #tpu.memory_space<vmem>>
      %dma_start3A_363 = tpu.memref_squeeze %dma_start3A_362 : memref<1x8x1x8x128xf32, #tpu.memory_space<vmem>> -> memref<8x1x8x128xf32, #tpu.memory_space<vmem>>
      tpu.enqueue_dma source(%dma_start3A_363 : memref<8x1x8x128xf32, #tpu.memory_space<vmem>>) target(%dma_start3A_357 : memref<8x1x8x128xf32, #tpu.memory_space<hbm>>) target_semaphore(%dma_start3A_353 : memref<!tpu.dma_semaphore, #tpu.memory_space<semaphore_mem>>)
      %lt3A_364 = arith.constant 9 : i32
      %lt3A_365 = arith.cmpi slt, %scan3A_257, %lt3A_364 : i32
      %convert_element_type3A_366 = arith.extui %lt3A_365 : i1 to i32
      %cond3A_367 = arith.constant 0 : i32
      %cond3A_368 = arith.cmpi ne, %convert_element_type3A_366, %cond3A_367 : i32
      scf.if %cond3A_368 {
        %add3A_543 = arith.constant 5 : i32
        %add3A_544 = arith.addi %add3A_314, %add3A_543 : i32
        %mul3A_545 = arith.constant 128 : i32
        %mul3A_546 = arith.muli %add3A_544, %mul3A_545 : i32
        %dma_start3A_547 = arith.constant 1 : i32
        %dma_start3A_548 = arith.constant 1 : i32
        %dma_start3A_549 = arith.constant 0 : i32
        %dma_start3A_550 = arith.constant 0 : i32
        %dma_start3A_551 = tpu.memref_slice %arg6[%dma_start3A_547, %dma_start3A_549, %dma_start3A_550] : memref<5x128x80xf32, #tpu.memory_space<vmem>> -> memref<1x128x80xf32, #tpu.memory_space<vmem>>
        %dma_start3A_552 = tpu.memref_squeeze %dma_start3A_551 : memref<1x128x80xf32, #tpu.memory_space<vmem>> -> memref<128x80xf32, #tpu.memory_space<vmem>>
        %dma_start3A_553 = tpu.memref_slice %arg5[%mul3A_546] : memref<6400xi32, #tpu.memory_space<vmem>> -> memref<128xi32, #tpu.memory_space<vmem>>
        %dma_start3A_554 = arith.constant 0 : i32
        %dma_start3A_555 = arith.constant 0 : i32
        %dma_start3A_556 = tpu.memref_slice %arg3[%dma_start3A_554, %dma_start3A_555] : memref<100000x80xf32, #tpu.memory_space<hbm>> -> memref<100000x80xf32, #tpu.memory_space<hbm>>
        %dma_start3A_557 = tpu.memref_slice %arg8[%dma_start3A_548] : memref<5x!tpu.dma_semaphore, #tpu.memory_space<semaphore_mem>> -> memref<1x!tpu.dma_semaphore, #tpu.memory_space<semaphore_mem>>
        %dma_start3A_558 = tpu.memref_squeeze %dma_start3A_557 : memref<1x!tpu.dma_semaphore, #tpu.memory_space<semaphore_mem>> -> memref<!tpu.dma_semaphore, #tpu.memory_space<semaphore_mem>>
        tpu.enqueue_indirect_dma source(%dma_start3A_556 : memref<100000x80xf32, #tpu.memory_space<hbm>>) target(%dma_start3A_552 : memref<128x80xf32, #tpu.memory_space<vmem>>) offsets(%dma_start3A_553 : memref<128xi32, #tpu.memory_space<vmem>>) semaphore(%dma_start3A_558 : memref<!tpu.dma_semaphore, #tpu.memory_space<semaphore_mem>>)
      } else {
      }
      %mul3A_369 = arith.constant 5 : i32
      %mul3A_370 = arith.muli %mul3A_369, %scan3A_257 : i32
      %add3A_371 = arith.constant 2 : i32
      %add3A_372 = arith.addi %mul3A_370, %add3A_371 : i32
      %mul3A_373 = arith.constant 128 : i32
      %mul3A_374 = arith.muli %add3A_372, %mul3A_373 : i32
      %dma_wait3A_375 = arith.constant 2 : i32
      %dma_wait3A_376 = arith.constant 2 : i32
      %dma_wait3A_377 = arith.constant 0 : i32
      %dma_wait3A_378 = arith.constant 0 : i32
      %dma_wait3A_379 = tpu.memref_slice %arg6[%dma_wait3A_375, %dma_wait3A_377, %dma_wait3A_378] : memref<5x128x80xf32, #tpu.memory_space<vmem>> -> memref<1x128x80xf32, #tpu.memory_space<vmem>>
      %dma_wait3A_380 = tpu.memref_squeeze %dma_wait3A_379 : memref<1x128x80xf32, #tpu.memory_space<vmem>> -> memref<128x80xf32, #tpu.memory_space<vmem>>
      %dma_wait3A_381 = tpu.memref_slice %arg5[%mul3A_374] : memref<6400xi32, #tpu.memory_space<vmem>> -> memref<128xi32, #tpu.memory_space<vmem>>
      %dma_wait3A_382 = arith.constant 0 : i32
      %dma_wait3A_383 = arith.constant 0 : i32
      %dma_wait3A_384 = tpu.memref_slice %arg3[%dma_wait3A_382, %dma_wait3A_383] : memref<100000x80xf32, #tpu.memory_space<hbm>> -> memref<100000x80xf32, #tpu.memory_space<hbm>>
      %dma_wait3A_385 = tpu.memref_slice %arg8[%dma_wait3A_376] : memref<5x!tpu.dma_semaphore, #tpu.memory_space<semaphore_mem>> -> memref<1x!tpu.dma_semaphore, #tpu.memory_space<semaphore_mem>>
      %dma_wait3A_386 = tpu.memref_squeeze %dma_wait3A_385 : memref<1x!tpu.dma_semaphore, #tpu.memory_space<semaphore_mem>> -> memref<!tpu.dma_semaphore, #tpu.memory_space<semaphore_mem>>
      tpu.wait_indirect_dma semaphore(%dma_wait3A_386 : memref<!tpu.dma_semaphore, #tpu.memory_space<semaphore_mem>>) src(%dma_wait3A_384 : memref<100000x80xf32, #tpu.memory_space<hbm>>) dst(%dma_wait3A_380 : memref<128x80xf32, #tpu.memory_space<vmem>>)
      %gt3A_387 = arith.constant 0 : i32
      %gt3A_388 = arith.cmpi sgt, %scan3A_257, %gt3A_387 : i32
      %convert_element_type3A_389 = arith.extui %gt3A_388 : i1 to i32
      %cond3A_390 = arith.constant 0 : i32
      %cond3A_391 = arith.cmpi ne, %convert_element_type3A_389, %cond3A_390 : i32
      scf.if %cond3A_391 {
        %add3A_543 = arith.addi %mul3A_2, %add3A_372 : i32
        %sub3A_544 = arith.constant 5 : i32
        %sub3A_545 = arith.subi %add3A_543, %sub3A_544 : i32
        %dma_wait3A_546 = arith.constant 2 : i32
        %dma_wait3A_547 = arith.constant 2 : i32
        %dma_wait3A_548 = arith.constant 0 : i32
        %dma_wait3A_549 = arith.constant 0 : i32
        %dma_wait3A_550 = arith.constant 0 : i32
        %dma_wait3A_551 = arith.constant 0 : i32
        %dma_wait3A_552 = tpu.memref_slice %arg7[%dma_wait3A_546, %dma_wait3A_548, %dma_wait3A_549, %dma_wait3A_550, %dma_wait3A_551] : memref<5x8x1x8x129xf32, #tpu.memory_space<vmem>> -> memref<1x8x1x8x128xf32, #tpu.memory_space<vmem>>
        %dma_wait3A_553 = tpu.memref_squeeze %dma_wait3A_552 : memref<1x8x1x8x128xf32, #tpu.memory_space<vmem>> -> memref<8x1x8x128xf32, #tpu.memory_space<vmem>>
        %dma_wait3A_554 = arith.constant 0 : i32
        %dma_wait3A_555 = arith.constant 0 : i32
        %dma_wait3A_556 = arith.constant 0 : i32
        %dma_wait3A_557 = tpu.memref_slice %arg4[%dma_wait3A_554, %sub3A_545, %dma_wait3A_555, %dma_wait3A_556] : memref<8x1600x8x128xf32, #tpu.memory_space<hbm>> -> memref<8x1x8x128xf32, #tpu.memory_space<hbm>>
        %dma_wait3A_558 = tpu.memref_slice %arg9[%dma_wait3A_547] : memref<5x!tpu.dma_semaphore, #tpu.memory_space<semaphore_mem>> -> memref<1x!tpu.dma_semaphore, #tpu.memory_space<semaphore_mem>>
        %dma_wait3A_559 = tpu.memref_squeeze %dma_wait3A_558 : memref<1x!tpu.dma_semaphore, #tpu.memory_space<semaphore_mem>> -> memref<!tpu.dma_semaphore, #tpu.memory_space<semaphore_mem>>
        %dma_wait3A_560 = arith.constant 0 : i32
        %dma_wait3A_561 = arith.constant 0 : i32
        %dma_wait3A_562 = arith.constant 0 : i32
        %dma_wait3A_563 = tpu.memref_slice %arg4[%dma_wait3A_560, %sub3A_545, %dma_wait3A_561, %dma_wait3A_562] : memref<8x1600x8x128xf32, #tpu.memory_space<hbm>> -> memref<8x1x8x128xf32, #tpu.memory_space<hbm>>
        %dma_wait3A_564 = arith.constant 0 : i32
        %dma_wait3A_565 = arith.constant 0 : i32
        %dma_wait3A_566 = arith.constant 0 : i32
        %dma_wait3A_567 = arith.constant 0 : i32
        %dma_wait3A_568 = tpu.memref_slice %arg7[%dma_wait3A_546, %dma_wait3A_564, %dma_wait3A_565, %dma_wait3A_566, %dma_wait3A_567] : memref<5x8x1x8x129xf32, #tpu.memory_space<vmem>> -> memref<1x8x1x8x128xf32, #tpu.memory_space<vmem>>
        %dma_wait3A_569 = tpu.memref_squeeze %dma_wait3A_568 : memref<1x8x1x8x128xf32, #tpu.memory_space<vmem>> -> memref<8x1x8x128xf32, #tpu.memory_space<vmem>>
        tpu.wait_dma2 semaphore(%dma_wait3A_559 : memref<!tpu.dma_semaphore, #tpu.memory_space<semaphore_mem>>) src(%dma_wait3A_569 : memref<8x1x8x128xf32, #tpu.memory_space<vmem>>) dst(%dma_wait3A_563 : memref<8x1x8x128xf32, #tpu.memory_space<hbm>>)
      } else {
      }
      %parallel_loop3A_392 = arith.constant 0 : i32
      %parallel_loop3A_393 = arith.constant 128 : i32
      %parallel_loop3A_394 = arith.constant 1 : i32
      %parallel_loop3A_395 = arith.constant 2 : i32
      %parallel_loop3A_396 = arith.constant 2 : i32
      scf.for %parallel_loop3A_543 = %parallel_loop3A_392 to %parallel_loop3A_393 step %parallel_loop3A_394  : i32 {
        %parallel_loop3A_544 = vector.broadcast %parallel_loop3A_543 : i32 to vector<16xi32>
        %parallel_loop3A_545 = arith.constant 0 : i32
        %parallel_loop3A_546 = arith.constant 0 : i32
        %parallel_loop3A_547 = tpu.memref_slice %arg6[%parallel_loop3A_395, %parallel_loop3A_545, %parallel_loop3A_546] : memref<5x128x80xf32, #tpu.memory_space<vmem>> -> memref<1x128x80xf32, #tpu.memory_space<vmem>>
        %parallel_loop3A_548 = tpu.memref_squeeze %parallel_loop3A_547 : memref<1x128x80xf32, #tpu.memory_space<vmem>> -> memref<128x80xf32, #tpu.memory_space<vmem>>
        %parallel_loop3A_549 = arith.index_cast %parallel_loop3A_543 : i32 to index
        %parallel_loop3A_550 = arith.constant 0 : index
        %parallel_loop3A_551 = tpu.vector_load %parallel_loop3A_548[%parallel_loop3A_549, %parallel_loop3A_550] {strides = array<i32>} : memref<128x80xf32, #tpu.memory_space<vmem>>, vector<16xf32>,
        %parallel_loop3A_552 = arith.constant 0 : i32
        %parallel_loop3A_553 = arith.constant 0 : i32
        %parallel_loop3A_554 = arith.constant 0 : i32
        %parallel_loop3A_555 = arith.constant 0 : i32
        %parallel_loop3A_556 = tpu.memref_slice %arg7[%parallel_loop3A_396, %parallel_loop3A_552, %parallel_loop3A_553, %parallel_loop3A_554, %parallel_loop3A_555] : memref<5x8x1x8x129xf32, #tpu.memory_space<vmem>> -> memref<1x8x1x8x129xf32, #tpu.memory_space<vmem>>
        %parallel_loop3A_557 = tpu.memref_squeeze %parallel_loop3A_556 : memref<1x8x1x8x129xf32, #tpu.memory_space<vmem>> -> memref<8x1x8x129xf32, #tpu.memory_space<vmem>>
        tpu.vector_store_idx %parallel_loop3A_557[%shift_right_logical3A_10, %broadcast_in_dim3A_5, %and3A_12, %parallel_loop3A_544], %parallel_loop3A_551 : memref<8x1x8x129xf32, #tpu.memory_space<vmem>>[vector<16xi32>, vector<16xi32>, vector<16xi32>, vector<16xi32>], vector<16xf32>,
        %parallel_loop3A_558 = arith.constant 0 : i32
        %parallel_loop3A_559 = arith.constant 0 : i32
        %parallel_loop3A_560 = tpu.memref_slice %arg6[%parallel_loop3A_395, %parallel_loop3A_558, %parallel_loop3A_559] : memref<5x128x80xf32, #tpu.memory_space<vmem>> -> memref<1x128x80xf32, #tpu.memory_space<vmem>>
        %parallel_loop3A_561 = tpu.memref_squeeze %parallel_loop3A_560 : memref<1x128x80xf32, #tpu.memory_space<vmem>> -> memref<128x80xf32, #tpu.memory_space<vmem>>
        %parallel_loop3A_562 = arith.index_cast %parallel_loop3A_543 : i32 to index
        %parallel_loop3A_563 = arith.constant 16 : index
        %parallel_loop3A_564 = tpu.vector_load %parallel_loop3A_561[%parallel_loop3A_562, %parallel_loop3A_563] {strides = array<i32>} : memref<128x80xf32, #tpu.memory_space<vmem>>, vector<16xf32>,
        %parallel_loop3A_565 = arith.constant 0 : i32
        %parallel_loop3A_566 = arith.constant 0 : i32
        %parallel_loop3A_567 = arith.constant 0 : i32
        %parallel_loop3A_568 = arith.constant 0 : i32
        %parallel_loop3A_569 = tpu.memref_slice %arg7[%parallel_loop3A_396, %parallel_loop3A_565, %parallel_loop3A_566, %parallel_loop3A_567, %parallel_loop3A_568] : memref<5x8x1x8x129xf32, #tpu.memory_space<vmem>> -> memref<1x8x1x8x129xf32, #tpu.memory_space<vmem>>
        %parallel_loop3A_570 = tpu.memref_squeeze %parallel_loop3A_569 : memref<1x8x1x8x129xf32, #tpu.memory_space<vmem>> -> memref<8x1x8x129xf32, #tpu.memory_space<vmem>>
        tpu.vector_store_idx %parallel_loop3A_570[%shift_right_logical3A_18, %broadcast_in_dim3A_5, %and3A_21, %parallel_loop3A_544], %parallel_loop3A_564 : memref<8x1x8x129xf32, #tpu.memory_space<vmem>>[vector<16xi32>, vector<16xi32>, vector<16xi32>, vector<16xi32>], vector<16xf32>,
        %parallel_loop3A_571 = arith.constant 0 : i32
        %parallel_loop3A_572 = arith.constant 0 : i32
        %parallel_loop3A_573 = tpu.memref_slice %arg6[%parallel_loop3A_395, %parallel_loop3A_571, %parallel_loop3A_572] : memref<5x128x80xf32, #tpu.memory_space<vmem>> -> memref<1x128x80xf32, #tpu.memory_space<vmem>>
        %parallel_loop3A_574 = tpu.memref_squeeze %parallel_loop3A_573 : memref<1x128x80xf32, #tpu.memory_space<vmem>> -> memref<128x80xf32, #tpu.memory_space<vmem>>
        %parallel_loop3A_575 = arith.index_cast %parallel_loop3A_543 : i32 to index
        %parallel_loop3A_576 = arith.constant 32 : index
        %parallel_loop3A_577 = tpu.vector_load %parallel_loop3A_574[%parallel_loop3A_575, %parallel_loop3A_576] {strides = array<i32>} : memref<128x80xf32, #tpu.memory_space<vmem>>, vector<16xf32>,
        %parallel_loop3A_578 = arith.constant 0 : i32
        %parallel_loop3A_579 = arith.constant 0 : i32
        %parallel_loop3A_580 = arith.constant 0 : i32
        %parallel_loop3A_581 = arith.constant 0 : i32
        %parallel_loop3A_582 = tpu.memref_slice %arg7[%parallel_loop3A_396, %parallel_loop3A_578, %parallel_loop3A_579, %parallel_loop3A_580, %parallel_loop3A_581] : memref<5x8x1x8x129xf32, #tpu.memory_space<vmem>> -> memref<1x8x1x8x129xf32, #tpu.memory_space<vmem>>
        %parallel_loop3A_583 = tpu.memref_squeeze %parallel_loop3A_582 : memref<1x8x1x8x129xf32, #tpu.memory_space<vmem>> -> memref<8x1x8x129xf32, #tpu.memory_space<vmem>>
        tpu.vector_store_idx %parallel_loop3A_583[%shift_right_logical3A_27, %broadcast_in_dim3A_5, %and3A_30, %parallel_loop3A_544], %parallel_loop3A_577 : memref<8x1x8x129xf32, #tpu.memory_space<vmem>>[vector<16xi32>, vector<16xi32>, vector<16xi32>, vector<16xi32>], vector<16xf32>,
        %parallel_loop3A_584 = arith.constant 0 : i32
        %parallel_loop3A_585 = arith.constant 0 : i32
        %parallel_loop3A_586 = tpu.memref_slice %arg6[%parallel_loop3A_395, %parallel_loop3A_584, %parallel_loop3A_585] : memref<5x128x80xf32, #tpu.memory_space<vmem>> -> memref<1x128x80xf32, #tpu.memory_space<vmem>>
        %parallel_loop3A_587 = tpu.memref_squeeze %parallel_loop3A_586 : memref<1x128x80xf32, #tpu.memory_space<vmem>> -> memref<128x80xf32, #tpu.memory_space<vmem>>
        %parallel_loop3A_588 = arith.index_cast %parallel_loop3A_543 : i32 to index
        %parallel_loop3A_589 = arith.constant 48 : index
        %parallel_loop3A_590 = tpu.vector_load %parallel_loop3A_587[%parallel_loop3A_588, %parallel_loop3A_589] {strides = array<i32>} : memref<128x80xf32, #tpu.memory_space<vmem>>, vector<16xf32>,
        %parallel_loop3A_591 = arith.constant 0 : i32
        %parallel_loop3A_592 = arith.constant 0 : i32
        %parallel_loop3A_593 = arith.constant 0 : i32
        %parallel_loop3A_594 = arith.constant 0 : i32
        %parallel_loop3A_595 = tpu.memref_slice %arg7[%parallel_loop3A_396, %parallel_loop3A_591, %parallel_loop3A_592, %parallel_loop3A_593, %parallel_loop3A_594] : memref<5x8x1x8x129xf32, #tpu.memory_space<vmem>> -> memref<1x8x1x8x129xf32, #tpu.memory_space<vmem>>
        %parallel_loop3A_596 = tpu.memref_squeeze %parallel_loop3A_595 : memref<1x8x1x8x129xf32, #tpu.memory_space<vmem>> -> memref<8x1x8x129xf32, #tpu.memory_space<vmem>>
        tpu.vector_store_idx %parallel_loop3A_596[%shift_right_logical3A_36, %broadcast_in_dim3A_5, %and3A_39, %parallel_loop3A_544], %parallel_loop3A_590 : memref<8x1x8x129xf32, #tpu.memory_space<vmem>>[vector<16xi32>, vector<16xi32>, vector<16xi32>, vector<16xi32>], vector<16xf32>,
      } {sc.loop_unroll_factor = 8 : i64, sc.parallel_access}
      %add3A_397 = arith.addi %mul3A_2, %add3A_372 : i32
      %dma_start3A_398 = arith.constant 2 : i32
      %dma_start3A_399 = arith.constant 2 : i32
      %dma_start3A_400 = arith.constant 0 : i32
      %dma_start3A_401 = arith.constant 0 : i32
      %dma_start3A_402 = arith.constant 0 : i32
      %dma_start3A_403 = arith.constant 0 : i32
      %dma_start3A_404 = tpu.memref_slice %arg7[%dma_start3A_398, %dma_start3A_400, %dma_start3A_401, %dma_start3A_402, %dma_start3A_403] : memref<5x8x1x8x129xf32, #tpu.memory_space<vmem>> -> memref<1x8x1x8x128xf32, #tpu.memory_space<vmem>>
      %dma_start3A_405 = tpu.memref_squeeze %dma_start3A_404 : memref<1x8x1x8x128xf32, #tpu.memory_space<vmem>> -> memref<8x1x8x128xf32, #tpu.memory_space<vmem>>
      %dma_start3A_406 = arith.constant 0 : i32
      %dma_start3A_407 = arith.constant 0 : i32
      %dma_start3A_408 = arith.constant 0 : i32
      %dma_start3A_409 = tpu.memref_slice %arg4[%dma_start3A_406, %add3A_397, %dma_start3A_407, %dma_start3A_408] : memref<8x1600x8x128xf32, #tpu.memory_space<hbm>> -> memref<8x1x8x128xf32, #tpu.memory_space<hbm>>
      %dma_start3A_410 = tpu.memref_slice %arg9[%dma_start3A_399] : memref<5x!tpu.dma_semaphore, #tpu.memory_space<semaphore_mem>> -> memref<1x!tpu.dma_semaphore, #tpu.memory_space<semaphore_mem>>
      %dma_start3A_411 = tpu.memref_squeeze %dma_start3A_410 : memref<1x!tpu.dma_semaphore, #tpu.memory_space<semaphore_mem>> -> memref<!tpu.dma_semaphore, #tpu.memory_space<semaphore_mem>>
      %dma_start3A_412 = arith.constant 0 : i32
      %dma_start3A_413 = arith.constant 0 : i32
      %dma_start3A_414 = arith.constant 0 : i32
      %dma_start3A_415 = tpu.memref_slice %arg4[%dma_start3A_412, %add3A_397, %dma_start3A_413, %dma_start3A_414] : memref<8x1600x8x128xf32, #tpu.memory_space<hbm>> -> memref<8x1x8x128xf32, #tpu.memory_space<hbm>>
      %dma_start3A_416 = arith.constant 0 : i32
      %dma_start3A_417 = arith.constant 0 : i32
      %dma_start3A_418 = arith.constant 0 : i32
      %dma_start3A_419 = arith.constant 0 : i32
      %dma_start3A_420 = tpu.memref_slice %arg7[%dma_start3A_398, %dma_start3A_416, %dma_start3A_417, %dma_start3A_418, %dma_start3A_419] : memref<5x8x1x8x129xf32, #tpu.memory_space<vmem>> -> memref<1x8x1x8x128xf32, #tpu.memory_space<vmem>>
      %dma_start3A_421 = tpu.memref_squeeze %dma_start3A_420 : memref<1x8x1x8x128xf32, #tpu.memory_space<vmem>> -> memref<8x1x8x128xf32, #tpu.memory_space<vmem>>
      tpu.enqueue_dma source(%dma_start3A_421 : memref<8x1x8x128xf32, #tpu.memory_space<vmem>>) target(%dma_start3A_415 : memref<8x1x8x128xf32, #tpu.memory_space<hbm>>) target_semaphore(%dma_start3A_411 : memref<!tpu.dma_semaphore, #tpu.memory_space<semaphore_mem>>)
      %lt3A_422 = arith.constant 9 : i32
      %lt3A_423 = arith.cmpi slt, %scan3A_257, %lt3A_422 : i32
      %convert_element_type3A_424 = arith.extui %lt3A_423 : i1 to i32
      %cond3A_425 = arith.constant 0 : i32
      %cond3A_426 = arith.cmpi ne, %convert_element_type3A_424, %cond3A_425 : i32
      scf.if %cond3A_426 {
        %add3A_543 = arith.constant 5 : i32
        %add3A_544 = arith.addi %add3A_372, %add3A_543 : i32
        %mul3A_545 = arith.constant 128 : i32
        %mul3A_546 = arith.muli %add3A_544, %mul3A_545 : i32
        %dma_start3A_547 = arith.constant 2 : i32
        %dma_start3A_548 = arith.constant 2 : i32
        %dma_start3A_549 = arith.constant 0 : i32
        %dma_start3A_550 = arith.constant 0 : i32
        %dma_start3A_551 = tpu.memref_slice %arg6[%dma_start3A_547, %dma_start3A_549, %dma_start3A_550] : memref<5x128x80xf32, #tpu.memory_space<vmem>> -> memref<1x128x80xf32, #tpu.memory_space<vmem>>
        %dma_start3A_552 = tpu.memref_squeeze %dma_start3A_551 : memref<1x128x80xf32, #tpu.memory_space<vmem>> -> memref<128x80xf32, #tpu.memory_space<vmem>>
        %dma_start3A_553 = tpu.memref_slice %arg5[%mul3A_546] : memref<6400xi32, #tpu.memory_space<vmem>> -> memref<128xi32, #tpu.memory_space<vmem>>
        %dma_start3A_554 = arith.constant 0 : i32
        %dma_start3A_555 = arith.constant 0 : i32
        %dma_start3A_556 = tpu.memref_slice %arg3[%dma_start3A_554, %dma_start3A_555] : memref<100000x80xf32, #tpu.memory_space<hbm>> -> memref<100000x80xf32, #tpu.memory_space<hbm>>
        %dma_start3A_557 = tpu.memref_slice %arg8[%dma_start3A_548] : memref<5x!tpu.dma_semaphore, #tpu.memory_space<semaphore_mem>> -> memref<1x!tpu.dma_semaphore, #tpu.memory_space<semaphore_mem>>
        %dma_start3A_558 = tpu.memref_squeeze %dma_start3A_557 : memref<1x!tpu.dma_semaphore, #tpu.memory_space<semaphore_mem>> -> memref<!tpu.dma_semaphore, #tpu.memory_space<semaphore_mem>>
        tpu.enqueue_indirect_dma source(%dma_start3A_556 : memref<100000x80xf32, #tpu.memory_space<hbm>>) target(%dma_start3A_552 : memref<128x80xf32, #tpu.memory_space<vmem>>) offsets(%dma_start3A_553 : memref<128xi32, #tpu.memory_space<vmem>>) semaphore(%dma_start3A_558 : memref<!tpu.dma_semaphore, #tpu.memory_space<semaphore_mem>>)
      } else {
      }
      %mul3A_427 = arith.constant 5 : i32
      %mul3A_428 = arith.muli %mul3A_427, %scan3A_257 : i32
      %add3A_429 = arith.constant 3 : i32
      %add3A_430 = arith.addi %mul3A_428, %add3A_429 : i32
      %mul3A_431 = arith.constant 128 : i32
      %mul3A_432 = arith.muli %add3A_430, %mul3A_431 : i32
      %dma_wait3A_433 = arith.constant 3 : i32
      %dma_wait3A_434 = arith.constant 3 : i32
      %dma_wait3A_435 = arith.constant 0 : i32
      %dma_wait3A_436 = arith.constant 0 : i32
      %dma_wait3A_437 = tpu.memref_slice %arg6[%dma_wait3A_433, %dma_wait3A_435, %dma_wait3A_436] : memref<5x128x80xf32, #tpu.memory_space<vmem>> -> memref<1x128x80xf32, #tpu.memory_space<vmem>>
      %dma_wait3A_438 = tpu.memref_squeeze %dma_wait3A_437 : memref<1x128x80xf32, #tpu.memory_space<vmem>> -> memref<128x80xf32, #tpu.memory_space<vmem>>
      %dma_wait3A_439 = tpu.memref_slice %arg5[%mul3A_432] : memref<6400xi32, #tpu.memory_space<vmem>> -> memref<128xi32, #tpu.memory_space<vmem>>
      %dma_wait3A_440 = arith.constant 0 : i32
      %dma_wait3A_441 = arith.constant 0 : i32
      %dma_wait3A_442 = tpu.memref_slice %arg3[%dma_wait3A_440, %dma_wait3A_441] : memref<100000x80xf32, #tpu.memory_space<hbm>> -> memref<100000x80xf32, #tpu.memory_space<hbm>>
      %dma_wait3A_443 = tpu.memref_slice %arg8[%dma_wait3A_434] : memref<5x!tpu.dma_semaphore, #tpu.memory_space<semaphore_mem>> -> memref<1x!tpu.dma_semaphore, #tpu.memory_space<semaphore_mem>>
      %dma_wait3A_444 = tpu.memref_squeeze %dma_wait3A_443 : memref<1x!tpu.dma_semaphore, #tpu.memory_space<semaphore_mem>> -> memref<!tpu.dma_semaphore, #tpu.memory_space<semaphore_mem>>
      tpu.wait_indirect_dma semaphore(%dma_wait3A_444 : memref<!tpu.dma_semaphore, #tpu.memory_space<semaphore_mem>>) src(%dma_wait3A_442 : memref<100000x80xf32, #tpu.memory_space<hbm>>) dst(%dma_wait3A_438 : memref<128x80xf32, #tpu.memory_space<vmem>>)
      %gt3A_445 = arith.constant 0 : i32
      %gt3A_446 = arith.cmpi sgt, %scan3A_257, %gt3A_445 : i32
      %convert_element_type3A_447 = arith.extui %gt3A_446 : i1 to i32
      %cond3A_448 = arith.constant 0 : i32
      %cond3A_449 = arith.cmpi ne, %convert_element_type3A_447, %cond3A_448 : i32
      scf.if %cond3A_449 {
        %add3A_543 = arith.addi %mul3A_2, %add3A_430 : i32
        %sub3A_544 = arith.constant 5 : i32
        %sub3A_545 = arith.subi %add3A_543, %sub3A_544 : i32
        %dma_wait3A_546 = arith.constant 3 : i32
        %dma_wait3A_547 = arith.constant 3 : i32
        %dma_wait3A_548 = arith.constant 0 : i32
        %dma_wait3A_549 = arith.constant 0 : i32
        %dma_wait3A_550 = arith.constant 0 : i32
        %dma_wait3A_551 = arith.constant 0 : i32
        %dma_wait3A_552 = tpu.memref_slice %arg7[%dma_wait3A_546, %dma_wait3A_548, %dma_wait3A_549, %dma_wait3A_550, %dma_wait3A_551] : memref<5x8x1x8x129xf32, #tpu.memory_space<vmem>> -> memref<1x8x1x8x128xf32, #tpu.memory_space<vmem>>
        %dma_wait3A_553 = tpu.memref_squeeze %dma_wait3A_552 : memref<1x8x1x8x128xf32, #tpu.memory_space<vmem>> -> memref<8x1x8x128xf32, #tpu.memory_space<vmem>>
        %dma_wait3A_554 = arith.constant 0 : i32
        %dma_wait3A_555 = arith.constant 0 : i32
        %dma_wait3A_556 = arith.constant 0 : i32
        %dma_wait3A_557 = tpu.memref_slice %arg4[%dma_wait3A_554, %sub3A_545, %dma_wait3A_555, %dma_wait3A_556] : memref<8x1600x8x128xf32, #tpu.memory_space<hbm>> -> memref<8x1x8x128xf32, #tpu.memory_space<hbm>>
        %dma_wait3A_558 = tpu.memref_slice %arg9[%dma_wait3A_547] : memref<5x!tpu.dma_semaphore, #tpu.memory_space<semaphore_mem>> -> memref<1x!tpu.dma_semaphore, #tpu.memory_space<semaphore_mem>>
        %dma_wait3A_559 = tpu.memref_squeeze %dma_wait3A_558 : memref<1x!tpu.dma_semaphore, #tpu.memory_space<semaphore_mem>> -> memref<!tpu.dma_semaphore, #tpu.memory_space<semaphore_mem>>
        %dma_wait3A_560 = arith.constant 0 : i32
        %dma_wait3A_561 = arith.constant 0 : i32
        %dma_wait3A_562 = arith.constant 0 : i32
        %dma_wait3A_563 = tpu.memref_slice %arg4[%dma_wait3A_560, %sub3A_545, %dma_wait3A_561, %dma_wait3A_562] : memref<8x1600x8x128xf32, #tpu.memory_space<hbm>> -> memref<8x1x8x128xf32, #tpu.memory_space<hbm>>
        %dma_wait3A_564 = arith.constant 0 : i32
        %dma_wait3A_565 = arith.constant 0 : i32
        %dma_wait3A_566 = arith.constant 0 : i32
        %dma_wait3A_567 = arith.constant 0 : i32
        %dma_wait3A_568 = tpu.memref_slice %arg7[%dma_wait3A_546, %dma_wait3A_564, %dma_wait3A_565, %dma_wait3A_566, %dma_wait3A_567] : memref<5x8x1x8x129xf32, #tpu.memory_space<vmem>> -> memref<1x8x1x8x128xf32, #tpu.memory_space<vmem>>
        %dma_wait3A_569 = tpu.memref_squeeze %dma_wait3A_568 : memref<1x8x1x8x128xf32, #tpu.memory_space<vmem>> -> memref<8x1x8x128xf32, #tpu.memory_space<vmem>>
        tpu.wait_dma2 semaphore(%dma_wait3A_559 : memref<!tpu.dma_semaphore, #tpu.memory_space<semaphore_mem>>) src(%dma_wait3A_569 : memref<8x1x8x128xf32, #tpu.memory_space<vmem>>) dst(%dma_wait3A_563 : memref<8x1x8x128xf32, #tpu.memory_space<hbm>>)
      } else {
      }
      %parallel_loop3A_450 = arith.constant 0 : i32
      %parallel_loop3A_451 = arith.constant 128 : i32
      %parallel_loop3A_452 = arith.constant 1 : i32
      %parallel_loop3A_453 = arith.constant 3 : i32
      %parallel_loop3A_454 = arith.constant 3 : i32
      scf.for %parallel_loop3A_543 = %parallel_loop3A_450 to %parallel_loop3A_451 step %parallel_loop3A_452  : i32 {
        %parallel_loop3A_544 = vector.broadcast %parallel_loop3A_543 : i32 to vector<16xi32>
        %parallel_loop3A_545 = arith.constant 0 : i32
        %parallel_loop3A_546 = arith.constant 0 : i32
        %parallel_loop3A_547 = tpu.memref_slice %arg6[%parallel_loop3A_453, %parallel_loop3A_545, %parallel_loop3A_546] : memref<5x128x80xf32, #tpu.memory_space<vmem>> -> memref<1x128x80xf32, #tpu.memory_space<vmem>>
        %parallel_loop3A_548 = tpu.memref_squeeze %parallel_loop3A_547 : memref<1x128x80xf32, #tpu.memory_space<vmem>> -> memref<128x80xf32, #tpu.memory_space<vmem>>
        %parallel_loop3A_549 = arith.index_cast %parallel_loop3A_543 : i32 to index
        %parallel_loop3A_550 = arith.constant 0 : index
        %parallel_loop3A_551 = tpu.vector_load %parallel_loop3A_548[%parallel_loop3A_549, %parallel_loop3A_550] {strides = array<i32>} : memref<128x80xf32, #tpu.memory_space<vmem>>, vector<16xf32>,
        %parallel_loop3A_552 = arith.constant 0 : i32
        %parallel_loop3A_553 = arith.constant 0 : i32
        %parallel_loop3A_554 = arith.constant 0 : i32
        %parallel_loop3A_555 = arith.constant 0 : i32
        %parallel_loop3A_556 = tpu.memref_slice %arg7[%parallel_loop3A_454, %parallel_loop3A_552, %parallel_loop3A_553, %parallel_loop3A_554, %parallel_loop3A_555] : memref<5x8x1x8x129xf32, #tpu.memory_space<vmem>> -> memref<1x8x1x8x129xf32, #tpu.memory_space<vmem>>
        %parallel_loop3A_557 = tpu.memref_squeeze %parallel_loop3A_556 : memref<1x8x1x8x129xf32, #tpu.memory_space<vmem>> -> memref<8x1x8x129xf32, #tpu.memory_space<vmem>>
        tpu.vector_store_idx %parallel_loop3A_557[%shift_right_logical3A_10, %broadcast_in_dim3A_5, %and3A_12, %parallel_loop3A_544], %parallel_loop3A_551 : memref<8x1x8x129xf32, #tpu.memory_space<vmem>>[vector<16xi32>, vector<16xi32>, vector<16xi32>, vector<16xi32>], vector<16xf32>,
        %parallel_loop3A_558 = arith.constant 0 : i32
        %parallel_loop3A_559 = arith.constant 0 : i32
        %parallel_loop3A_560 = tpu.memref_slice %arg6[%parallel_loop3A_453, %parallel_loop3A_558, %parallel_loop3A_559] : memref<5x128x80xf32, #tpu.memory_space<vmem>> -> memref<1x128x80xf32, #tpu.memory_space<vmem>>
        %parallel_loop3A_561 = tpu.memref_squeeze %parallel_loop3A_560 : memref<1x128x80xf32, #tpu.memory_space<vmem>> -> memref<128x80xf32, #tpu.memory_space<vmem>>
        %parallel_loop3A_562 = arith.index_cast %parallel_loop3A_543 : i32 to index
        %parallel_loop3A_563 = arith.constant 16 : index
        %parallel_loop3A_564 = tpu.vector_load %parallel_loop3A_561[%parallel_loop3A_562, %parallel_loop3A_563] {strides = array<i32>} : memref<128x80xf32, #tpu.memory_space<vmem>>, vector<16xf32>,
        %parallel_loop3A_565 = arith.constant 0 : i32
        %parallel_loop3A_566 = arith.constant 0 : i32
        %parallel_loop3A_567 = arith.constant 0 : i32
        %parallel_loop3A_568 = arith.constant 0 : i32
        %parallel_loop3A_569 = tpu.memref_slice %arg7[%parallel_loop3A_454, %parallel_loop3A_565, %parallel_loop3A_566, %parallel_loop3A_567, %parallel_loop3A_568] : memref<5x8x1x8x129xf32, #tpu.memory_space<vmem>> -> memref<1x8x1x8x129xf32, #tpu.memory_space<vmem>>
        %parallel_loop3A_570 = tpu.memref_squeeze %parallel_loop3A_569 : memref<1x8x1x8x129xf32, #tpu.memory_space<vmem>> -> memref<8x1x8x129xf32, #tpu.memory_space<vmem>>
        tpu.vector_store_idx %parallel_loop3A_570[%shift_right_logical3A_18, %broadcast_in_dim3A_5, %and3A_21, %parallel_loop3A_544], %parallel_loop3A_564 : memref<8x1x8x129xf32, #tpu.memory_space<vmem>>[vector<16xi32>, vector<16xi32>, vector<16xi32>, vector<16xi32>], vector<16xf32>,
        %parallel_loop3A_571 = arith.constant 0 : i32
        %parallel_loop3A_572 = arith.constant 0 : i32
        %parallel_loop3A_573 = tpu.memref_slice %arg6[%parallel_loop3A_453, %parallel_loop3A_571, %parallel_loop3A_572] : memref<5x128x80xf32, #tpu.memory_space<vmem>> -> memref<1x128x80xf32, #tpu.memory_space<vmem>>
        %parallel_loop3A_574 = tpu.memref_squeeze %parallel_loop3A_573 : memref<1x128x80xf32, #tpu.memory_space<vmem>> -> memref<128x80xf32, #tpu.memory_space<vmem>>
        %parallel_loop3A_575 = arith.index_cast %parallel_loop3A_543 : i32 to index
        %parallel_loop3A_576 = arith.constant 32 : index
        %parallel_loop3A_577 = tpu.vector_load %parallel_loop3A_574[%parallel_loop3A_575, %parallel_loop3A_576] {strides = array<i32>} : memref<128x80xf32, #tpu.memory_space<vmem>>, vector<16xf32>,
        %parallel_loop3A_578 = arith.constant 0 : i32
        %parallel_loop3A_579 = arith.constant 0 : i32
        %parallel_loop3A_580 = arith.constant 0 : i32
        %parallel_loop3A_581 = arith.constant 0 : i32
        %parallel_loop3A_582 = tpu.memref_slice %arg7[%parallel_loop3A_454, %parallel_loop3A_578, %parallel_loop3A_579, %parallel_loop3A_580, %parallel_loop3A_581] : memref<5x8x1x8x129xf32, #tpu.memory_space<vmem>> -> memref<1x8x1x8x129xf32, #tpu.memory_space<vmem>>
        %parallel_loop3A_583 = tpu.memref_squeeze %parallel_loop3A_582 : memref<1x8x1x8x129xf32, #tpu.memory_space<vmem>> -> memref<8x1x8x129xf32, #tpu.memory_space<vmem>>
        tpu.vector_store_idx %parallel_loop3A_583[%shift_right_logical3A_27, %broadcast_in_dim3A_5, %and3A_30, %parallel_loop3A_544], %parallel_loop3A_577 : memref<8x1x8x129xf32, #tpu.memory_space<vmem>>[vector<16xi32>, vector<16xi32>, vector<16xi32>, vector<16xi32>], vector<16xf32>,
        %parallel_loop3A_584 = arith.constant 0 : i32
        %parallel_loop3A_585 = arith.constant 0 : i32
        %parallel_loop3A_586 = tpu.memref_slice %arg6[%parallel_loop3A_453, %parallel_loop3A_584, %parallel_loop3A_585] : memref<5x128x80xf32, #tpu.memory_space<vmem>> -> memref<1x128x80xf32, #tpu.memory_space<vmem>>
        %parallel_loop3A_587 = tpu.memref_squeeze %parallel_loop3A_586 : memref<1x128x80xf32, #tpu.memory_space<vmem>> -> memref<128x80xf32, #tpu.memory_space<vmem>>
        %parallel_loop3A_588 = arith.index_cast %parallel_loop3A_543 : i32 to index
        %parallel_loop3A_589 = arith.constant 48 : index
        %parallel_loop3A_590 = tpu.vector_load %parallel_loop3A_587[%parallel_loop3A_588, %parallel_loop3A_589] {strides = array<i32>} : memref<128x80xf32, #tpu.memory_space<vmem>>, vector<16xf32>,
        %parallel_loop3A_591 = arith.constant 0 : i32
        %parallel_loop3A_592 = arith.constant 0 : i32
        %parallel_loop3A_593 = arith.constant 0 : i32
        %parallel_loop3A_594 = arith.constant 0 : i32
        %parallel_loop3A_595 = tpu.memref_slice %arg7[%parallel_loop3A_454, %parallel_loop3A_591, %parallel_loop3A_592, %parallel_loop3A_593, %parallel_loop3A_594] : memref<5x8x1x8x129xf32, #tpu.memory_space<vmem>> -> memref<1x8x1x8x129xf32, #tpu.memory_space<vmem>>
        %parallel_loop3A_596 = tpu.memref_squeeze %parallel_loop3A_595 : memref<1x8x1x8x129xf32, #tpu.memory_space<vmem>> -> memref<8x1x8x129xf32, #tpu.memory_space<vmem>>
        tpu.vector_store_idx %parallel_loop3A_596[%shift_right_logical3A_36, %broadcast_in_dim3A_5, %and3A_39, %parallel_loop3A_544], %parallel_loop3A_590 : memref<8x1x8x129xf32, #tpu.memory_space<vmem>>[vector<16xi32>, vector<16xi32>, vector<16xi32>, vector<16xi32>], vector<16xf32>,
      } {sc.loop_unroll_factor = 8 : i64, sc.parallel_access}
      %add3A_455 = arith.addi %mul3A_2, %add3A_430 : i32
      %dma_start3A_456 = arith.constant 3 : i32
      %dma_start3A_457 = arith.constant 3 : i32
      %dma_start3A_458 = arith.constant 0 : i32
      %dma_start3A_459 = arith.constant 0 : i32
      %dma_start3A_460 = arith.constant 0 : i32
      %dma_start3A_461 = arith.constant 0 : i32
      %dma_start3A_462 = tpu.memref_slice %arg7[%dma_start3A_456, %dma_start3A_458, %dma_start3A_459, %dma_start3A_460, %dma_start3A_461] : memref<5x8x1x8x129xf32, #tpu.memory_space<vmem>> -> memref<1x8x1x8x128xf32, #tpu.memory_space<vmem>>
      %dma_start3A_463 = tpu.memref_squeeze %dma_start3A_462 : memref<1x8x1x8x128xf32, #tpu.memory_space<vmem>> -> memref<8x1x8x128xf32, #tpu.memory_space<vmem>>
      %dma_start3A_464 = arith.constant 0 : i32
      %dma_start3A_465 = arith.constant 0 : i32
      %dma_start3A_466 = arith.constant 0 : i32
      %dma_start3A_467 = tpu.memref_slice %arg4[%dma_start3A_464, %add3A_455, %dma_start3A_465, %dma_start3A_466] : memref<8x1600x8x128xf32, #tpu.memory_space<hbm>> -> memref<8x1x8x128xf32, #tpu.memory_space<hbm>>
      %dma_start3A_468 = tpu.memref_slice %arg9[%dma_start3A_457] : memref<5x!tpu.dma_semaphore, #tpu.memory_space<semaphore_mem>> -> memref<1x!tpu.dma_semaphore, #tpu.memory_space<semaphore_mem>>
      %dma_start3A_469 = tpu.memref_squeeze %dma_start3A_468 : memref<1x!tpu.dma_semaphore, #tpu.memory_space<semaphore_mem>> -> memref<!tpu.dma_semaphore, #tpu.memory_space<semaphore_mem>>
      %dma_start3A_470 = arith.constant 0 : i32
      %dma_start3A_471 = arith.constant 0 : i32
      %dma_start3A_472 = arith.constant 0 : i32
      %dma_start3A_473 = tpu.memref_slice %arg4[%dma_start3A_470, %add3A_455, %dma_start3A_471, %dma_start3A_472] : memref<8x1600x8x128xf32, #tpu.memory_space<hbm>> -> memref<8x1x8x128xf32, #tpu.memory_space<hbm>>
      %dma_start3A_474 = arith.constant 0 : i32
      %dma_start3A_475 = arith.constant 0 : i32
      %dma_start3A_476 = arith.constant 0 : i32
      %dma_start3A_477 = arith.constant 0 : i32
      %dma_start3A_478 = tpu.memref_slice %arg7[%dma_start3A_456, %dma_start3A_474, %dma_start3A_475, %dma_start3A_476, %dma_start3A_477] : memref<5x8x1x8x129xf32, #tpu.memory_space<vmem>> -> memref<1x8x1x8x128xf32, #tpu.memory_space<vmem>>
      %dma_start3A_479 = tpu.memref_squeeze %dma_start3A_478 : memref<1x8x1x8x128xf32, #tpu.memory_space<vmem>> -> memref<8x1x8x128xf32, #tpu.memory_space<vmem>>
      tpu.enqueue_dma source(%dma_start3A_479 : memref<8x1x8x128xf32, #tpu.memory_space<vmem>>) target(%dma_start3A_473 : memref<8x1x8x128xf32, #tpu.memory_space<hbm>>) target_semaphore(%dma_start3A_469 : memref<!tpu.dma_semaphore, #tpu.memory_space<semaphore_mem>>)
      %lt3A_480 = arith.constant 9 : i32
      %lt3A_481 = arith.cmpi slt, %scan3A_257, %lt3A_480 : i32
      %convert_element_type3A_482 = arith.extui %lt3A_481 : i1 to i32
      %cond3A_483 = arith.constant 0 : i32
      %cond3A_484 = arith.cmpi ne, %convert_element_type3A_482, %cond3A_483 : i32
      scf.if %cond3A_484 {
        %add3A_543 = arith.constant 5 : i32
        %add3A_544 = arith.addi %add3A_430, %add3A_543 : i32
        %mul3A_545 = arith.constant 128 : i32
        %mul3A_546 = arith.muli %add3A_544, %mul3A_545 : i32
        %dma_start3A_547 = arith.constant 3 : i32
        %dma_start3A_548 = arith.constant 3 : i32
        %dma_start3A_549 = arith.constant 0 : i32
        %dma_start3A_550 = arith.constant 0 : i32
        %dma_start3A_551 = tpu.memref_slice %arg6[%dma_start3A_547, %dma_start3A_549, %dma_start3A_550] : memref<5x128x80xf32, #tpu.memory_space<vmem>> -> memref<1x128x80xf32, #tpu.memory_space<vmem>>
        %dma_start3A_552 = tpu.memref_squeeze %dma_start3A_551 : memref<1x128x80xf32, #tpu.memory_space<vmem>> -> memref<128x80xf32, #tpu.memory_space<vmem>>
        %dma_start3A_553 = tpu.memref_slice %arg5[%mul3A_546] : memref<6400xi32, #tpu.memory_space<vmem>> -> memref<128xi32, #tpu.memory_space<vmem>>
        %dma_start3A_554 = arith.constant 0 : i32
        %dma_start3A_555 = arith.constant 0 : i32
        %dma_start3A_556 = tpu.memref_slice %arg3[%dma_start3A_554, %dma_start3A_555] : memref<100000x80xf32, #tpu.memory_space<hbm>> -> memref<100000x80xf32, #tpu.memory_space<hbm>>
        %dma_start3A_557 = tpu.memref_slice %arg8[%dma_start3A_548] : memref<5x!tpu.dma_semaphore, #tpu.memory_space<semaphore_mem>> -> memref<1x!tpu.dma_semaphore, #tpu.memory_space<semaphore_mem>>
        %dma_start3A_558 = tpu.memref_squeeze %dma_start3A_557 : memref<1x!tpu.dma_semaphore, #tpu.memory_space<semaphore_mem>> -> memref<!tpu.dma_semaphore, #tpu.memory_space<semaphore_mem>>
        tpu.enqueue_indirect_dma source(%dma_start3A_556 : memref<100000x80xf32, #tpu.memory_space<hbm>>) target(%dma_start3A_552 : memref<128x80xf32, #tpu.memory_space<vmem>>) offsets(%dma_start3A_553 : memref<128xi32, #tpu.memory_space<vmem>>) semaphore(%dma_start3A_558 : memref<!tpu.dma_semaphore, #tpu.memory_space<semaphore_mem>>)
      } else {
      }
      %mul3A_485 = arith.constant 5 : i32
      %mul3A_486 = arith.muli %mul3A_485, %scan3A_257 : i32
      %add3A_487 = arith.constant 4 : i32
      %add3A_488 = arith.addi %mul3A_486, %add3A_487 : i32
      %mul3A_489 = arith.constant 128 : i32
      %mul3A_490 = arith.muli %add3A_488, %mul3A_489 : i32
      %dma_wait3A_491 = arith.constant 4 : i32
      %dma_wait3A_492 = arith.constant 4 : i32
      %dma_wait3A_493 = arith.constant 0 : i32
      %dma_wait3A_494 = arith.constant 0 : i32
      %dma_wait3A_495 = tpu.memref_slice %arg6[%dma_wait3A_491, %dma_wait3A_493, %dma_wait3A_494] : memref<5x128x80xf32, #tpu.memory_space<vmem>> -> memref<1x128x80xf32, #tpu.memory_space<vmem>>
      %dma_wait3A_496 = tpu.memref_squeeze %dma_wait3A_495 : memref<1x128x80xf32, #tpu.memory_space<vmem>> -> memref<128x80xf32, #tpu.memory_space<vmem>>
      %dma_wait3A_497 = tpu.memref_slice %arg5[%mul3A_490] : memref<6400xi32, #tpu.memory_space<vmem>> -> memref<128xi32, #tpu.memory_space<vmem>>
      %dma_wait3A_498 = arith.constant 0 : i32
      %dma_wait3A_499 = arith.constant 0 : i32
      %dma_wait3A_500 = tpu.memref_slice %arg3[%dma_wait3A_498, %dma_wait3A_499] : memref<100000x80xf32, #tpu.memory_space<hbm>> -> memref<100000x80xf32, #tpu.memory_space<hbm>>
      %dma_wait3A_501 = tpu.memref_slice %arg8[%dma_wait3A_492] : memref<5x!tpu.dma_semaphore, #tpu.memory_space<semaphore_mem>> -> memref<1x!tpu.dma_semaphore, #tpu.memory_space<semaphore_mem>>
      %dma_wait3A_502 = tpu.memref_squeeze %dma_wait3A_501 : memref<1x!tpu.dma_semaphore, #tpu.memory_space<semaphore_mem>> -> memref<!tpu.dma_semaphore, #tpu.memory_space<semaphore_mem>>
      tpu.wait_indirect_dma semaphore(%dma_wait3A_502 : memref<!tpu.dma_semaphore, #tpu.memory_space<semaphore_mem>>) src(%dma_wait3A_500 : memref<100000x80xf32, #tpu.memory_space<hbm>>) dst(%dma_wait3A_496 : memref<128x80xf32, #tpu.memory_space<vmem>>)
      %gt3A_503 = arith.constant 0 : i32
      %gt3A_504 = arith.cmpi sgt, %scan3A_257, %gt3A_503 : i32
      %convert_element_type3A_505 = arith.extui %gt3A_504 : i1 to i32
      %cond3A_506 = arith.constant 0 : i32
      %cond3A_507 = arith.cmpi ne, %convert_element_type3A_505, %cond3A_506 : i32
      scf.if %cond3A_507 {
        %add3A_543 = arith.addi %mul3A_2, %add3A_488 : i32
        %sub3A_544 = arith.constant 5 : i32
        %sub3A_545 = arith.subi %add3A_543, %sub3A_544 : i32
        %dma_wait3A_546 = arith.constant 4 : i32
        %dma_wait3A_547 = arith.constant 4 : i32
        %dma_wait3A_548 = arith.constant 0 : i32
        %dma_wait3A_549 = arith.constant 0 : i32
        %dma_wait3A_550 = arith.constant 0 : i32
        %dma_wait3A_551 = arith.constant 0 : i32
        %dma_wait3A_552 = tpu.memref_slice %arg7[%dma_wait3A_546, %dma_wait3A_548, %dma_wait3A_549, %dma_wait3A_550, %dma_wait3A_551] : memref<5x8x1x8x129xf32, #tpu.memory_space<vmem>> -> memref<1x8x1x8x128xf32, #tpu.memory_space<vmem>>
        %dma_wait3A_553 = tpu.memref_squeeze %dma_wait3A_552 : memref<1x8x1x8x128xf32, #tpu.memory_space<vmem>> -> memref<8x1x8x128xf32, #tpu.memory_space<vmem>>
        %dma_wait3A_554 = arith.constant 0 : i32
        %dma_wait3A_555 = arith.constant 0 : i32
        %dma_wait3A_556 = arith.constant 0 : i32
        %dma_wait3A_557 = tpu.memref_slice %arg4[%dma_wait3A_554, %sub3A_545, %dma_wait3A_555, %dma_wait3A_556] : memref<8x1600x8x128xf32, #tpu.memory_space<hbm>> -> memref<8x1x8x128xf32, #tpu.memory_space<hbm>>
        %dma_wait3A_558 = tpu.memref_slice %arg9[%dma_wait3A_547] : memref<5x!tpu.dma_semaphore, #tpu.memory_space<semaphore_mem>> -> memref<1x!tpu.dma_semaphore, #tpu.memory_space<semaphore_mem>>
        %dma_wait3A_559 = tpu.memref_squeeze %dma_wait3A_558 : memref<1x!tpu.dma_semaphore, #tpu.memory_space<semaphore_mem>> -> memref<!tpu.dma_semaphore, #tpu.memory_space<semaphore_mem>>
        %dma_wait3A_560 = arith.constant 0 : i32
        %dma_wait3A_561 = arith.constant 0 : i32
        %dma_wait3A_562 = arith.constant 0 : i32
        %dma_wait3A_563 = tpu.memref_slice %arg4[%dma_wait3A_560, %sub3A_545, %dma_wait3A_561, %dma_wait3A_562] : memref<8x1600x8x128xf32, #tpu.memory_space<hbm>> -> memref<8x1x8x128xf32, #tpu.memory_space<hbm>>
        %dma_wait3A_564 = arith.constant 0 : i32
        %dma_wait3A_565 = arith.constant 0 : i32
        %dma_wait3A_566 = arith.constant 0 : i32
        %dma_wait3A_567 = arith.constant 0 : i32
        %dma_wait3A_568 = tpu.memref_slice %arg7[%dma_wait3A_546, %dma_wait3A_564, %dma_wait3A_565, %dma_wait3A_566, %dma_wait3A_567] : memref<5x8x1x8x129xf32, #tpu.memory_space<vmem>> -> memref<1x8x1x8x128xf32, #tpu.memory_space<vmem>>
        %dma_wait3A_569 = tpu.memref_squeeze %dma_wait3A_568 : memref<1x8x1x8x128xf32, #tpu.memory_space<vmem>> -> memref<8x1x8x128xf32, #tpu.memory_space<vmem>>
        tpu.wait_dma2 semaphore(%dma_wait3A_559 : memref<!tpu.dma_semaphore, #tpu.memory_space<semaphore_mem>>) src(%dma_wait3A_569 : memref<8x1x8x128xf32, #tpu.memory_space<vmem>>) dst(%dma_wait3A_563 : memref<8x1x8x128xf32, #tpu.memory_space<hbm>>)
      } else {
      }
      %parallel_loop3A_508 = arith.constant 0 : i32
      %parallel_loop3A_509 = arith.constant 128 : i32
      %parallel_loop3A_510 = arith.constant 1 : i32
      %parallel_loop3A_511 = arith.constant 4 : i32
      %parallel_loop3A_512 = arith.constant 4 : i32
      scf.for %parallel_loop3A_543 = %parallel_loop3A_508 to %parallel_loop3A_509 step %parallel_loop3A_510  : i32 {
        %parallel_loop3A_544 = vector.broadcast %parallel_loop3A_543 : i32 to vector<16xi32>
        %parallel_loop3A_545 = arith.constant 0 : i32
        %parallel_loop3A_546 = arith.constant 0 : i32
        %parallel_loop3A_547 = tpu.memref_slice %arg6[%parallel_loop3A_511, %parallel_loop3A_545, %parallel_loop3A_546] : memref<5x128x80xf32, #tpu.memory_space<vmem>> -> memref<1x128x80xf32, #tpu.memory_space<vmem>>
        %parallel_loop3A_548 = tpu.memref_squeeze %parallel_loop3A_547 : memref<1x128x80xf32, #tpu.memory_space<vmem>> -> memref<128x80xf32, #tpu.memory_space<vmem>>
        %parallel_loop3A_549 = arith.index_cast %parallel_loop3A_543 : i32 to index
        %parallel_loop3A_550 = arith.constant 0 : index
        %parallel_loop3A_551 = tpu.vector_load %parallel_loop3A_548[%parallel_loop3A_549, %parallel_loop3A_550] {strides = array<i32>} : memref<128x80xf32, #tpu.memory_space<vmem>>, vector<16xf32>,
        %parallel_loop3A_552 = arith.constant 0 : i32
        %parallel_loop3A_553 = arith.constant 0 : i32
        %parallel_loop3A_554 = arith.constant 0 : i32
        %parallel_loop3A_555 = arith.constant 0 : i32
        %parallel_loop3A_556 = tpu.memref_slice %arg7[%parallel_loop3A_512, %parallel_loop3A_552, %parallel_loop3A_553, %parallel_loop3A_554, %parallel_loop3A_555] : memref<5x8x1x8x129xf32, #tpu.memory_space<vmem>> -> memref<1x8x1x8x129xf32, #tpu.memory_space<vmem>>
        %parallel_loop3A_557 = tpu.memref_squeeze %parallel_loop3A_556 : memref<1x8x1x8x129xf32, #tpu.memory_space<vmem>> -> memref<8x1x8x129xf32, #tpu.memory_space<vmem>>
        tpu.vector_store_idx %parallel_loop3A_557[%shift_right_logical3A_10, %broadcast_in_dim3A_5, %and3A_12, %parallel_loop3A_544], %parallel_loop3A_551 : memref<8x1x8x129xf32, #tpu.memory_space<vmem>>[vector<16xi32>, vector<16xi32>, vector<16xi32>, vector<16xi32>], vector<16xf32>,
        %parallel_loop3A_558 = arith.constant 0 : i32
        %parallel_loop3A_559 = arith.constant 0 : i32
        %parallel_loop3A_560 = tpu.memref_slice %arg6[%parallel_loop3A_511, %parallel_loop3A_558, %parallel_loop3A_559] : memref<5x128x80xf32, #tpu.memory_space<vmem>> -> memref<1x128x80xf32, #tpu.memory_space<vmem>>
        %parallel_loop3A_561 = tpu.memref_squeeze %parallel_loop3A_560 : memref<1x128x80xf32, #tpu.memory_space<vmem>> -> memref<128x80xf32, #tpu.memory_space<vmem>>
        %parallel_loop3A_562 = arith.index_cast %parallel_loop3A_543 : i32 to index
        %parallel_loop3A_563 = arith.constant 16 : index
        %parallel_loop3A_564 = tpu.vector_load %parallel_loop3A_561[%parallel_loop3A_562, %parallel_loop3A_563] {strides = array<i32>} : memref<128x80xf32, #tpu.memory_space<vmem>>, vector<16xf32>,
        %parallel_loop3A_565 = arith.constant 0 : i32
        %parallel_loop3A_566 = arith.constant 0 : i32
        %parallel_loop3A_567 = arith.constant 0 : i32
        %parallel_loop3A_568 = arith.constant 0 : i32
        %parallel_loop3A_569 = tpu.memref_slice %arg7[%parallel_loop3A_512, %parallel_loop3A_565, %parallel_loop3A_566, %parallel_loop3A_567, %parallel_loop3A_568] : memref<5x8x1x8x129xf32, #tpu.memory_space<vmem>> -> memref<1x8x1x8x129xf32, #tpu.memory_space<vmem>>
        %parallel_loop3A_570 = tpu.memref_squeeze %parallel_loop3A_569 : memref<1x8x1x8x129xf32, #tpu.memory_space<vmem>> -> memref<8x1x8x129xf32, #tpu.memory_space<vmem>>
        tpu.vector_store_idx %parallel_loop3A_570[%shift_right_logical3A_18, %broadcast_in_dim3A_5, %and3A_21, %parallel_loop3A_544], %parallel_loop3A_564 : memref<8x1x8x129xf32, #tpu.memory_space<vmem>>[vector<16xi32>, vector<16xi32>, vector<16xi32>, vector<16xi32>], vector<16xf32>,
        %parallel_loop3A_571 = arith.constant 0 : i32
        %parallel_loop3A_572 = arith.constant 0 : i32
        %parallel_loop3A_573 = tpu.memref_slice %arg6[%parallel_loop3A_511, %parallel_loop3A_571, %parallel_loop3A_572] : memref<5x128x80xf32, #tpu.memory_space<vmem>> -> memref<1x128x80xf32, #tpu.memory_space<vmem>>
        %parallel_loop3A_574 = tpu.memref_squeeze %parallel_loop3A_573 : memref<1x128x80xf32, #tpu.memory_space<vmem>> -> memref<128x80xf32, #tpu.memory_space<vmem>>
        %parallel_loop3A_575 = arith.index_cast %parallel_loop3A_543 : i32 to index
        %parallel_loop3A_576 = arith.constant 32 : index
        %parallel_loop3A_577 = tpu.vector_load %parallel_loop3A_574[%parallel_loop3A_575, %parallel_loop3A_576] {strides = array<i32>} : memref<128x80xf32, #tpu.memory_space<vmem>>, vector<16xf32>,
        %parallel_loop3A_578 = arith.constant 0 : i32
        %parallel_loop3A_579 = arith.constant 0 : i32
        %parallel_loop3A_580 = arith.constant 0 : i32
        %parallel_loop3A_581 = arith.constant 0 : i32
        %parallel_loop3A_582 = tpu.memref_slice %arg7[%parallel_loop3A_512, %parallel_loop3A_578, %parallel_loop3A_579, %parallel_loop3A_580, %parallel_loop3A_581] : memref<5x8x1x8x129xf32, #tpu.memory_space<vmem>> -> memref<1x8x1x8x129xf32, #tpu.memory_space<vmem>>
        %parallel_loop3A_583 = tpu.memref_squeeze %parallel_loop3A_582 : memref<1x8x1x8x129xf32, #tpu.memory_space<vmem>> -> memref<8x1x8x129xf32, #tpu.memory_space<vmem>>
        tpu.vector_store_idx %parallel_loop3A_583[%shift_right_logical3A_27, %broadcast_in_dim3A_5, %and3A_30, %parallel_loop3A_544], %parallel_loop3A_577 : memref<8x1x8x129xf32, #tpu.memory_space<vmem>>[vector<16xi32>, vector<16xi32>, vector<16xi32>, vector<16xi32>], vector<16xf32>,
        %parallel_loop3A_584 = arith.constant 0 : i32
        %parallel_loop3A_585 = arith.constant 0 : i32
        %parallel_loop3A_586 = tpu.memref_slice %arg6[%parallel_loop3A_511, %parallel_loop3A_584, %parallel_loop3A_585] : memref<5x128x80xf32, #tpu.memory_space<vmem>> -> memref<1x128x80xf32, #tpu.memory_space<vmem>>
        %parallel_loop3A_587 = tpu.memref_squeeze %parallel_loop3A_586 : memref<1x128x80xf32, #tpu.memory_space<vmem>> -> memref<128x80xf32, #tpu.memory_space<vmem>>
        %parallel_loop3A_588 = arith.index_cast %parallel_loop3A_543 : i32 to index
        %parallel_loop3A_589 = arith.constant 48 : index
        %parallel_loop3A_590 = tpu.vector_load %parallel_loop3A_587[%parallel_loop3A_588, %parallel_loop3A_589] {strides = array<i32>} : memref<128x80xf32, #tpu.memory_space<vmem>>, vector<16xf32>,
        %parallel_loop3A_591 = arith.constant 0 : i32
        %parallel_loop3A_592 = arith.constant 0 : i32
        %parallel_loop3A_593 = arith.constant 0 : i32
        %parallel_loop3A_594 = arith.constant 0 : i32
        %parallel_loop3A_595 = tpu.memref_slice %arg7[%parallel_loop3A_512, %parallel_loop3A_591, %parallel_loop3A_592, %parallel_loop3A_593, %parallel_loop3A_594] : memref<5x8x1x8x129xf32, #tpu.memory_space<vmem>> -> memref<1x8x1x8x129xf32, #tpu.memory_space<vmem>>
        %parallel_loop3A_596 = tpu.memref_squeeze %parallel_loop3A_595 : memref<1x8x1x8x129xf32, #tpu.memory_space<vmem>> -> memref<8x1x8x129xf32, #tpu.memory_space<vmem>>
        tpu.vector_store_idx %parallel_loop3A_596[%shift_right_logical3A_36, %broadcast_in_dim3A_5, %and3A_39, %parallel_loop3A_544], %parallel_loop3A_590 : memref<8x1x8x129xf32, #tpu.memory_space<vmem>>[vector<16xi32>, vector<16xi32>, vector<16xi32>, vector<16xi32>], vector<16xf32>,
      } {sc.loop_unroll_factor = 8 : i64, sc.parallel_access}
      %add3A_513 = arith.addi %mul3A_2, %add3A_488 : i32
      %dma_start3A_514 = arith.constant 4 : i32
      %dma_start3A_515 = arith.constant 4 : i32
      %dma_start3A_516 = arith.constant 0 : i32
      %dma_start3A_517 = arith.constant 0 : i32
      %dma_start3A_518 = arith.constant 0 : i32
      %dma_start3A_519 = arith.constant 0 : i32
      %dma_start3A_520 = tpu.memref_slice %arg7[%dma_start3A_514, %dma_start3A_516, %dma_start3A_517, %dma_start3A_518, %dma_start3A_519] : memref<5x8x1x8x129xf32, #tpu.memory_space<vmem>> -> memref<1x8x1x8x128xf32, #tpu.memory_space<vmem>>
      %dma_start3A_521 = tpu.memref_squeeze %dma_start3A_520 : memref<1x8x1x8x128xf32, #tpu.memory_space<vmem>> -> memref<8x1x8x128xf32, #tpu.memory_space<vmem>>
      %dma_start3A_522 = arith.constant 0 : i32
      %dma_start3A_523 = arith.constant 0 : i32
      %dma_start3A_524 = arith.constant 0 : i32
      %dma_start3A_525 = tpu.memref_slice %arg4[%dma_start3A_522, %add3A_513, %dma_start3A_523, %dma_start3A_524] : memref<8x1600x8x128xf32, #tpu.memory_space<hbm>> -> memref<8x1x8x128xf32, #tpu.memory_space<hbm>>
      %dma_start3A_526 = tpu.memref_slice %arg9[%dma_start3A_515] : memref<5x!tpu.dma_semaphore, #tpu.memory_space<semaphore_mem>> -> memref<1x!tpu.dma_semaphore, #tpu.memory_space<semaphore_mem>>
      %dma_start3A_527 = tpu.memref_squeeze %dma_start3A_526 : memref<1x!tpu.dma_semaphore, #tpu.memory_space<semaphore_mem>> -> memref<!tpu.dma_semaphore, #tpu.memory_space<semaphore_mem>>
      %dma_start3A_528 = arith.constant 0 : i32
      %dma_start3A_529 = arith.constant 0 : i32
      %dma_start3A_530 = arith.constant 0 : i32
      %dma_start3A_531 = tpu.memref_slice %arg4[%dma_start3A_528, %add3A_513, %dma_start3A_529, %dma_start3A_530] : memref<8x1600x8x128xf32, #tpu.memory_space<hbm>> -> memref<8x1x8x128xf32, #tpu.memory_space<hbm>>
      %dma_start3A_532 = arith.constant 0 : i32
      %dma_start3A_533 = arith.constant 0 : i32
      %dma_start3A_534 = arith.constant 0 : i32
      %dma_start3A_535 = arith.constant 0 : i32
      %dma_start3A_536 = tpu.memref_slice %arg7[%dma_start3A_514, %dma_start3A_532, %dma_start3A_533, %dma_start3A_534, %dma_start3A_535] : memref<5x8x1x8x129xf32, #tpu.memory_space<vmem>> -> memref<1x8x1x8x128xf32, #tpu.memory_space<vmem>>
      %dma_start3A_537 = tpu.memref_squeeze %dma_start3A_536 : memref<1x8x1x8x128xf32, #tpu.memory_space<vmem>> -> memref<8x1x8x128xf32, #tpu.memory_space<vmem>>
      tpu.enqueue_dma source(%dma_start3A_537 : memref<8x1x8x128xf32, #tpu.memory_space<vmem>>) target(%dma_start3A_531 : memref<8x1x8x128xf32, #tpu.memory_space<hbm>>) target_semaphore(%dma_start3A_527 : memref<!tpu.dma_semaphore, #tpu.memory_space<semaphore_mem>>)
      %lt3A_538 = arith.constant 9 : i32
      %lt3A_539 = arith.cmpi slt, %scan3A_257, %lt3A_538 : i32
      %convert_element_type3A_540 = arith.extui %lt3A_539 : i1 to i32
      %cond3A_541 = arith.constant 0 : i32
      %cond3A_542 = arith.cmpi ne, %convert_element_type3A_540, %cond3A_541 : i32
      scf.if %cond3A_542 {
        %add3A_543 = arith.constant 5 : i32
        %add3A_544 = arith.addi %add3A_488, %add3A_543 : i32
        %mul3A_545 = arith.constant 128 : i32
        %mul3A_546 = arith.muli %add3A_544, %mul3A_545 : i32
        %dma_start3A_547 = arith.constant 4 : i32
        %dma_start3A_548 = arith.constant 4 : i32
        %dma_start3A_549 = arith.constant 0 : i32
        %dma_start3A_550 = arith.constant 0 : i32
        %dma_start3A_551 = tpu.memref_slice %arg6[%dma_start3A_547, %dma_start3A_549, %dma_start3A_550] : memref<5x128x80xf32, #tpu.memory_space<vmem>> -> memref<1x128x80xf32, #tpu.memory_space<vmem>>
        %dma_start3A_552 = tpu.memref_squeeze %dma_start3A_551 : memref<1x128x80xf32, #tpu.memory_space<vmem>> -> memref<128x80xf32, #tpu.memory_space<vmem>>
        %dma_start3A_553 = tpu.memref_slice %arg5[%mul3A_546] : memref<6400xi32, #tpu.memory_space<vmem>> -> memref<128xi32, #tpu.memory_space<vmem>>
        %dma_start3A_554 = arith.constant 0 : i32
        %dma_start3A_555 = arith.constant 0 : i32
        %dma_start3A_556 = tpu.memref_slice %arg3[%dma_start3A_554, %dma_start3A_555] : memref<100000x80xf32, #tpu.memory_space<hbm>> -> memref<100000x80xf32, #tpu.memory_space<hbm>>
        %dma_start3A_557 = tpu.memref_slice %arg8[%dma_start3A_548] : memref<5x!tpu.dma_semaphore, #tpu.memory_space<semaphore_mem>> -> memref<1x!tpu.dma_semaphore, #tpu.memory_space<semaphore_mem>>
        %dma_start3A_558 = tpu.memref_squeeze %dma_start3A_557 : memref<1x!tpu.dma_semaphore, #tpu.memory_space<semaphore_mem>> -> memref<!tpu.dma_semaphore, #tpu.memory_space<semaphore_mem>>
        tpu.enqueue_indirect_dma source(%dma_start3A_556 : memref<100000x80xf32, #tpu.memory_space<hbm>>) target(%dma_start3A_552 : memref<128x80xf32, #tpu.memory_space<vmem>>) offsets(%dma_start3A_553 : memref<128xi32, #tpu.memory_space<vmem>>) semaphore(%dma_start3A_558 : memref<!tpu.dma_semaphore, #tpu.memory_space<semaphore_mem>>)
      } else {
      }
    }
    %scan3A_108 = arith.constant 10 : i32
    %add3A_109 = arith.constant 50 : i32
    %add3A_110 = arith.addi %mul3A_2, %add3A_109 : i32
    %sub3A = arith.constant 5 : i32
    %sub3A_111 = arith.subi %add3A_110, %sub3A : i32
    %add3A_112 = arith.constant 0 : i32
    %add3A_113 = arith.addi %sub3A_111, %add3A_112 : i32
    %dma_wait3A = arith.constant 0 : i32
    %dma_wait3A_114 = arith.constant 0 : i32
    %dma_wait3A_115 = arith.constant 0 : i32
    %dma_wait3A_116 = arith.constant 0 : i32
    %dma_wait3A_117 = arith.constant 0 : i32
    %dma_wait3A_118 = arith.constant 0 : i32
    %dma_wait3A_119 = tpu.memref_slice %arg7[%dma_wait3A, %dma_wait3A_115, %dma_wait3A_116, %dma_wait3A_117, %dma_wait3A_118] : memref<5x8x1x8x129xf32, #tpu.memory_space<vmem>> -> memref<1x8x1x8x128xf32, #tpu.memory_space<vmem>>
    %dma_wait3A_120 = tpu.memref_squeeze %dma_wait3A_119 : memref<1x8x1x8x128xf32, #tpu.memory_space<vmem>> -> memref<8x1x8x128xf32, #tpu.memory_space<vmem>>
    %dma_wait3A_121 = arith.constant 0 : i32
    %dma_wait3A_122 = arith.constant 0 : i32
    %dma_wait3A_123 = arith.constant 0 : i32
    %dma_wait3A_124 = tpu.memref_slice %arg4[%dma_wait3A_121, %add3A_113, %dma_wait3A_122, %dma_wait3A_123] : memref<8x1600x8x128xf32, #tpu.memory_space<hbm>> -> memref<8x1x8x128xf32, #tpu.memory_space<hbm>>
    %dma_wait3A_125 = tpu.memref_slice %arg9[%dma_wait3A_114] : memref<5x!tpu.dma_semaphore, #tpu.memory_space<semaphore_mem>> -> memref<1x!tpu.dma_semaphore, #tpu.memory_space<semaphore_mem>>
    %dma_wait3A_126 = tpu.memref_squeeze %dma_wait3A_125 : memref<1x!tpu.dma_semaphore, #tpu.memory_space<semaphore_mem>> -> memref<!tpu.dma_semaphore, #tpu.memory_space<semaphore_mem>>
    %dma_wait3A_127 = arith.constant 0 : i32
    %dma_wait3A_128 = arith.constant 0 : i32
    %dma_wait3A_129 = arith.constant 0 : i32
    %dma_wait3A_130 = tpu.memref_slice %arg4[%dma_wait3A_127, %add3A_113, %dma_wait3A_128, %dma_wait3A_129] : memref<8x1600x8x128xf32, #tpu.memory_space<hbm>> -> memref<8x1x8x128xf32, #tpu.memory_space<hbm>>
    %dma_wait3A_131 = arith.constant 0 : i32
    %dma_wait3A_132 = arith.constant 0 : i32
    %dma_wait3A_133 = arith.constant 0 : i32
    %dma_wait3A_134 = arith.constant 0 : i32
    %dma_wait3A_135 = tpu.memref_slice %arg7[%dma_wait3A, %dma_wait3A_131, %dma_wait3A_132, %dma_wait3A_133, %dma_wait3A_134] : memref<5x8x1x8x129xf32, #tpu.memory_space<vmem>> -> memref<1x8x1x8x128xf32, #tpu.memory_space<vmem>>
    %dma_wait3A_136 = tpu.memref_squeeze %dma_wait3A_135 : memref<1x8x1x8x128xf32, #tpu.memory_space<vmem>> -> memref<8x1x8x128xf32, #tpu.memory_space<vmem>>
    tpu.wait_dma2 semaphore(%dma_wait3A_126 : memref<!tpu.dma_semaphore, #tpu.memory_space<semaphore_mem>>) src(%dma_wait3A_136 : memref<8x1x8x128xf32, #tpu.memory_space<vmem>>) dst(%dma_wait3A_130 : memref<8x1x8x128xf32, #tpu.memory_space<hbm>>)
    %add3A_137 = arith.constant 50 : i32
    %add3A_138 = arith.addi %mul3A_2, %add3A_137 : i32
    %sub3A_139 = arith.constant 5 : i32
    %sub3A_140 = arith.subi %add3A_138, %sub3A_139 : i32
    %add3A_141 = arith.constant 1 : i32
    %add3A_142 = arith.addi %sub3A_140, %add3A_141 : i32
    %dma_wait3A_143 = arith.constant 1 : i32
    %dma_wait3A_144 = arith.constant 1 : i32
    %dma_wait3A_145 = arith.constant 0 : i32
    %dma_wait3A_146 = arith.constant 0 : i32
    %dma_wait3A_147 = arith.constant 0 : i32
    %dma_wait3A_148 = arith.constant 0 : i32
    %dma_wait3A_149 = tpu.memref_slice %arg7[%dma_wait3A_143, %dma_wait3A_145, %dma_wait3A_146, %dma_wait3A_147, %dma_wait3A_148] : memref<5x8x1x8x129xf32, #tpu.memory_space<vmem>> -> memref<1x8x1x8x128xf32, #tpu.memory_space<vmem>>
    %dma_wait3A_150 = tpu.memref_squeeze %dma_wait3A_149 : memref<1x8x1x8x128xf32, #tpu.memory_space<vmem>> -> memref<8x1x8x128xf32, #tpu.memory_space<vmem>>
    %dma_wait3A_151 = arith.constant 0 : i32
    %dma_wait3A_152 = arith.constant 0 : i32
    %dma_wait3A_153 = arith.constant 0 : i32
    %dma_wait3A_154 = tpu.memref_slice %arg4[%dma_wait3A_151, %add3A_142, %dma_wait3A_152, %dma_wait3A_153] : memref<8x1600x8x128xf32, #tpu.memory_space<hbm>> -> memref<8x1x8x128xf32, #tpu.memory_space<hbm>>
    %dma_wait3A_155 = tpu.memref_slice %arg9[%dma_wait3A_144] : memref<5x!tpu.dma_semaphore, #tpu.memory_space<semaphore_mem>> -> memref<1x!tpu.dma_semaphore, #tpu.memory_space<semaphore_mem>>
    %dma_wait3A_156 = tpu.memref_squeeze %dma_wait3A_155 : memref<1x!tpu.dma_semaphore, #tpu.memory_space<semaphore_mem>> -> memref<!tpu.dma_semaphore, #tpu.memory_space<semaphore_mem>>
    %dma_wait3A_157 = arith.constant 0 : i32
    %dma_wait3A_158 = arith.constant 0 : i32
    %dma_wait3A_159 = arith.constant 0 : i32
    %dma_wait3A_160 = tpu.memref_slice %arg4[%dma_wait3A_157, %add3A_142, %dma_wait3A_158, %dma_wait3A_159] : memref<8x1600x8x128xf32, #tpu.memory_space<hbm>> -> memref<8x1x8x128xf32, #tpu.memory_space<hbm>>
    %dma_wait3A_161 = arith.constant 0 : i32
    %dma_wait3A_162 = arith.constant 0 : i32
    %dma_wait3A_163 = arith.constant 0 : i32
    %dma_wait3A_164 = arith.constant 0 : i32
    %dma_wait3A_165 = tpu.memref_slice %arg7[%dma_wait3A_143, %dma_wait3A_161, %dma_wait3A_162, %dma_wait3A_163, %dma_wait3A_164] : memref<5x8x1x8x129xf32, #tpu.memory_space<vmem>> -> memref<1x8x1x8x128xf32, #tpu.memory_space<vmem>>
    %dma_wait3A_166 = tpu.memref_squeeze %dma_wait3A_165 : memref<1x8x1x8x128xf32, #tpu.memory_space<vmem>> -> memref<8x1x8x128xf32, #tpu.memory_space<vmem>>
    tpu.wait_dma2 semaphore(%dma_wait3A_156 : memref<!tpu.dma_semaphore, #tpu.memory_space<semaphore_mem>>) src(%dma_wait3A_166 : memref<8x1x8x128xf32, #tpu.memory_space<vmem>>) dst(%dma_wait3A_160 : memref<8x1x8x128xf32, #tpu.memory_space<hbm>>)
    %add3A_167 = arith.constant 50 : i32
    %add3A_168 = arith.addi %mul3A_2, %add3A_167 : i32
    %sub3A_169 = arith.constant 5 : i32
    %sub3A_170 = arith.subi %add3A_168, %sub3A_169 : i32
    %add3A_171 = arith.constant 2 : i32
    %add3A_172 = arith.addi %sub3A_170, %add3A_171 : i32
    %dma_wait3A_173 = arith.constant 2 : i32
    %dma_wait3A_174 = arith.constant 2 : i32
    %dma_wait3A_175 = arith.constant 0 : i32
    %dma_wait3A_176 = arith.constant 0 : i32
    %dma_wait3A_177 = arith.constant 0 : i32
    %dma_wait3A_178 = arith.constant 0 : i32
    %dma_wait3A_179 = tpu.memref_slice %arg7[%dma_wait3A_173, %dma_wait3A_175, %dma_wait3A_176, %dma_wait3A_177, %dma_wait3A_178] : memref<5x8x1x8x129xf32, #tpu.memory_space<vmem>> -> memref<1x8x1x8x128xf32, #tpu.memory_space<vmem>>
    %dma_wait3A_180 = tpu.memref_squeeze %dma_wait3A_179 : memref<1x8x1x8x128xf32, #tpu.memory_space<vmem>> -> memref<8x1x8x128xf32, #tpu.memory_space<vmem>>
    %dma_wait3A_181 = arith.constant 0 : i32
    %dma_wait3A_182 = arith.constant 0 : i32
    %dma_wait3A_183 = arith.constant 0 : i32
    %dma_wait3A_184 = tpu.memref_slice %arg4[%dma_wait3A_181, %add3A_172, %dma_wait3A_182, %dma_wait3A_183] : memref<8x1600x8x128xf32, #tpu.memory_space<hbm>> -> memref<8x1x8x128xf32, #tpu.memory_space<hbm>>
    %dma_wait3A_185 = tpu.memref_slice %arg9[%dma_wait3A_174] : memref<5x!tpu.dma_semaphore, #tpu.memory_space<semaphore_mem>> -> memref<1x!tpu.dma_semaphore, #tpu.memory_space<semaphore_mem>>
    %dma_wait3A_186 = tpu.memref_squeeze %dma_wait3A_185 : memref<1x!tpu.dma_semaphore, #tpu.memory_space<semaphore_mem>> -> memref<!tpu.dma_semaphore, #tpu.memory_space<semaphore_mem>>
    %dma_wait3A_187 = arith.constant 0 : i32
    %dma_wait3A_188 = arith.constant 0 : i32
    %dma_wait3A_189 = arith.constant 0 : i32
    %dma_wait3A_190 = tpu.memref_slice %arg4[%dma_wait3A_187, %add3A_172, %dma_wait3A_188, %dma_wait3A_189] : memref<8x1600x8x128xf32, #tpu.memory_space<hbm>> -> memref<8x1x8x128xf32, #tpu.memory_space<hbm>>
    %dma_wait3A_191 = arith.constant 0 : i32
    %dma_wait3A_192 = arith.constant 0 : i32
    %dma_wait3A_193 = arith.constant 0 : i32
    %dma_wait3A_194 = arith.constant 0 : i32
    %dma_wait3A_195 = tpu.memref_slice %arg7[%dma_wait3A_173, %dma_wait3A_191, %dma_wait3A_192, %dma_wait3A_193, %dma_wait3A_194] : memref<5x8x1x8x129xf32, #tpu.memory_space<vmem>> -> memref<1x8x1x8x128xf32, #tpu.memory_space<vmem>>
    %dma_wait3A_196 = tpu.memref_squeeze %dma_wait3A_195 : memref<1x8x1x8x128xf32, #tpu.memory_space<vmem>> -> memref<8x1x8x128xf32, #tpu.memory_space<vmem>>
    tpu.wait_dma2 semaphore(%dma_wait3A_186 : memref<!tpu.dma_semaphore, #tpu.memory_space<semaphore_mem>>) src(%dma_wait3A_196 : memref<8x1x8x128xf32, #tpu.memory_space<vmem>>) dst(%dma_wait3A_190 : memref<8x1x8x128xf32, #tpu.memory_space<hbm>>)
    %add3A_197 = arith.constant 50 : i32
    %add3A_198 = arith.addi %mul3A_2, %add3A_197 : i32
    %sub3A_199 = arith.constant 5 : i32
    %sub3A_200 = arith.subi %add3A_198, %sub3A_199 : i32
    %add3A_201 = arith.constant 3 : i32
    %add3A_202 = arith.addi %sub3A_200, %add3A_201 : i32
    %dma_wait3A_203 = arith.constant 3 : i32
    %dma_wait3A_204 = arith.constant 3 : i32
    %dma_wait3A_205 = arith.constant 0 : i32
    %dma_wait3A_206 = arith.constant 0 : i32
    %dma_wait3A_207 = arith.constant 0 : i32
    %dma_wait3A_208 = arith.constant 0 : i32
    %dma_wait3A_209 = tpu.memref_slice %arg7[%dma_wait3A_203, %dma_wait3A_205, %dma_wait3A_206, %dma_wait3A_207, %dma_wait3A_208] : memref<5x8x1x8x129xf32, #tpu.memory_space<vmem>> -> memref<1x8x1x8x128xf32, #tpu.memory_space<vmem>>
    %dma_wait3A_210 = tpu.memref_squeeze %dma_wait3A_209 : memref<1x8x1x8x128xf32, #tpu.memory_space<vmem>> -> memref<8x1x8x128xf32, #tpu.memory_space<vmem>>
    %dma_wait3A_211 = arith.constant 0 : i32
    %dma_wait3A_212 = arith.constant 0 : i32
    %dma_wait3A_213 = arith.constant 0 : i32
    %dma_wait3A_214 = tpu.memref_slice %arg4[%dma_wait3A_211, %add3A_202, %dma_wait3A_212, %dma_wait3A_213] : memref<8x1600x8x128xf32, #tpu.memory_space<hbm>> -> memref<8x1x8x128xf32, #tpu.memory_space<hbm>>
    %dma_wait3A_215 = tpu.memref_slice %arg9[%dma_wait3A_204] : memref<5x!tpu.dma_semaphore, #tpu.memory_space<semaphore_mem>> -> memref<1x!tpu.dma_semaphore, #tpu.memory_space<semaphore_mem>>
    %dma_wait3A_216 = tpu.memref_squeeze %dma_wait3A_215 : memref<1x!tpu.dma_semaphore, #tpu.memory_space<semaphore_mem>> -> memref<!tpu.dma_semaphore, #tpu.memory_space<semaphore_mem>>
    %dma_wait3A_217 = arith.constant 0 : i32
    %dma_wait3A_218 = arith.constant 0 : i32
    %dma_wait3A_219 = arith.constant 0 : i32
    %dma_wait3A_220 = tpu.memref_slice %arg4[%dma_wait3A_217, %add3A_202, %dma_wait3A_218, %dma_wait3A_219] : memref<8x1600x8x128xf32, #tpu.memory_space<hbm>> -> memref<8x1x8x128xf32, #tpu.memory_space<hbm>>
    %dma_wait3A_221 = arith.constant 0 : i32
    %dma_wait3A_222 = arith.constant 0 : i32
    %dma_wait3A_223 = arith.constant 0 : i32
    %dma_wait3A_224 = arith.constant 0 : i32
    %dma_wait3A_225 = tpu.memref_slice %arg7[%dma_wait3A_203, %dma_wait3A_221, %dma_wait3A_222, %dma_wait3A_223, %dma_wait3A_224] : memref<5x8x1x8x129xf32, #tpu.memory_space<vmem>> -> memref<1x8x1x8x128xf32, #tpu.memory_space<vmem>>
    %dma_wait3A_226 = tpu.memref_squeeze %dma_wait3A_225 : memref<1x8x1x8x128xf32, #tpu.memory_space<vmem>> -> memref<8x1x8x128xf32, #tpu.memory_space<vmem>>
    tpu.wait_dma2 semaphore(%dma_wait3A_216 : memref<!tpu.dma_semaphore, #tpu.memory_space<semaphore_mem>>) src(%dma_wait3A_226 : memref<8x1x8x128xf32, #tpu.memory_space<vmem>>) dst(%dma_wait3A_220 : memref<8x1x8x128xf32, #tpu.memory_space<hbm>>)
    %add3A_227 = arith.constant 50 : i32
    %add3A_228 = arith.addi %mul3A_2, %add3A_227 : i32
    %sub3A_229 = arith.constant 5 : i32
    %sub3A_230 = arith.subi %add3A_228, %sub3A_229 : i32
    %add3A_231 = arith.constant 4 : i32
    %add3A_232 = arith.addi %sub3A_230, %add3A_231 : i32
    %dma_wait3A_233 = arith.constant 4 : i32
    %dma_wait3A_234 = arith.constant 4 : i32
    %dma_wait3A_235 = arith.constant 0 : i32
    %dma_wait3A_236 = arith.constant 0 : i32
    %dma_wait3A_237 = arith.constant 0 : i32
    %dma_wait3A_238 = arith.constant 0 : i32
    %dma_wait3A_239 = tpu.memref_slice %arg7[%dma_wait3A_233, %dma_wait3A_235, %dma_wait3A_236, %dma_wait3A_237, %dma_wait3A_238] : memref<5x8x1x8x129xf32, #tpu.memory_space<vmem>> -> memref<1x8x1x8x128xf32, #tpu.memory_space<vmem>>
    %dma_wait3A_240 = tpu.memref_squeeze %dma_wait3A_239 : memref<1x8x1x8x128xf32, #tpu.memory_space<vmem>> -> memref<8x1x8x128xf32, #tpu.memory_space<vmem>>
    %dma_wait3A_241 = arith.constant 0 : i32
    %dma_wait3A_242 = arith.constant 0 : i32
    %dma_wait3A_243 = arith.constant 0 : i32
    %dma_wait3A_244 = tpu.memref_slice %arg4[%dma_wait3A_241, %add3A_232, %dma_wait3A_242, %dma_wait3A_243] : memref<8x1600x8x128xf32, #tpu.memory_space<hbm>> -> memref<8x1x8x128xf32, #tpu.memory_space<hbm>>
    %dma_wait3A_245 = tpu.memref_slice %arg9[%dma_wait3A_234] : memref<5x!tpu.dma_semaphore, #tpu.memory_space<semaphore_mem>> -> memref<1x!tpu.dma_semaphore, #tpu.memory_space<semaphore_mem>>
    %dma_wait3A_246 = tpu.memref_squeeze %dma_wait3A_245 : memref<1x!tpu.dma_semaphore, #tpu.memory_space<semaphore_mem>> -> memref<!tpu.dma_semaphore, #tpu.memory_space<semaphore_mem>>
    %dma_wait3A_247 = arith.constant 0 : i32
    %dma_wait3A_248 = arith.constant 0 : i32
    %dma_wait3A_249 = arith.constant 0 : i32
    %dma_wait3A_250 = tpu.memref_slice %arg4[%dma_wait3A_247, %add3A_232, %dma_wait3A_248, %dma_wait3A_249] : memref<8x1600x8x128xf32, #tpu.memory_space<hbm>> -> memref<8x1x8x128xf32, #tpu.memory_space<hbm>>
    %dma_wait3A_251 = arith.constant 0 : i32
    %dma_wait3A_252 = arith.constant 0 : i32
    %dma_wait3A_253 = arith.constant 0 : i32
    %dma_wait3A_254 = arith.constant 0 : i32
    %dma_wait3A_255 = tpu.memref_slice %arg7[%dma_wait3A_233, %dma_wait3A_251, %dma_wait3A_252, %dma_wait3A_253, %dma_wait3A_254] : memref<5x8x1x8x129xf32, #tpu.memory_space<vmem>> -> memref<1x8x1x8x128xf32, #tpu.memory_space<vmem>>
    %dma_wait3A_256 = tpu.memref_squeeze %dma_wait3A_255 : memref<1x8x1x8x128xf32, #tpu.memory_space<vmem>> -> memref<8x1x8x128xf32, #tpu.memory_space<vmem>>
    tpu.wait_dma2 semaphore(%dma_wait3A_246 : memref<!tpu.dma_semaphore, #tpu.memory_space<semaphore_mem>>) src(%dma_wait3A_256 : memref<8x1x8x128xf32, #tpu.memory_space<vmem>>) dst(%dma_wait3A_250 : memref<8x1x8x128xf32, #tpu.memory_space<hbm>>)
    return
  }
}

</mosaic_0001>

<sc_bundles>
// kernel: kernel.3.cloned.1.call-start
scs
__scs_entry_jumppad:
0x0: {  	(pc) =	sbr.rel $0x88, $3  }
0x1: {  	(tag) =	ssettag $0x0;
	lr =	simm.s32 $0x1  }
0x2: {  	[smem:$0x3F9F] =	sst lr;
	_ =	strace $0xD0000000  }
0x3: {  	_ = 	snop  }
0x4: {  	_ = 	snop  }
0x5: {  	_ = 	snop  }
0x6: {  	_ = 	snop  }
0x7: {  	_ = 	snop  }
__scs_overlays_trampoline_lowered:
0x8: {  	[smem:$0x3FAE] =	sst s0  }
0x9: {  	[smem:$0x3FAF] =	sst s1  }
0xa: {  	[smem:$0x3FB0] =	sst s2  }
0xb: {  	[smem:$0x3FB1] =	sst s3  }
0xc: {  	[smem:$0x3FB2] =	sst s4  }
0xd: {  	[smem:$0x3FB3] =	sst s5  }
0xe: {  	[smem:$0x3FB4] =	sst s6  }
0xf: {  	[smem:$0x3FB5] =	sst s7  }
0x10: {  	[smem:$0x3FB6] =	sst s8  }
0x11: {  	[smem:$0x3FB7] =	sst s9;
	s0 =	simm.s32 @!p0 $0x0  }
0x12: {  	s1 =	sld [smem:$0x3F9D];
	s0 =	simm.s32 @p0 $0x1  }
0x13: {  	[smem:$0x3FB8] =	sst s0;
	s0 =	simm.s32 @!p1 $0x0  }
0x14: {  	s2 =	sld [smem:$0x3F9C];
	s0 =	simm.s32 @p1 $0x1  }
0x15: {  	[smem:$0x3FB9] =	sst s0;
	s0 =	simm.s32 @!p2 $0x0  }
0x16: {  	s3 =	sld [smem:$0x3FDB];
	s0 =	simm.s32 @p2 $0x1  }
0x17: {  	s4 =	simm.s32 $0x1BF5;
	[smem:$0x3FBB] =	sst s0  }
0x18: {  	s0 =	sld [smem:$0x3F9E];
	_ =	swait.ge [sflag:s4], $0x0  }
0x19: {  	s7 =	sld [smem:$0x3F9F]  }
0x1a: {  	s8 =	sadd.s32 $0xFFFFE003, lr  }
0x1b: {  	s9 =	sadd.s32 $0xFFFFFEF7, lr;
	s5 =	simm.s32 $0xFFFFFFFF;
	p2 =	slt.u32 s8, $0xFFFFF086  }
0x1c: {  	p1 =	slt.u32 s9, $0xF7A;
	s5 =	simm.s32 @!p2 $0x0  }
0x1d: {  	s5 =	simm.s32 @p1 $0x1;
	p0 =	seq.s32 s7, s2  }
0x1e: {  	s7 =	smul.u32 @!p0 $0xF7A, s2;
	p2 =	seq.s32 @!p0 s5, $0x0  }
0x1f: {  	s9 =	smul.u32 $0xF7A, s1;
	s8 =	simm.s32 @!p0 $0x1BF5;
	p2 =	por !p2, p0  }
0x20: {  	[sflag:s8] =	ssyncset.s32 @!p0 $0xFFFFF086;
	s6 =	sadd.s32 @!p0 s3, s7;
	s7 =	simm.s32 @!p0 $0x108  }
0x21: {  	s3 =	sadd.s32 s3, s9;
	s6 =	sadd.s32 @!p0 $0x88, s6;
	s7 =	simm.s32 @p2 $0x1082  }
0x22: {  	[simem:s7], [sflag:s8] =	dma.local @!p0 [hbm:s6], $0xF7A  }
0x23: {  	s9 =	sor.u32 $0xD0000000, s2;
	s6 =	simm.s32 $0x108;
	_ =	swait.ge @!p0 [sflag:s8], $0x0  }
0x24: {  	s3 =	sadd.s32 $0x88, s3;
	s6 =	simm.s32 @!p1 $0x1082;
	[sflag:s4] =	ssyncset.s32 $0xFFFFF086  }
0x25: {  	[simem:s6], [sflag:s4] =	dma.local [hbm:s3], $0xF7A  }
0x26: {  	[smem:$0x3F9F] =	sst s1;
	(tag) =	ssettag s2;
	_ =	strace s9  }
0x27: {  	s1 =	sld [smem:$0x3FAF]  }
0x28: {  	s2 =	sld [smem:$0x3FB0]  }
0x29: {  	s4 =	sld [smem:$0x3FB2]  }
0x2a: {  	p0 =	seq.s32 s5, $0x0;
	s5 =	sld [smem:$0x3FB3]  }
0x2b: {  	s6 =	sld [smem:$0x3FB4]  }
0x2c: {  	s7 =	sld [smem:$0x3FB5]  }
0x2d: {  	s3 =	simm.s32 $0x108;
	s8 =	sld [smem:$0x3FB6]  }
0x2e: {  	s3 =	simm.s32 @!p0 $0x1082;
	s9 =	sld [smem:$0x3FB7]  }
0x2f: {  	lr =	sadd.s32 s0, s3;
	s0 =	sld [smem:$0x3FAE]  }
0x30: {  	s3 =	sld [smem:$0x3FB1]  }
0x31: {  	[smem:$0x3FBA] =	sst s10  }
0x32: {  	s10 =	sld [smem:$0x3FB8];
	_ =	sdelay $0x3  }
0x33: {  	p0 =	seq.s32 s10, $0x1;
	s10 =	sld [smem:$0x3FBA];
	_ =	sdelay $0x3  }
0x34: {  	[smem:$0x3FBA] =	sst s10  }
0x35: {  	s10 =	sld [smem:$0x3FB9];
	_ =	sdelay $0x3  }
0x36: {  	p1 =	seq.s32 s10, $0x1;
	s10 =	sld [smem:$0x3FBA];
	_ =	sdelay $0x3  }
0x37: {  	[smem:$0x3FBA] =	sst s10  }
0x38: {  	s10 =	sld [smem:$0x3FBB]  }
0x39: {  	_ = 	snop;
	(pc) =	sbr.ind lr, $3  }
0x3a: {  	_ = 	snop  }
0x3b: {  	_ = 	snop  }
0x3c: {  	p2 =	seq.s32 s10, $0x1;
	s10 =	sld [smem:$0x3FBA]  }
0x3d: {  	_ =	shalt  }
0x3e: {  	_ =	shalt  }
0x3f: {  	_ =	shalt  }
0x40: {  	_ =	shalt  }
0x41: {  	_ =	shalt  }
0x42: {  	_ =	shalt  }
0x43: {  	_ =	shalt  }
0x44: {  	_ =	shalt  }
0x45: {  	_ =	shalt  }
0x46: {  	_ =	shalt  }
0x47: {  	_ =	shalt  }
0x48: {  	_ =	shalt  }
0x49: {  	_ =	shalt  }
0x4a: {  	_ =	shalt  }
0x4b: {  	_ =	shalt  }
0x4c: {  	_ =	shalt  }
0x4d: {  	_ =	shalt  }
0x4e: {  	_ =	shalt  }
0x4f: {  	_ =	shalt  }
0x50: {  	_ =	shalt  }
0x51: {  	_ =	shalt  }
0x52: {  	_ =	shalt  }
0x53: {  	_ =	shalt  }
0x54: {  	_ =	shalt  }
0x55: {  	_ =	shalt  }
0x56: {  	_ =	shalt  }
0x57: {  	_ =	shalt  }
0x58: {  	_ =	shalt  }
0x59: {  	_ =	shalt  }
0x5a: {  	_ =	shalt  }
0x5b: {  	_ =	shalt  }
0x5c: {  	_ =	shalt  }
0x5d: {  	_ =	shalt  }
0x5e: {  	_ =	shalt  }
0x5f: {  	_ =	shalt  }
0x60: {  	_ =	shalt  }
0x61: {  	_ =	shalt  }
0x62: {  	_ =	shalt  }
0x63: {  	_ =	shalt  }
0x64: {  	_ =	shalt  }
0x65: {  	_ =	shalt  }
0x66: {  	_ =	shalt  }
0x67: {  	_ =	shalt  }
0x68: {  	_ =	shalt  }
0x69: {  	_ =	shalt  }
0x6a: {  	_ =	shalt  }
0x6b: {  	_ =	shalt  }
0x6c: {  	_ =	shalt  }
0x6d: {  	_ =	shalt  }
0x6e: {  	_ =	shalt  }
0x6f: {  	_ =	shalt  }
0x70: {  	_ =	shalt  }
0x71: {  	_ =	shalt  }
0x72: {  	_ =	shalt  }
0x73: {  	_ =	shalt  }
0x74: {  	_ =	shalt  }
0x75: {  	_ =	shalt  }
0x76: {  	_ =	shalt  }
0x77: {  	_ =	shalt  }
0x78: {  	_ =	shalt  }
0x79: {  	_ =	shalt  }
0x7a: {  	_ =	shalt  }
0x7b: {  	_ =	shalt  }
0x7c: {  	_ =	shalt  }
0x7d: {  	_ =	shalt  }
0x7e: {  	_ =	shalt  }
0x7f: {  	_ =	shalt  }
0x80: {  	_ =	shalt  }
0x81: {  	_ =	shalt  }
0x82: {  	_ =	shalt  }
0x83: {  	_ =	shalt  }
0x84: {  	_ =	shalt  }
0x85: {  	_ =	shalt  }
0x86: {  	_ =	shalt  }
0x87: {  	_ =	shalt  }
.Lfunc_end0:
.L_simem_size_0:
called_computation_lowered:
.L_overlay_start_0:
0x88: {  	s2 =	sld [smem:$0x3FD9]  }
0x89: {  	s3 =	sld [smem:$0x3FFE];
	_ =	sdelay $0x1  }
0x8a: {  	s1 =	srdreg.scid  }
0x8b: {  	s0 =	sand.u32 $0x1, s1  }
0x8c: {  	s17 =	sshll.u32 s0, $0xA;
	s2 =	sadd.s32 s3, s2  }
0x8d: {  	s2 =	sadd.s32 s2, s17  }
0x8e: {  	[smem:$0x3FC6] =	sst s2  }
0x8f: {  	_ = 	snop  }
0x90: {  	s2 =	sld [smem:$0x3FC9]  }
0x91: {  	s18 =	sld [smem:$0x3FD0];
	(tm) =	ssettm $0x1  }
0x92: {  	s4 =	sld [smem:$0x3FFB];
	_ =	sdelay $0x3  }
0x93: {  	_ =	strace s4  }
0x94: {  	s4 =	sld [smem:$0x3FFC];
	_ =	sdelay $0x3  }
0x95: {  	_ =	strace s4  }
0x96: {  	s4 =	sld [smem:$0x3FFD];
	_ =	sdelay $0x3  }
0x97: {  	_ =	strace s4  }
0x98: {  	_ =	strace $0x8FFFFFFF  }
0x99: {  	s19 =	sld [smem:$0x3FDB];
	_ =	sdelay $0x1  }
0x9a: {  	s5 =	simm.s32 $_scs_section_size  }
0x9b: {  	s6 =	simm.s32 $_size__tile_overlayer_lowered;
	s7 =	simm.s32 $_tile_overlayer_lowered  }
0x9c: {  	s22 =	simm.s32 $0x1BFF;
	s21 =	sshll.u32 s7, $0x1;
	s4 =	sadd.s32 s5, s19  }
0x9d: {  	s8 =	simm.s32 $0x0;
	s20 =	sshll.u32 s6, $0x1;
	s6 =	sadd.s32 s21, s4  }
0x9e: {  	[timem:s8], [sflag:s22] =	dma.local [hbm:s6], s20  }
0x9f: {  	_ =	swait.ge [sflag:s22], s20  }
0xa0: {  	s5 =	ssub.s32 $0x0, s20;
	[sflag:s22] =	ssyncset.done $0x0  }
0xa1: {  	[sflag:s22] =	ssyncadd.s32 s5;
	_ =	sdelay $0x1  }
0xa2: {  	s23 =	simm.s32 $0x1B8B  }
0xa3: {  	_ =	swait.ge [sflag:s23], $0x1  }
0xa4: {  	[sflag:s23] =	ssyncset.done $0x0  }
0xa5: {  	s25 =	simm.s32 $0x1B8E;
	s24 =	sld [smem:$0x3FFE];
	[sflag:s23] =	ssyncadd.s32 $0xFFFFFFFF  }
0xa6: {  	s26 =	simm.s32 $execute0_lowered;
	[smem:$0x3FD2] =	sst s25  }
0xa7: {  	s6 =	sshll.u32 s26, $0x1;
	_ =	strace $0x80000046;
	[dreg:$0x1] =	wrdreg $0xFFFFFFFF  }
0xa8: {  	s28 =	simm.s32 $_size_execute0_lowered;
	s4 =	sadd.s32 s4, s6;
	[dreg:$0x0] =	wrdreg $0x0  }
0xa9: {  	s6 =	sshll.u32 s28, $0x1;
	[dreg:$0x2] =	wrdreg s4  }
0xaa: {  	[dreg:$0x3] =	wrdreg s6  }
0xab: {  	[dreg:$0x4] =	wrdreg $0xC0  }
0xac: {  	_ =	task [dreg:s8], $0x5FFFF  }
0xad: {  	[dreg:$0x1] =	wrdreg $0xFFFFFFFF  }
0xae: {  	[dreg:$0x0] =	wrdreg $0x60  }
0xaf: {  	[dreg:$0x2] =	wrdreg s2  }
0xb0: {  	[dreg:$0x3] =	wrdreg s24  }
0xb1: {  	[dreg:$0x4] =	wrdreg s18  }
0xb2: {  	[dreg:$0x5] =	wrdreg $0x9  }
0xb3: {  	_ =	task.clear_ibuf [dreg:s8], $0x6FFFF;
	_ =	strace $0x90000046  }
0xb4: {  	s29 =	simm.s32 $0x9;
	_ =	strace $0x80000048  }
0xb5: {  	_ =	swait.ge [sflag:s29], $0x1  }
0xb6: {  	[sflag:s29] =	ssyncadd.s32 $0xFFFFFFFF  }
0xb7: {  	_ =	strace $0x90000048  }
0xb8: {  	_ =	sfence  }
0xb9: {  	s30 =	sld [smem:$0x0];
	_ =	sdelay $0x2  }
0xba: {  	s31 =	sshll.u32 s1, $0xD;
	s1 =	sshrl.u32 s1, $0x2  }
0xbb: {  	s3 =	sand.u32 $0x4000, s31;
	s1 =	sadd.s32 s1, s30  }
0xbc: {  	s0 =	sor.u32 s3, s0;
	s1 =	sshll.u32 s1, $0x11  }
0xbd: {  	s0 =	sor.u32 s1, s0  }
0xbe: {  	s0 =	sadd.s32 $0x8F2B, s0  }
0xbf: {  	[sflag:s0] =	ssyncadd.remote.s32 $0x1  }
0xc0: {  	_ =	sfence.sel $0xFFFF  }
0xc1: {  	[dreg:$0x0] =	wrdreg $0xFFFFFFFF;
	(pc) =	sbr.abs _section_cstart, $3  }
0xc2: {  	[dreg:$0x1] =	wrdreg $0xFFFFFFFF  }
0xc3: {  	_ =	task.clear_ibuf [dreg:s8], $0x2FFFF;
	_ =	strace $0x9FFFFFFF  }
0xc4: {  	(tm) =	ssettm $0x7FFFFFFF  }
0xc5: {  	_ =	shalt  }
tec
execute0_lowered:
.L_overlay_start_1:
0x0: {  	(tag) =	ssettag $0x1  }
0x1: {  	s0 =	rddreg [dreg:$0x0]  }
0x2: {  	s1 =	srdreg.scid;
	s2 =	stileid.u32;
	v0 =	vlaneseq.u32  }
0x3: {  	s5 =	rddreg [dreg:$0x1];
	s13 =	simm.s32 $0x80;
	s22 =	simm.s32 $0x1;
	v0 =	vmul.u32 $0x88, v0  }
0x4: {  	v1 =	vimm.s32 $0x0;
	vm0 =	vcmask $0x300;
	s23 =	simm.s32 $0xE100;
	s24 =	simm.s32 $0x2;
	s25 =	simm.s32 $0x7  }
0x5: {  	s28 =	simm.s32 $0x3;
	s29 =	simm.s32 $0x8;
	s30 =	simm.s32 $0x12500;
	v1 =	vsel vm0, $0x3, v1;
	v2 =	vadd.s32 $0x880, v0  }
0x6: {  	s31 =	simm.s32 $0x4;
	s16 =	simm.s32 $0x5;
	s18 =	simm.s32 $0xA;
	v3 =	vadd.s32 $0x1100, v0;
	v4 =	vadd.s32 $0x1980, v0;
	v5 =	vor.u32 $0x1, v0  }
0x7: {  	s20 =	simm.s32 $0x16900;
	s1 =	sand.u32 $0x1, s1;
	s3 =	sshll.u32 s2, $0x1;
	v6 =	vadd.s32 $0x881, v0;
	v7 =	vadd.s32 $0x1101, v0;
	v8 =	vadd.s32 $0x1981, v0  }
0x8: {  	s11 =	simm.s32 $0x0;
	s2 =	rddreg [dreg:$0x2];
	s6 =	sor.u32 s1, s3;
	v9 =	vor.u32 $0x2, v0;
	v10 =	vadd.s32 $0x882, v0;
	v11 =	vadd.s32 $0x1102, v0  }
0x9: {  	s5 =	sadd.s32 $0x186E00, s5;
	s3 =	simm.s32 $0x0;
	s4 =	smul.u32 $0x32, s6;
	v12 =	vadd.s32 $0x1982, v0;
	v13 =	vor.u32 $0x3, v0;
	v14 =	vadd.s32 $0x883, v0  }
0xa: {  	s1 =	ssub.s32 $0x2, s1;
	[smem:$0x7FF] =	sst s3;
	s6 =	smul.u32 $0x320, s6;
	v15 =	vadd.s32 $0x1103, v0;
	v16 =	vadd.s32 $0x1983, v0;
	v17 =	vor.u32 $0x4, v0  }
.Ltmp0:
0xb: {  	s7 =	sshrl.u32 s1, $0x1;
	v18 =	vadd.s32 $0x884, v0;
	v19 =	vadd.s32 $0x1104, v0;
	v20 =	vadd.s32 $0x1984, v0;
	_ =	strace $0x80000047;
	(pc) =	sbr.rel .LBB2_1-.Ltmp0, $4  }
0xc: {  	v21 =	vor.u32 $0x5, v0;
	v22 =	vadd.s32 $0x885, v0;
	v23 =	vadd.s32 $0x1105, v0;
	s1 =	ssub.s32 s1, s7;
	s0 =	sadd.s32 s0, s6;
	s7 =	sor.u32 $0x1, s4  }
0xd: {  	v24 =	vadd.s32 $0x1985, v0;
	v25 =	vor.u32 $0x6, v0;
	v26 =	vadd.s32 $0x886, v0;
	s8 =	sadd.s32 $0x2, s4;
	s9 =	sadd.s32 $0x3, s4;
	s10 =	sadd.s32 $0x4, s4  }
0xe: {  	v27 =	vadd.s32 $0x1106, v0;
	v28 =	vadd.s32 $0x1986, v0;
	v29 =	vor.u32 $0x7, v0;
	s26 =	smax.u32 s1, $0x1;
	s1 =	simm.s32 $0x9;
	[dreg:$0x4] =	wrdreg s0  }
0xf: {  	v30 =	vadd.s32 $0x887, v0;
	v31 =	vadd.s32 $0x1107, v0;
	v32 =	vadd.s32 $0x1987, v0;
	[dreg:$0x5] =	wrdreg s26;
	s26 =	simm.s32 $0x10300;
	s0 =	simm.s32 $0x14700  }
.LBB2_40:
0x10: {  	s6 =	simm.s32 $0x6  }
0x11: {  	_ =	swait.ge [sflag:s6], $0x2000  }
0x12: {  	[sflag:s6] =	ssyncset.done $0x0  }
0x13: {  	[sflag:s6] =	ssyncadd.s32 $0xFFFFE000  }
0x14: {  	_ =	swait.ge [sflag:s25], $0x2000  }
0x15: {  	[sflag:s25] =	ssyncset.done $0x0  }
0x16: {  	[sflag:s25] =	ssyncadd.s32 $0xFFFFE000  }
0x17: {  	_ =	swait.ge [sflag:s29], $0x2000  }
0x18: {  	[sflag:s29] =	ssyncset.done $0x0  }
0x19: {  	[sflag:s29] =	ssyncadd.s32 $0xFFFFE000  }
0x1a: {  	_ =	swait.ge [sflag:s1], $0x2000  }
0x1b: {  	[sflag:s1] =	ssyncset.done $0x0  }
0x1c: {  	[sflag:s1] =	ssyncadd.s32 $0xFFFFE000  }
0x1d: {  	_ =	swait.ge [sflag:s18], $0x2000  }
0x1e: {  	s11 =	rddreg [dreg:$0x6]  }
0x1f: {  	s21 =	rddreg [dreg:$0x5];
	s11 =	sadd.s32 $0x1, s11  }
0x20: {  	p0 =	sne.s32 s11, s21  }
.Ltmp1:
0x21: {  	_ = 	snop;
	(pc) =	sbr.rel @!p0 .LBB2_41-.Ltmp1, $3  }
0x22: {  	_ =	sdelay $0x1  }
0x23: {  	[sflag:s18] =	ssyncset.done $0x0  }
0x24: {  	[sflag:s18] =	ssyncadd.s32 $0xFFFFE000  }
.LBB2_1:
0x25: {  	[dreg:$0x6] =	wrdreg s11  }
0x26: {  	s6 =	rddreg [dreg:$0x4];
	s19 =	simm.s32 $0xB  }
0x27: {  	[tilespmem:s3], [sflag:$0xB] =	stream.linear.gather [hbm4b:s6+s3], $0x1900, $0x38;
	[tilespmem:$0x18B00] =	vst v63  }
0x28: {  	_ =	swait.ge [sflag:s19], $0x1900  }
0x29: {  	[sflag:s19] =	ssyncset.done $0x0  }
0x2a: {  	s21 =	simm.s32 $0x1900;
	[sflag:s19] =	ssyncadd.s32 $0xFFFFE700  }
0x2b: {  	[tilespmem:s21], [sflag:$0x1] =	stream.indirect.gather [hbm4b:s5+s13], $0x50, s3, s13, $0xb8;
	[tilespmem:$0x18B00] =	vst v63  }
0x2c: {  	s11 =	simm.s32 $0x4100  }
0x2d: {  	[tilespmem:s11], [sflag:$0x2] =	stream.indirect.gather [hbm4b:s5+s13], $0x50, s13, s13, $0xb8;
	[tilespmem:$0x18B00] =	vst v63  }
0x2e: {  	s12 =	simm.s32 $0x100;
	s14 =	simm.s32 $0x6900  }
0x2f: {  	[tilespmem:s14], [sflag:$0x3] =	stream.indirect.gather [hbm4b:s5+s13], $0x50, s12, s13, $0xb8;
	[tilespmem:$0x18B00] =	vst v63  }
0x30: {  	s15 =	simm.s32 $0x180;
	s17 =	simm.s32 $0x9100  }
0x31: {  	[tilespmem:s17], [sflag:$0x4] =	stream.indirect.gather [hbm4b:s5+s13], $0x50, s15, s13, $0xb8;
	[tilespmem:$0x18B00] =	vst v63  }
0x32: {  	s19 =	simm.s32 $0x200;
	s21 =	simm.s32 $0xB900;
	s12 =	simm.s32 $0x0  }
0x33: {  	[tilespmem:s21], [sflag:$0x5] =	stream.indirect.gather [hbm4b:s5+s13], $0x50, s19, s13, $0xb8;
	[tilespmem:$0x18B00] =	vst v63  }
.LBB2_2:
0x34: {  	s6 =	simm.s32 $0x0;
	s17 =	simm.s32 $0x1;
	s11 =	simm.s32 $0x2  }
0x35: {  	s19 =	simm.s32 $0x3;
	s21 =	simm.s32 $0x4;
	s14 =	simm.s32 $0x7;
	v33 =	vmov s6;
	v34 =	vmov s17;
	v35 =	vmov s11  }
0x36: {  	_ =	swait.ge [sflag:s22], $0x2800;
	s15 =	simm.s32 $0x5;
	v36 =	vmov s19;
	v37 =	vmov s21;
	v38 =	vmov s14  }
0x37: {  	p0 =	seq.s32 s12, $0x0;
	[sflag:s22] =	ssyncset.done $0x0;
	v39 =	vmov s15;
	s17 =	simm.s32 $0x6;
	v33 =	vshrl.u32 v33, $0x3;
	v38 =	vshrl.u32 v38, $0x3  }
0x38: {  	s11 =	simm.s32 @!p0 $0x6;
	[sflag:s22] =	ssyncadd.s32 $0xFFFFD800;
	v40 =	vmov s17;
	v34 =	vshrl.u32 v34, $0x3;
	v35 =	vshrl.u32 v35, $0x3  }
0x39: {  	v36 =	vshrl.u32 v36, $0x3;
	v37 =	vshrl.u32 v37, $0x3;
	_ =	swait.ge @!p0 [sflag:s11], $0x2000;
	v38 =	vshll.u32 v38, v1  }
0x3a: {  	v55 =	vshrl.u32 v39, $0x3;
	v33 =	vshll.u32 v33, v1;
	[sflag:s11] =	ssyncset.done @!p0 $0x0;
	v38 =	vbroadcast v38, $0x0  }
0x3b: {  	v34 =	vshll.u32 v34, v1;
	v51 =	vshll.u32 v35, v1;
	v33 =	vbroadcast v33, $0x0;
	[sflag:s11] =	ssyncadd.s32 @!p0 $0xFFFFE000;
	s11 =	simm.s32 $0x1A40  }
0x3c: {  	v52 =	vshll.u32 v36, v1;
	v47 =	vbroadcast v34, $0x0;
	v41 =	vld [tilespmem:s11+$0xF0];
	v42 =	vadd.s32 v29, v38  }
0x3d: {  	v54 =	vshll.u32 v37, v1;
	v53 =	vbroadcast v51, $0x0;
	v43 =	vld [tilespmem:s11+$0xFFFFFEC0];
	v44 =	vadd.s32 v0, v33  }
0x3e: {  	v36 =	vshll.u32 v55, v1;
	v35 =	vbroadcast v52, $0x0;
	v45 =	vld [tilespmem:s11+$0xFFFFFF10];
	v46 =	vadd.s32 v5, v47  }
0x3f: {  	v40 =	vshrl.u32 v40, $0x3;
	v34 =	vbroadcast v54, $0x0;
	v48 =	vld [tilespmem:s11+$0xFFFFFF60];
	v49 =	vadd.s32 v9, v53  }
0x40: {  	v37 =	vbroadcast v36, $0x0;
	v56 =	vshll.u32 v40, v1;
	v39 =	vld [tilespmem:s11+$0xFFFFFFB0];
	v50 =	vadd.s32 v13, v35  }
0x41: {  	v36 =	vbroadcast v56, $0x0;
	v51 =	vld [tilespmem:s11+$0x0];
	v52 =	vadd.s32 v17, v34;
	[tilespmem:v42+s23+$0x0] =	vst.idx.msk $0xffff, v41  }
0x42: {  	v59 =	vld [tilespmem:s11+$0x50];
	v60 =	vadd.s32 v21, v37;
	[tilespmem:v44+s23+$0x0] =	vst.idx.msk $0xffff, v43  }
0x43: {  	v61 =	vld [tilespmem:s11+$0xA0];
	v62 =	vadd.s32 v25, v36;
	[tilespmem:v46+s23+$0x0] =	vst.idx.msk $0xffff, v45  }
0x44: {  	v58 =	vadd.s32 v30, v38;
	[tilespmem:v49+s23+$0x0] =	vst.idx.msk $0xffff, v48;
	v57 =	vld [tilespmem:s11+$0x100]  }
0x45: {  	v63 =	vadd.s32 v6, v47;
	[tilespmem:v50+s23+$0x0] =	vst.idx.msk $0xffff, v39;
	v46 =	vld [tilespmem:s11+$0xFFFFFF20]  }
0x46: {  	v55 =	vadd.s32 v10, v53;
	[tilespmem:v52+s23+$0x0] =	vst.idx.msk $0xffff, v51;
	v54 =	vld [tilespmem:s11+$0xFFFFFF70]  }
0x47: {  	v56 =	vadd.s32 v14, v35;
	[tilespmem:v60+s23+$0x0] =	vst.idx.msk $0xffff, v59;
	v50 =	vld [tilespmem:s11+$0xFFFFFFC0]  }
0x48: {  	v45 =	vadd.s32 v22, v37;
	[tilespmem:v62+s23+$0x0] =	vst.idx.msk $0xffff, v61;
	v44 =	vld [tilespmem:s11+$0x60]  }
0x49: {  	v59 =	vadd.s32 v18, v34;
	[tilespmem:v58+s23+$0x0] =	vst.idx.msk $0xffff, v57;
	v58 =	vld [tilespmem:s11+$0x10]  }
0x4a: {  	v57 =	vadd.s32 v31, v38;
	[tilespmem:v63+s23+$0x0] =	vst.idx.msk $0xffff, v46;
	v40 =	vld [tilespmem:s11+$0x110]  }
0x4b: {  	v60 =	vadd.s32 v26, v36;
	[tilespmem:v55+s23+$0x0] =	vst.idx.msk $0xffff, v54;
	v63 =	vld [tilespmem:s11+$0xB0]  }
0x4c: {  	v61 =	vld [tilespmem:s11+$0xFFFFFED0];
	v62 =	vadd.s32 v2, v33;
	[tilespmem:v56+s23+$0x0] =	vst.idx.msk $0xffff, v50  }
0x4d: {  	v51 =	vadd.s32 v7, v47;
	[tilespmem:v45+s23+$0x0] =	vst.idx.msk $0xffff, v44;
	v50 =	vld [tilespmem:s11+$0xFFFFFF30]  }
0x4e: {  	v56 =	vadd.s32 v11, v53;
	v55 =	vld [tilespmem:s11+$0xFFFFFF80];
	[tilespmem:v59+s23+$0x0] =	vst.idx.msk $0xffff, v58  }
0x4f: {  	v58 =	vadd.s32 v15, v35;
	[tilespmem:v57+s23+$0x0] =	vst.idx.msk $0xffff, v40;
	v57 =	vld [tilespmem:s11+$0xFFFFFFD0]  }
0x50: {  	[tilespmem:v60+s23+$0x0] =	vst.idx.msk $0xffff, v63;
	v60 =	vadd.s32 v19, v34;
	v59 =	vld [tilespmem:s11+$0x20]  }
0x51: {  	s21 =	simm.s32 $0x9;
	v38 =	vadd.s32 v32, v38;
	[tilespmem:v62+s23+$0x0] =	vst.idx.msk $0xffff, v61;
	v54 =	vld [tilespmem:s11+$0x120]  }
0x52: {  	s19 =	simm.s32 $0x8;
	v41 =	vadd.s32 v23, v37;
	v52 =	vmov s21;
	[tilespmem:v51+s23+$0x0] =	vst.idx.msk $0xffff, v50;
	v40 =	vld [tilespmem:s11+$0x70]  }
0x53: {  	s15 =	simm.s32 $0xB;
	s17 =	simm.s32 $0xC;
	v43 =	vadd.s32 v27, v36;
	v48 =	vadd.s32 v3, v33;
	v63 =	vmov s19;
	v42 =	vld [tilespmem:s11+$0xC0];
	[tilespmem:v56+s23+$0x0] =	vst.idx.msk $0xffff, v55  }
0x54: {  	s21 =	simm.s32 $0xE;
	v44 =	vmov s15;
	v46 =	vmov s17;
	v45 =	vld [tilespmem:s11+$0xFFFFFEE0];
	v39 =	vshrl.u32 v63, $0x3;
	[tilespmem:v58+s23+$0x0] =	vst.idx.msk $0xffff, v57  }
0x55: {  	s14 =	simm.s32 $0xA;
	s19 =	simm.s32 $0xD;
	v51 =	vadd.s32 v8, v47;
	v49 =	vld [tilespmem:s11+$0xFFFFFF40];
	v47 =	vshll.u32 v39, v1;
	v39 =	vmov s21;
	[tilespmem:v60+s23+$0x0] =	vst.idx.msk $0xffff, v59  }
0x56: {  	s6 =	smul.u32 $0x5, s12;
	s15 =	simm.s32 $0xF;
	v53 =	vadd.s32 v12, v53;
	v50 =	vld [tilespmem:s11+$0xFFFFFF90];
	[tilespmem:v38+s23+$0x0] =	vst.idx.msk $0xffff, v54;
	v54 =	vmov s14;
	v38 =	vmov s19;
	s14 =	simm.s32 $0x10  }
.LBB2_3:
0x57: {  	p1 =	slt.u32 s14, $0x78;
	v52 =	vshrl.u32 v52, $0x3;
	v55 =	vmov s15;
	v56 =	vld [tilespmem:s11+$0xFFFFFFE0];
	v35 =	vadd.s32 v16, v35;
	[tilespmem:v41+s23+$0x0] =	vst.idx.msk $0xffff, v40  }
0x58: {  	v40 =	vshrl.u32 v54, $0x3;
	v34 =	vadd.s32 v20, v34;
	v41 =	vshrl.u32 v55, $0x3;
	v54 =	vld [tilespmem:s11+$0x30];
	[tilespmem:v43+s23+$0x0] =	vst.idx.msk $0xffff, v42  }
0x59: {  	v37 =	vadd.s32 v24, v37;
	v42 =	vshrl.u32 v44, $0x3;
	v41 =	vshll.u32 v41, v1;
	[tilespmem:v48+s23+$0x0] =	vst.idx.msk $0xffff, v45;
	v43 =	vld [tilespmem:s11+$0x80]  }
0x5a: {  	v36 =	vadd.s32 v28, v36;
	v44 =	vshrl.u32 v46, $0x3;
	v41 =	vbroadcast v41, $0x0;
	[tilespmem:v51+s23+$0x0] =	vst.idx.msk $0xffff, v49;
	v45 =	vld [tilespmem:s11+$0xD0]  }
0x5b: {  	v46 =	vshll.u32 v52, v1;
	v49 =	vadd.s32 v4, v33;
	v33 =	vbroadcast v47, $0x0;
	v48 =	vld [tilespmem:s11+$0xFFFFFEF0];
	[tilespmem:v53+s23+$0x0] =	vst.idx.msk $0xffff, v50;
	s11 =	sadd.s32 $0x280, s11  }
0x5c: {  	v40 =	vshll.u32 v40, v1;
	v47 =	vbroadcast v46, $0x0;
	v46 =	vld [tilespmem:s11+$0xF0];
	v50 =	vadd.s32 v29, v41;
	[tilespmem:v35+s23+$0x0] =	vst.idx.msk $0xffff, v56  }
0x5d: {  	v53 =	vbroadcast v40, $0x0;
	v52 =	vadd.s32 v0, v33;
	v35 =	vshll.u32 v42, v1;
	v51 =	vld [tilespmem:s11+$0xFFFFFEC0];
	[tilespmem:v34+s23+$0x0] =	vst.idx.msk $0xffff, v54  }
0x5e: {  	v42 =	vadd.s32 v5, v47;
	v35 =	vbroadcast v35, $0x0;
	v34 =	vshll.u32 v44, v1;
	v40 =	vld [tilespmem:s11+$0xFFFFFF10];
	[tilespmem:v37+s23+$0x0] =	vst.idx.msk $0xffff, v43  }
0x5f: {  	v44 =	vadd.s32 v9, v53;
	v34 =	vbroadcast v34, $0x0;
	v37 =	vshrl.u32 v38, $0x3;
	v43 =	vld [tilespmem:s11+$0xFFFFFF60];
	[tilespmem:v36+s23+$0x0] =	vst.idx.msk $0xffff, v45  }
0x60: {  	v39 =	vshrl.u32 v39, $0x3;
	v45 =	vadd.s32 v13, v35;
	v36 =	vshll.u32 v37, v1;
	v38 =	vld [tilespmem:s11+$0xFFFFFFB0];
	[tilespmem:v49+s23+$0x0] =	vst.idx.msk $0xffff, v48  }
0x61: {  	v49 =	vadd.s32 v17, v34;
	v37 =	vbroadcast v36, $0x0;
	v36 =	vshll.u32 v39, v1;
	v48 =	vld [tilespmem:s11+$0x0];
	[tilespmem:v50+s23+$0x0] =	vst.idx.msk $0xffff, v46  }
0x62: {  	v36 =	vbroadcast v36, $0x0;
	v46 =	vadd.s32 v30, v41;
	[tilespmem:v52+s23+$0x0] =	vst.idx.msk $0xffff, v51;
	v39 =	vld [tilespmem:s11+$0x100]  }
0x63: {  	[tilespmem:v42+s23+$0x0] =	vst.idx.msk $0xffff, v40;
	v40 =	vld [tilespmem:s11+$0x50];
	v42 =	vadd.s32 v21, v37  }
0x64: {  	[tilespmem:v44+s23+$0x0] =	vst.idx.msk $0xffff, v43;
	v43 =	vld [tilespmem:s11+$0xA0];
	v44 =	vadd.s32 v25, v36  }
0x65: {  	v51 =	vadd.s32 v6, v47;
	v50 =	vld [tilespmem:s11+$0xFFFFFF20];
	[tilespmem:v45+s23+$0x0] =	vst.idx.msk $0xffff, v38  }
0x66: {  	v45 =	vadd.s32 v10, v53;
	v38 =	vld [tilespmem:s11+$0xFFFFFF70];
	[tilespmem:v49+s23+$0x0] =	vst.idx.msk $0xffff, v48  }
0x67: {  	v49 =	vadd.s32 v14, v35;
	v48 =	vld [tilespmem:s11+$0xFFFFFFC0];
	[tilespmem:v46+s23+$0x0] =	vst.idx.msk $0xffff, v39  }
0x68: {  	[tilespmem:v42+s23+$0x0] =	vst.idx.msk $0xffff, v40;
	v39 =	vld [tilespmem:s11+$0x110];
	v40 =	vadd.s32 v31, v41  }
0x69: {  	v46 =	vadd.s32 v18, v34;
	v42 =	vld [tilespmem:s11+$0x10];
	[tilespmem:v44+s23+$0x0] =	vst.idx.msk $0xffff, v43  }
0x6a: {  	v44 =	vadd.s32 v22, v37;
	[tilespmem:v51+s23+$0x0] =	vst.idx.msk $0xffff, v50;
	v43 =	vld [tilespmem:s11+$0x60]  }
0x6b: {  	[tilespmem:v45+s23+$0x0] =	vst.idx.msk $0xffff, v38;
	v38 =	vld [tilespmem:s11+$0xB0];
	v45 =	vadd.s32 v26, v36  }
0x6c: {  	v51 =	vadd.s32 v2, v33;
	v50 =	vld [tilespmem:s11+$0xFFFFFED0];
	[tilespmem:v49+s23+$0x0] =	vst.idx.msk $0xffff, v48  }
0x6d: {  	v49 =	vadd.s32 v7, v47;
	v48 =	vld [tilespmem:s11+$0xFFFFFF30];
	[tilespmem:v40+s23+$0x0] =	vst.idx.msk $0xffff, v39  }
0x6e: {  	[tilespmem:v46+s23+$0x0] =	vst.idx.msk $0xffff, v42;
	v39 =	vld [tilespmem:s11+$0x120];
	v46 =	vadd.s32 v32, v41  }
0x6f: {  	v56 =	vadd.s32 v11, v53;
	v55 =	vld [tilespmem:s11+$0xFFFFFF80];
	[tilespmem:v44+s23+$0x0] =	vst.idx.msk $0xffff, v43  }
0x70: {  	v58 =	vadd.s32 v15, v35;
	v57 =	vld [tilespmem:s11+$0xFFFFFFD0];
	[tilespmem:v45+s23+$0x0] =	vst.idx.msk $0xffff, v38  }
0x71: {  	v60 =	vadd.s32 v19, v34;
	[tilespmem:v51+s23+$0x0] =	vst.idx.msk $0xffff, v50;
	v59 =	vld [tilespmem:s11+$0x20]  }
.Ltmp2:
0x72: {  	s15 =	sadd.s32 $0x1, s14;
	v41 =	vadd.s32 v23, v37;
	v38 =	vmov s14;
	[tilespmem:v49+s23+$0x0] =	vst.idx.msk $0xffff, v48;
	v40 =	vld [tilespmem:s11+$0x70];
	(pc) =	sbr.rel @p1 .LBB2_3-.Ltmp2, $4  }
0x73: {  	s17 =	sadd.s32 $0x3, s14;
	v52 =	vmov s15;
	s15 =	sadd.s32 $0x2, s14;
	v43 =	vadd.s32 v27, v36;
	v50 =	vshrl.u32 v38, $0x3;
	v42 =	vld [tilespmem:s11+$0xC0];
	[tilespmem:v46+s23+$0x0] =	vst.idx.msk $0xffff, v39  }
0x74: {  	v54 =	vmov s15;
	s15 =	sadd.s32 $0x4, s14;
	v44 =	vmov s17;
	s17 =	sadd.s32 $0x5, s14;
	v48 =	vadd.s32 v3, v33;
	v45 =	vld [tilespmem:s11+$0xFFFFFEE0];
	[tilespmem:v56+s23+$0x0] =	vst.idx.msk $0xffff, v55  }
0x75: {  	v38 =	vmov s17;
	v51 =	vadd.s32 v8, v47;
	v46 =	vmov s15;
	s15 =	sadd.s32 $0x6, s14;
	v49 =	vld [tilespmem:s11+$0xFFFFFF40];
	[tilespmem:v58+s23+$0x0] =	vst.idx.msk $0xffff, v57  }
0x76: {  	v53 =	vadd.s32 v12, v53;
	v47 =	vshll.u32 v50, v1;
	v39 =	vmov s15;
	s15 =	sadd.s32 $0x7, s14;
	s14 =	sadd.s32 $0x8, s14;
	v50 =	vld [tilespmem:s11+$0xFFFFFF90];
	[tilespmem:v60+s23+$0x0] =	vst.idx.msk $0xffff, v59  }
0x77: {  	_ =	sdelay $0x2  }
0x78: {  	v52 =	vshrl.u32 v52, $0x3  }
0x79: {  	v55 =	vmov s15;
	v56 =	vld [tilespmem:s11+$0xFFFFFFE0];
	v35 =	vadd.s32 v16, v35;
	[tilespmem:v41+s23+$0x0] =	vst.idx.msk $0xffff, v40;
	v57 =	vshrl.u32 v54, $0x3  }
0x7a: {  	v59 =	vld [tilespmem:s11+$0x30];
	v34 =	vadd.s32 v20, v34;
	v60 =	vshrl.u32 v44, $0x3;
	v58 =	vshrl.u32 v55, $0x3;
	[tilespmem:v43+s23+$0x0] =	vst.idx.msk $0xffff, v42  }
0x7b: {  	v37 =	vadd.s32 v24, v37;
	v62 =	vshrl.u32 v46, $0x3;
	v61 =	vld [tilespmem:s11+$0x80];
	v41 =	vshll.u32 v58, v1;
	[tilespmem:v48+s23+$0x0] =	vst.idx.msk $0xffff, v45  }
0x7c: {  	v36 =	vadd.s32 v28, v36;
	v46 =	vbroadcast v47, $0x0;
	v63 =	vld [tilespmem:s11+$0xD0];
	v41 =	vbroadcast v41, $0x0;
	[tilespmem:v51+s23+$0x0] =	vst.idx.msk $0xffff, v49  }
0x7d: {  	v33 =	vadd.s32 v4, v33;
	s17 =	sadd.s32 $0x280, s11;
	v38 =	vshrl.u32 v38, $0x3;
	v55 =	vshll.u32 v52, v1;
	v48 =	vld [tilespmem:s11+$0xFFFFFEF0];
	[tilespmem:v53+s23+$0x0] =	vst.idx.msk $0xffff, v50  }
0x7e: {  	v40 =	vshll.u32 v57, v1;
	v47 =	vbroadcast v55, $0x0;
	v49 =	vld [tilespmem:s17+$0xF0];
	v50 =	vadd.s32 v29, v41;
	[tilespmem:v35+s23+$0x0] =	vst.idx.msk $0xffff, v56  }
0x7f: {  	v42 =	vshll.u32 v60, v1;
	v40 =	vbroadcast v40, $0x0;
	v35 =	vld [tilespmem:s17+$0xFFFFFEC0];
	v56 =	vadd.s32 v0, v46;
	[tilespmem:v34+s23+$0x0] =	vst.idx.msk $0xffff, v59  }
0x80: {  	v57 =	vld [tilespmem:s17+$0xFFFFFF10];
	v44 =	vshll.u32 v62, v1;
	v42 =	vbroadcast v42, $0x0;
	v58 =	vadd.s32 v5, v47;
	[tilespmem:v37+s23+$0x0] =	vst.idx.msk $0xffff, v61  }
0x81: {  	v38 =	vshll.u32 v38, v1;
	v44 =	vbroadcast v44, $0x0;
	v60 =	vadd.s32 v9, v40;
	v59 =	vld [tilespmem:s17+$0xFFFFFF60];
	[tilespmem:v36+s23+$0x0] =	vst.idx.msk $0xffff, v63  }
0x82: {  	v38 =	vbroadcast v38, $0x0;
	v62 =	vadd.s32 v13, v42;
	v61 =	vld [tilespmem:s17+$0xFFFFFFB0];
	[tilespmem:v33+s23+$0x0] =	vst.idx.msk $0xffff, v48  }
0x83: {  	v39 =	vshrl.u32 v39, $0x3;
	v63 =	vadd.s32 v17, v44;
	v33 =	vld [tilespmem:s17+$0x0];
	[tilespmem:v50+s23+$0x0] =	vst.idx.msk $0xffff, v49  }
0x84: {  	v39 =	vshll.u32 v39, v1;
	v34 =	vld [tilespmem:s17+$0x50];
	[tilespmem:v56+s23+$0x0] =	vst.idx.msk $0xffff, v35;
	v56 =	vadd.s32 v21, v38  }
0x85: {  	[tilespmem:v58+s23+$0x0] =	vst.idx.msk $0xffff, v57;
	v35 =	vbroadcast v39, $0x0;
	v49 =	vadd.s32 v30, v41;
	v39 =	vld [tilespmem:s17+$0x100]  }
0x86: {  	[tilespmem:v60+s23+$0x0] =	vst.idx.msk $0xffff, v59;
	v59 =	vld [tilespmem:s17+$0xFFFFFF20];
	v60 =	vadd.s32 v6, v47  }
0x87: {  	v57 =	vld [tilespmem:s17+$0xA0];
	[tilespmem:v62+s23+$0x0] =	vst.idx.msk $0xffff, v61;
	v58 =	vadd.s32 v25, v35  }
0x88: {  	v61 =	vld [tilespmem:s17+$0xFFFFFF70];
	v62 =	vadd.s32 v10, v40;
	[tilespmem:v63+s23+$0x0] =	vst.idx.msk $0xffff, v33  }
0x89: {  	v33 =	vld [tilespmem:s17+$0xFFFFFFC0];
	v63 =	vadd.s32 v14, v42;
	[tilespmem:v56+s23+$0x0] =	vst.idx.msk $0xffff, v34  }
0x8a: {  	v56 =	vadd.s32 v18, v44;
	[tilespmem:v49+s23+$0x0] =	vst.idx.msk $0xffff, v39;
	v49 =	vld [tilespmem:s17+$0x10]  }
0x8b: {  	[tilespmem:v60+s23+$0x0] =	vst.idx.msk $0xffff, v59;
	v39 =	vadd.s32 v31, v41;
	v34 =	vld [tilespmem:s17+$0x110]  }
0x8c: {  	[tilespmem:v58+s23+$0x0] =	vst.idx.msk $0xffff, v57;
	v57 =	vld [tilespmem:s17+$0x60];
	v58 =	vadd.s32 v22, v38  }
0x8d: {  	[tilespmem:v62+s23+$0x0] =	vst.idx.msk $0xffff, v61;
	v61 =	vld [tilespmem:s17+$0xFFFFFED0];
	v62 =	vadd.s32 v2, v46  }
0x8e: {  	v60 =	vadd.s32 v26, v35;
	v59 =	vld [tilespmem:s17+$0xB0];
	[tilespmem:v63+s23+$0x0] =	vst.idx.msk $0xffff, v33  }
0x8f: {  	v55 =	vadd.s32 v11, v40;
	v54 =	vadd.s32 v32, v41;
	v41 =	vld [tilespmem:s17+$0xFFFFFF80];
	[tilespmem:v56+s23+$0x0] =	vst.idx.msk $0xffff, v49  }
0x90: {  	v53 =	vadd.s32 v7, v47;
	v63 =	vld [tilespmem:s17+$0xFFFFFF30];
	[tilespmem:v39+s23+$0x0] =	vst.idx.msk $0xffff, v34  }
0x91: {  	v56 =	vld [tilespmem:s17+$0xFFFFFFD0];
	[tilespmem:v58+s23+$0x0] =	vst.idx.msk $0xffff, v57;
	v57 =	vadd.s32 v15, v42  }
0x92: {  	[tilespmem:v62+s23+$0x0] =	vst.idx.msk $0xffff, v61;
	v34 =	vld [tilespmem:s17+$0x120]  }
0x93: {  	v58 =	vld [tilespmem:s17+$0x20];
	[tilespmem:v60+s23+$0x0] =	vst.idx.msk $0xffff, v59;
	v59 =	vadd.s32 v19, v44  }
0x94: {  	v61 =	vadd.s32 v23, v38;
	[tilespmem:v55+s23+$0x0] =	vst.idx.msk $0xffff, v41;
	v60 =	vld [tilespmem:s17+$0x70]  }
0x95: {  	[tilespmem:v53+s23+$0x0] =	vst.idx.msk $0xffff, v63;
	v63 =	vadd.s32 v27, v35;
	v62 =	vld [tilespmem:s17+$0xC0]  }
0x96: {  	v47 =	vadd.s32 v8, v47;
	v55 =	vld [tilespmem:s17+$0xFFFFFF40];
	[tilespmem:v57+s23+$0x0] =	vst.idx.msk $0xffff, v56  }
0x97: {  	v53 =	vld [tilespmem:s17+$0xFFFFFEE0];
	[tilespmem:v54+s23+$0x0] =	vst.idx.msk $0xffff, v34;
	v54 =	vadd.s32 v3, v46  }
0x98: {  	v40 =	vadd.s32 v12, v40;
	v56 =	vld [tilespmem:s17+$0xFFFFFF90];
	[tilespmem:v59+s23+$0x0] =	vst.idx.msk $0xffff, v58  }
0x99: {  	v42 =	vadd.s32 v16, v42;
	v57 =	vld [tilespmem:s17+$0xFFFFFFE0];
	[tilespmem:v61+s23+$0x0] =	vst.idx.msk $0xffff, v60  }
0x9a: {  	v59 =	vadd.s32 v20, v44;
	v58 =	vld [tilespmem:s17+$0x30];
	[tilespmem:v63+s23+$0x0] =	vst.idx.msk $0xffff, v62  }
0x9b: {  	v38 =	vadd.s32 v24, v38;
	v60 =	vld [tilespmem:s17+$0x80];
	[tilespmem:v47+s23+$0x0] =	vst.idx.msk $0xffff, v55  }
0x9c: {  	v35 =	vadd.s32 v28, v35;
	v61 =	vld [tilespmem:s17+$0xD0];
	[tilespmem:v54+s23+$0x0] =	vst.idx.msk $0xffff, v53  }
0x9d: {  	v63 =	vadd.s32 v4, v46;
	[tilespmem:v40+s23+$0x0] =	vst.idx.msk $0xffff, v56;
	v62 =	vld [tilespmem:s17+$0xFFFFFEF0]  }
0x9e: {  	[tilespmem:v42+s23+$0x0] =	vst.idx.msk $0xffff, v57  }
0x9f: {  	[tilespmem:v59+s23+$0x0] =	vst.idx.msk $0xffff, v58  }
0xa0: {  	s19 =	sadd.s32 s4, s6;
	[tilespmem:v38+s23+$0x0] =	vst.idx.msk $0xffff, v60  }
0xa1: {  	s11 =	sshll.u32 s19, $0x7;
	[tilespmem:v35+s23+$0x0] =	vst.idx.msk $0xffff, v61  }
0xa2: {  	s21 =	simm.s32 $0xE100;
	s14 =	sadd.s32 s2, s11;
	[tilespmem:v63+s23+$0x0] =	vst.idx.msk $0xffff, v62  }
0xa3: {  	[hbm4b:s14+s3] =	stream.linear.scatter [tilespmem:s21], [sflag:$0x6], $0x80, $0x38;
	[tilespmem:$0x18B00] =	vst v63  }
0xa4: {  	s15 =	simm.s32 $0xE188;
	s17 =	sadd.s32 $0x10, s14  }
0xa5: {  	[hbm4b:s17+s3] =	stream.linear.scatter [tilespmem:s15], [sflag:$0x6], $0x80, $0x38;
	[tilespmem:$0x18B00] =	vst v63  }
0xa6: {  	s19 =	simm.s32 $0xE210;
	s21 =	sadd.s32 $0x20, s14  }
0xa7: {  	[hbm4b:s21+s3] =	stream.linear.scatter [tilespmem:s19], [sflag:$0x6], $0x80, $0x38;
	[tilespmem:$0x18B00] =	vst v63  }
0xa8: {  	s15 =	simm.s32 $0xE298;
	s17 =	sadd.s32 $0x30, s14  }
0xa9: {  	[hbm4b:s17+s3] =	stream.linear.scatter [tilespmem:s15], [sflag:$0x6], $0x80, $0x38;
	[tilespmem:$0x18B00] =	vst v63  }
0xaa: {  	s19 =	simm.s32 $0xE320;
	s21 =	sadd.s32 $0x40, s14  }
0xab: {  	[hbm4b:s21+s3] =	stream.linear.scatter [tilespmem:s19], [sflag:$0x6], $0x80, $0x38;
	[tilespmem:$0x18B00] =	vst v63  }
0xac: {  	s11 =	simm.s32 $0x440;
	s15 =	simm.s32 $0xE3A8;
	s17 =	sadd.s32 $0x50, s14  }
0xad: {  	[hbm4b:s17+s3] =	stream.linear.scatter [tilespmem:s15], [sflag:$0x6], $0x80, $0x38;
	[tilespmem:$0x18B00] =	vst v63  }
0xae: {  	s19 =	simm.s32 $0xE430;
	s21 =	sadd.s32 $0x60, s14;
	s15 =	simm.s32 $0x2200  }
0xaf: {  	[hbm4b:s21+s3] =	stream.linear.scatter [tilespmem:s19], [sflag:$0x6], $0x80, $0x38;
	[tilespmem:$0x18B00] =	vst v63  }
0xb0: {  	s17 =	simm.s32 $0xE4B8;
	s19 =	sadd.s32 $0x70, s14;
	s14 =	sadd.s32 $0x32000, s14  }
.LBB2_5:
0xb1: {  	[hbm4b:s19+s3] =	stream.linear.scatter [tilespmem:s17], [sflag:$0x6], $0x80, $0x38;
	[tilespmem:$0x18B00] =	vst v63  }
0xb2: {  	s17 =	smov.u32 s11;
	s11 =	smov.u32 s15  }
0xb3: {  	s21 =	sadd.s32 $0x1100, s15;
	s11 =	sshra.s32 s11, $0x2;
	s19 =	sadd.s32 $0xE100, s17  }
0xb4: {  	[hbm4b:s14+s3] =	stream.linear.scatter [tilespmem:s19], [sflag:$0x6], $0x80, $0x38;
	[tilespmem:$0x18B00] =	vst v63  }
0xb5: {  	p1 =	sne.s32 s15, $0x7700;
	s15 =	sadd.s32 $0xE188, s17;
	s19 =	sadd.s32 $0x10, s14  }
0xb6: {  	[hbm4b:s19+s3] =	stream.linear.scatter [tilespmem:s15], [sflag:$0x6], $0x80, $0x38;
	[tilespmem:$0x18B00] =	vst v63  }
0xb7: {  	s15 =	sadd.s32 $0xE210, s17;
	s19 =	sadd.s32 $0x20, s14  }
0xb8: {  	[hbm4b:s19+s3] =	stream.linear.scatter [tilespmem:s15], [sflag:$0x6], $0x80, $0x38;
	[tilespmem:$0x18B00] =	vst v63  }
0xb9: {  	s15 =	sadd.s32 $0xE298, s17;
	s19 =	sadd.s32 $0x30, s14  }
0xba: {  	[hbm4b:s19+s3] =	stream.linear.scatter [tilespmem:s15], [sflag:$0x6], $0x80, $0x38;
	[tilespmem:$0x18B00] =	vst v63  }
0xbb: {  	s15 =	sadd.s32 $0xE320, s17;
	s19 =	sadd.s32 $0x40, s14  }
0xbc: {  	[hbm4b:s19+s3] =	stream.linear.scatter [tilespmem:s15], [sflag:$0x6], $0x80, $0x38;
	[tilespmem:$0x18B00] =	vst v63  }
.Ltmp3:
0xbd: {  	s15 =	sadd.s32 $0xE3A8, s17;
	s19 =	sadd.s32 $0x50, s14;
	(pc) =	sbr.rel @p1 .LBB2_5-.Ltmp3, $4  }
0xbe: {  	[hbm4b:s19+s3] =	stream.linear.scatter [tilespmem:s15], [sflag:$0x6], $0x80, $0x38;
	[tilespmem:$0x18B00] =	vst v63  }
0xbf: {  	s15 =	sadd.s32 $0xE430, s17;
	s19 =	sadd.s32 $0x60, s14;
	s17 =	sadd.s32 $0xE4B8, s17  }
0xc0: {  	[hbm4b:s19+s3] =	stream.linear.scatter [tilespmem:s15], [sflag:$0x6], $0x80, $0x38;
	[tilespmem:$0x18B00] =	vst v63  }
0xc1: {  	s19 =	sadd.s32 $0x70, s14;
	s14 =	sadd.s32 $0x32000, s14;
	s15 =	smov.u32 s21  }
0xc2: {  	[hbm4b:s19+s3] =	stream.linear.scatter [tilespmem:s17], [sflag:$0x6], $0x80, $0x38;
	[tilespmem:$0x18B00] =	vst v63  }
0xc3: {  	s15 =	sadd.s32 $0xE100, s11  }
0xc4: {  	[hbm4b:s14+s3] =	stream.linear.scatter [tilespmem:s15], [sflag:$0x6], $0x80, $0x38;
	[tilespmem:$0x18B00] =	vst v63  }
0xc5: {  	s19 =	sadd.s32 $0xE188, s11;
	s21 =	sadd.s32 $0x10, s14  }
0xc6: {  	[hbm4b:s21+s3] =	stream.linear.scatter [tilespmem:s19], [sflag:$0x6], $0x80, $0x38;
	[tilespmem:$0x18B00] =	vst v63  }
0xc7: {  	s19 =	sadd.s32 $0xE210, s11;
	s21 =	sadd.s32 $0x20, s14  }
0xc8: {  	[hbm4b:s21+s3] =	stream.linear.scatter [tilespmem:s19], [sflag:$0x6], $0x80, $0x38;
	[tilespmem:$0x18B00] =	vst v63  }
0xc9: {  	s19 =	sadd.s32 $0xE298, s11;
	s21 =	sadd.s32 $0x30, s14  }
0xca: {  	[hbm4b:s21+s3] =	stream.linear.scatter [tilespmem:s19], [sflag:$0x6], $0x80, $0x38;
	[tilespmem:$0x18B00] =	vst v63  }
0xcb: {  	s19 =	sadd.s32 $0xE320, s11;
	s21 =	sadd.s32 $0x40, s14  }
0xcc: {  	[hbm4b:s21+s3] =	stream.linear.scatter [tilespmem:s19], [sflag:$0x6], $0x80, $0x38;
	[tilespmem:$0x18B00] =	vst v63  }
0xcd: {  	p1 =	sne.s32 s12, $0x9;
	s19 =	sadd.s32 $0xE3A8, s11;
	s21 =	sadd.s32 $0x50, s14  }
0xce: {  	[hbm4b:s21+s3] =	stream.linear.scatter [tilespmem:s19], [sflag:$0x6], $0x80, $0x38;
	[tilespmem:$0x18B00] =	vst v63  }
.Ltmp4:
0xcf: {  	_ = 	snop;
	(pc) =	sbr.rel @p1 .LBB2_8-.Ltmp4, $4  }
0xd0: {  	s19 =	sadd.s32 $0xE430, s11;
	s21 =	sadd.s32 $0x60, s14  }
0xd1: {  	[hbm4b:s21+s3] =	stream.linear.scatter [tilespmem:s19], [sflag:$0x6], $0x80, $0x38;
	[tilespmem:$0x18B00] =	vst v63  }
0xd2: {  	s19 =	sadd.s32 $0xE4B8, s11;
	s21 =	sadd.s32 $0x70, s14  }
0xd3: {  	[hbm4b:s21+s3] =	stream.linear.scatter [tilespmem:s19], [sflag:$0x6], $0x80, $0x38;
	[tilespmem:$0x18B00] =	vst v63  }
.Ltmp5:
0xd4: {  	(pc) =	sbr.rel .LBB2_9-.Ltmp5, $4  }
0xd5: {  	_ = 	snop  }
0xd6: {  	_ =	swait.ge [sflag:s24], $0x2800  }
0xd7: {  	[sflag:s24] =	ssyncset.done $0x0  }
0xd8: {  	[sflag:s24] =	ssyncadd.s32 $0xFFFFD800  }
.LBB2_8:
0xd9: {  	s11 =	smul.u32 $0xA00, s12;
	_ =	sdelay $0x1  }
0xda: {  	s11 =	sshra.s32 s11, $0x2  }
.Ltmp6:
0xdb: {  	s14 =	simm.s32 $0x1900;
	s11 =	sadd.s32 $0x280, s11;
	(pc) =	sbr.rel @p0 .LBB2_10-.Ltmp6, $4  }
0xdc: {  	[tilespmem:s14], [sflag:$0x1] =	stream.indirect.gather [hbm4b:s5+s13], $0x50, s11, s13, $0xb8;
	[tilespmem:$0x18B00] =	vst v63  }
0xdd: {  	_ =	swait.ge [sflag:s24], $0x2800  }
0xde: {  	[sflag:s24] =	ssyncset.done $0x0  }
0xdf: {  	[sflag:s24] =	ssyncadd.s32 $0xFFFFD800  }
.LBB2_9:
0xe0: {  	_ =	swait.ge [sflag:s25], $0x2000  }
0xe1: {  	[sflag:s25] =	ssyncset.done $0x0  }
0xe2: {  	[sflag:s25] =	ssyncadd.s32 $0xFFFFE000  }
.LBB2_10:
0xe3: {  	s11 =	simm.s32 $0x0;
	s15 =	simm.s32 $0x1;
	s14 =	simm.s32 $0x2  }
0xe4: {  	s17 =	simm.s32 $0x3;
	s19 =	simm.s32 $0x4;
	s21 =	simm.s32 $0x5;
	v33 =	vmov s11;
	v34 =	vmov s15;
	v35 =	vmov s14  }
0xe5: {  	s15 =	simm.s32 $0x7;
	v36 =	vmov s17;
	v37 =	vmov s19;
	v39 =	vmov s21;
	s14 =	simm.s32 $0x6  }
0xe6: {  	v33 =	vshrl.u32 v33, $0x3;
	v38 =	vmov s15;
	v40 =	vmov s14  }
0xe7: {  	v34 =	vshrl.u32 v34, $0x3;
	v35 =	vshrl.u32 v35, $0x3;
	v36 =	vshrl.u32 v36, $0x3  }
0xe8: {  	v37 =	vshrl.u32 v37, $0x3;
	v55 =	vshrl.u32 v39, $0x3;
	v33 =	vshll.u32 v33, v1  }
0xe9: {  	v38 =	vshrl.u32 v38, $0x3;
	v34 =	vshll.u32 v34, v1;
	v33 =	vbroadcast v33, $0x0  }
0xea: {  	s11 =	simm.s32 $0x4360;
	v52 =	vshll.u32 v35, v1;
	v38 =	vshll.u32 v38, v1;
	v45 =	vbroadcast v34, $0x0  }
0xeb: {  	v43 =	vld [tilespmem:s11+$0xFFFFFDA0];
	v53 =	vshll.u32 v36, v1;
	v38 =	vbroadcast v38, $0x0;
	v44 =	vadd.s32 v0, v33  }
0xec: {  	v46 =	vld [tilespmem:s11+$0xFFFFFDF0];
	v54 =	vshll.u32 v37, v1;
	v52 =	vbroadcast v52, $0x0;
	v47 =	vadd.s32 v5, v45  }
0xed: {  	v41 =	vld [tilespmem:s11+$0xFFFFFFD0];
	v36 =	vshll.u32 v55, v1;
	v35 =	vbroadcast v53, $0x0;
	v42 =	vadd.s32 v29, v38  }
0xee: {  	v48 =	vld [tilespmem:s11+$0xFFFFFE40];
	v40 =	vshrl.u32 v40, $0x3;
	v34 =	vbroadcast v54, $0x0;
	v49 =	vadd.s32 v9, v52  }
0xef: {  	v39 =	vld [tilespmem:s11+$0xFFFFFE90];
	v37 =	vbroadcast v36, $0x0;
	v56 =	vshll.u32 v40, v1;
	v50 =	vadd.s32 v13, v35  }
0xf0: {  	v51 =	vld [tilespmem:s11+$0xFFFFFEE0];
	v36 =	vbroadcast v56, $0x0;
	v53 =	vadd.s32 v17, v34;
	[tilespmem:v44+s26+$0x0] =	vst.idx.msk $0xffff, v43  }
0xf1: {  	v59 =	vld [tilespmem:s11+$0xFFFFFF30];
	v60 =	vadd.s32 v21, v37;
	[tilespmem:v47+s26+$0x0] =	vst.idx.msk $0xffff, v46  }
0xf2: {  	v61 =	vld [tilespmem:s11+$0xFFFFFF80];
	v62 =	vadd.s32 v25, v36;
	[tilespmem:v42+s26+$0x0] =	vst.idx.msk $0xffff, v41  }
0xf3: {  	v58 =	vadd.s32 v30, v38;
	[tilespmem:v49+s26+$0x0] =	vst.idx.msk $0xffff, v48;
	v57 =	vld [tilespmem:s11+$0xFFFFFFE0]  }
0xf4: {  	v63 =	vadd.s32 v6, v45;
	[tilespmem:v50+s26+$0x0] =	vst.idx.msk $0xffff, v39;
	v47 =	vld [tilespmem:s11+$0xFFFFFE00]  }
0xf5: {  	v55 =	vadd.s32 v10, v52;
	[tilespmem:v53+s26+$0x0] =	vst.idx.msk $0xffff, v51;
	v54 =	vld [tilespmem:s11+$0xFFFFFE50]  }
0xf6: {  	v56 =	vadd.s32 v14, v35;
	[tilespmem:v60+s26+$0x0] =	vst.idx.msk $0xffff, v59;
	v50 =	vld [tilespmem:s11+$0xFFFFFEA0]  }
0xf7: {  	v46 =	vadd.s32 v22, v37;
	[tilespmem:v62+s26+$0x0] =	vst.idx.msk $0xffff, v61;
	v44 =	vld [tilespmem:s11+$0xFFFFFF40]  }
0xf8: {  	v59 =	vadd.s32 v18, v34;
	[tilespmem:v58+s26+$0x0] =	vst.idx.msk $0xffff, v57;
	v58 =	vld [tilespmem:s11+$0xFFFFFEF0]  }
0xf9: {  	[tilespmem:v63+s26+$0x0] =	vst.idx.msk $0xffff, v47;
	v57 =	vadd.s32 v31, v38;
	v40 =	vld [tilespmem:s11+$0xFFFFFFF0]  }
0xfa: {  	v61 =	vld [tilespmem:s11+$0xFFFFFDB0];
	v62 =	vadd.s32 v2, v33;
	[tilespmem:v55+s26+$0x0] =	vst.idx.msk $0xffff, v54  }
0xfb: {  	v60 =	vadd.s32 v26, v36;
	v63 =	vld [tilespmem:s11+$0xFFFFFF90];
	[tilespmem:v56+s26+$0x0] =	vst.idx.msk $0xffff, v50  }
0xfc: {  	v51 =	vadd.s32 v7, v45;
	[tilespmem:v46+s26+$0x0] =	vst.idx.msk $0xffff, v44;
	v50 =	vld [tilespmem:s11+$0xFFFFFE10]  }
0xfd: {  	v56 =	vadd.s32 v11, v52;
	v55 =	vld [tilespmem:s11+$0xFFFFFE60];
	[tilespmem:v59+s26+$0x0] =	vst.idx.msk $0xffff, v58  }
0xfe: {  	v58 =	vadd.s32 v15, v35;
	[tilespmem:v57+s26+$0x0] =	vst.idx.msk $0xffff, v40;
	v57 =	vld [tilespmem:s11+$0xFFFFFEB0]  }
0xff: {  	[tilespmem:v62+s26+$0x0] =	vst.idx.msk $0xffff, v61;
	v38 =	vadd.s32 v32, v38;
	v54 =	vld [tilespmem:s11+$0x0]  }
0x100: {  	s17 =	simm.s32 $0x9;
	[tilespmem:v60+s26+$0x0] =	vst.idx.msk $0xffff, v63;
	v60 =	vadd.s32 v19, v34;
	v59 =	vld [tilespmem:s11+$0xFFFFFF00]  }
0x101: {  	s21 =	simm.s32 $0xB;
	v53 =	vmov s17;
	v41 =	vadd.s32 v23, v37;
	[tilespmem:v51+s26+$0x0] =	vst.idx.msk $0xffff, v50;
	v40 =	vld [tilespmem:s11+$0xFFFFFF50]  }
0x102: {  	s15 =	simm.s32 $0x8;
	v43 =	vadd.s32 v27, v36;
	s17 =	simm.s32 $0xC;
	v48 =	vadd.s32 v3, v33;
	v44 =	vmov s21;
	v42 =	vld [tilespmem:s11+$0xFFFFFFA0];
	[tilespmem:v56+s26+$0x0] =	vst.idx.msk $0xffff, v55  }
0x103: {  	s19 =	simm.s32 $0xA;
	v47 =	vmov s17;
	v52 =	vadd.s32 v12, v52;
	v46 =	vld [tilespmem:s11+$0xFFFFFDC0];
	v63 =	vmov s15;
	[tilespmem:v58+s26+$0x0] =	vst.idx.msk $0xffff, v57  }
0x104: {  	s21 =	simm.s32 $0xE;
	v39 =	vshrl.u32 v63, $0x3;
	v51 =	vadd.s32 v8, v45;
	v49 =	vld [tilespmem:s11+$0xFFFFFE20];
	[tilespmem:v38+s26+$0x0] =	vst.idx.msk $0xffff, v54;
	v54 =	vmov s19;
	s19 =	simm.s32 $0xD  }
0x105: {  	s14 =	simm.s32 $0x10;
	s15 =	simm.s32 $0xF;
	v45 =	vshll.u32 v39, v1;
	v39 =	vmov s21;
	v50 =	vld [tilespmem:s11+$0xFFFFFE70];
	[tilespmem:v60+s26+$0x0] =	vst.idx.msk $0xffff, v59;
	v38 =	vmov s19  }
.LBB2_11:
0x106: {  	p2 =	slt.u32 s14, $0x78;
	v53 =	vshrl.u32 v53, $0x3;
	v55 =	vmov s15;
	v56 =	vld [tilespmem:s11+$0xFFFFFEC0];
	v35 =	vadd.s32 v16, v35;
	[tilespmem:v41+s26+$0x0] =	vst.idx.msk $0xffff, v40  }
0x107: {  	v40 =	vshrl.u32 v54, $0x3;
	v34 =	vadd.s32 v20, v34;
	v41 =	vshrl.u32 v55, $0x3;
	v54 =	vld [tilespmem:s11+$0xFFFFFF10];
	[tilespmem:v43+s26+$0x0] =	vst.idx.msk $0xffff, v42  }
0x108: {  	v37 =	vadd.s32 v24, v37;
	v42 =	vshrl.u32 v44, $0x3;
	v41 =	vshll.u32 v41, v1;
	[tilespmem:v48+s26+$0x0] =	vst.idx.msk $0xffff, v46;
	v43 =	vld [tilespmem:s11+$0xFFFFFF60]  }
0x109: {  	v36 =	vadd.s32 v28, v36;
	v44 =	vshrl.u32 v47, $0x3;
	v41 =	vbroadcast v41, $0x0;
	[tilespmem:v51+s26+$0x0] =	vst.idx.msk $0xffff, v49;
	v46 =	vld [tilespmem:s11+$0xFFFFFFB0]  }
0x10a: {  	v47 =	vshll.u32 v53, v1;
	v49 =	vadd.s32 v4, v33;
	v33 =	vbroadcast v45, $0x0;
	v48 =	vld [tilespmem:s11+$0xFFFFFDD0];
	[tilespmem:v52+s26+$0x0] =	vst.idx.msk $0xffff, v50;
	s11 =	sadd.s32 $0x280, s11  }
0x10b: {  	v40 =	vshll.u32 v40, v1;
	v45 =	vbroadcast v47, $0x0;
	v47 =	vld [tilespmem:s11+$0xFFFFFFD0];
	v50 =	vadd.s32 v29, v41;
	[tilespmem:v35+s26+$0x0] =	vst.idx.msk $0xffff, v56  }
0x10c: {  	v55 =	vbroadcast v40, $0x0;
	v52 =	vadd.s32 v0, v33;
	v35 =	vshll.u32 v42, v1;
	v51 =	vld [tilespmem:s11+$0xFFFFFDA0];
	[tilespmem:v34+s26+$0x0] =	vst.idx.msk $0xffff, v54  }
0x10d: {  	v42 =	vadd.s32 v5, v45;
	v35 =	vbroadcast v35, $0x0;
	v34 =	vshll.u32 v44, v1;
	v40 =	vld [tilespmem:s11+$0xFFFFFDF0];
	[tilespmem:v37+s26+$0x0] =	vst.idx.msk $0xffff, v43  }
0x10e: {  	v44 =	vadd.s32 v9, v55;
	v34 =	vbroadcast v34, $0x0;
	v37 =	vshrl.u32 v38, $0x3;
	v43 =	vld [tilespmem:s11+$0xFFFFFE40];
	[tilespmem:v36+s26+$0x0] =	vst.idx.msk $0xffff, v46  }
0x10f: {  	v39 =	vshrl.u32 v39, $0x3;
	v46 =	vadd.s32 v13, v35;
	v36 =	vshll.u32 v37, v1;
	v38 =	vld [tilespmem:s11+$0xFFFFFE90];
	[tilespmem:v49+s26+$0x0] =	vst.idx.msk $0xffff, v48  }
0x110: {  	v49 =	vadd.s32 v17, v34;
	v37 =	vbroadcast v36, $0x0;
	v36 =	vshll.u32 v39, v1;
	v48 =	vld [tilespmem:s11+$0xFFFFFEE0];
	[tilespmem:v50+s26+$0x0] =	vst.idx.msk $0xffff, v47  }
0x111: {  	v36 =	vbroadcast v36, $0x0;
	v47 =	vadd.s32 v30, v41;
	[tilespmem:v52+s26+$0x0] =	vst.idx.msk $0xffff, v51;
	v39 =	vld [tilespmem:s11+$0xFFFFFFE0]  }
0x112: {  	[tilespmem:v42+s26+$0x0] =	vst.idx.msk $0xffff, v40;
	v40 =	vld [tilespmem:s11+$0xFFFFFF30];
	v42 =	vadd.s32 v21, v37  }
0x113: {  	[tilespmem:v44+s26+$0x0] =	vst.idx.msk $0xffff, v43;
	v43 =	vld [tilespmem:s11+$0xFFFFFF80];
	v44 =	vadd.s32 v25, v36  }
0x114: {  	v51 =	vadd.s32 v6, v45;
	v50 =	vld [tilespmem:s11+$0xFFFFFE00];
	[tilespmem:v46+s26+$0x0] =	vst.idx.msk $0xffff, v38  }
0x115: {  	v46 =	vadd.s32 v10, v55;
	v38 =	vld [tilespmem:s11+$0xFFFFFE50];
	[tilespmem:v49+s26+$0x0] =	vst.idx.msk $0xffff, v48  }
0x116: {  	v49 =	vadd.s32 v14, v35;
	v48 =	vld [tilespmem:s11+$0xFFFFFEA0];
	[tilespmem:v47+s26+$0x0] =	vst.idx.msk $0xffff, v39  }
0x117: {  	[tilespmem:v42+s26+$0x0] =	vst.idx.msk $0xffff, v40;
	v39 =	vld [tilespmem:s11+$0xFFFFFFF0];
	v40 =	vadd.s32 v31, v41  }
0x118: {  	v47 =	vadd.s32 v18, v34;
	v42 =	vld [tilespmem:s11+$0xFFFFFEF0];
	[tilespmem:v44+s26+$0x0] =	vst.idx.msk $0xffff, v43  }
0x119: {  	v44 =	vadd.s32 v22, v37;
	[tilespmem:v51+s26+$0x0] =	vst.idx.msk $0xffff, v50;
	v43 =	vld [tilespmem:s11+$0xFFFFFF40]  }
0x11a: {  	[tilespmem:v46+s26+$0x0] =	vst.idx.msk $0xffff, v38;
	v38 =	vld [tilespmem:s11+$0xFFFFFF90];
	v46 =	vadd.s32 v26, v36  }
0x11b: {  	v51 =	vadd.s32 v2, v33;
	v50 =	vld [tilespmem:s11+$0xFFFFFDB0];
	[tilespmem:v49+s26+$0x0] =	vst.idx.msk $0xffff, v48  }
0x11c: {  	v49 =	vadd.s32 v7, v45;
	v48 =	vld [tilespmem:s11+$0xFFFFFE10];
	[tilespmem:v40+s26+$0x0] =	vst.idx.msk $0xffff, v39  }
0x11d: {  	[tilespmem:v47+s26+$0x0] =	vst.idx.msk $0xffff, v42;
	v39 =	vld [tilespmem:s11+$0x0];
	v47 =	vadd.s32 v32, v41  }
0x11e: {  	v56 =	vadd.s32 v11, v55;
	v52 =	vld [tilespmem:s11+$0xFFFFFE60];
	[tilespmem:v44+s26+$0x0] =	vst.idx.msk $0xffff, v43  }
0x11f: {  	v58 =	vadd.s32 v15, v35;
	v57 =	vld [tilespmem:s11+$0xFFFFFEB0];
	[tilespmem:v46+s26+$0x0] =	vst.idx.msk $0xffff, v38  }
0x120: {  	v60 =	vadd.s32 v19, v34;
	[tilespmem:v51+s26+$0x0] =	vst.idx.msk $0xffff, v50;
	v59 =	vld [tilespmem:s11+$0xFFFFFF00]  }
.Ltmp7:
0x121: {  	s15 =	sadd.s32 $0x1, s14;
	v41 =	vadd.s32 v23, v37;
	v38 =	vmov s14;
	[tilespmem:v49+s26+$0x0] =	vst.idx.msk $0xffff, v48;
	v40 =	vld [tilespmem:s11+$0xFFFFFF50];
	(pc) =	sbr.rel @p2 .LBB2_11-.Ltmp7, $4  }
0x122: {  	s17 =	sadd.s32 $0x3, s14;
	v53 =	vmov s15;
	s15 =	sadd.s32 $0x2, s14;
	v43 =	vadd.s32 v27, v36;
	v50 =	vshrl.u32 v38, $0x3;
	v42 =	vld [tilespmem:s11+$0xFFFFFFA0];
	[tilespmem:v47+s26+$0x0] =	vst.idx.msk $0xffff, v39  }
0x123: {  	v54 =	vmov s15;
	s15 =	sadd.s32 $0x4, s14;
	v44 =	vmov s17;
	s17 =	sadd.s32 $0x5, s14;
	v48 =	vadd.s32 v3, v33;
	v46 =	vld [tilespmem:s11+$0xFFFFFDC0];
	[tilespmem:v56+s26+$0x0] =	vst.idx.msk $0xffff, v52  }
0x124: {  	v38 =	vmov s17;
	v51 =	vadd.s32 v8, v45;
	v47 =	vmov s15;
	s15 =	sadd.s32 $0x6, s14;
	v49 =	vld [tilespmem:s11+$0xFFFFFE20];
	[tilespmem:v58+s26+$0x0] =	vst.idx.msk $0xffff, v57  }
0x125: {  	v45 =	vshll.u32 v50, v1;
	v39 =	vmov s15;
	s15 =	sadd.s32 $0x7, s14;
	s14 =	sadd.s32 $0x8, s14;
	v52 =	vadd.s32 v12, v55;
	v50 =	vld [tilespmem:s11+$0xFFFFFE70];
	[tilespmem:v60+s26+$0x0] =	vst.idx.msk $0xffff, v59  }
0x126: {  	_ =	sdelay $0x2  }
0x127: {  	v53 =	vshrl.u32 v53, $0x3  }
0x128: {  	v55 =	vmov s15;
	v56 =	vld [tilespmem:s11+$0xFFFFFEC0];
	v35 =	vadd.s32 v16, v35;
	[tilespmem:v41+s26+$0x0] =	vst.idx.msk $0xffff, v40;
	v57 =	vshrl.u32 v54, $0x3  }
0x129: {  	v59 =	vld [tilespmem:s11+$0xFFFFFF10];
	v34 =	vadd.s32 v20, v34;
	v60 =	vshrl.u32 v44, $0x3;
	v58 =	vshrl.u32 v55, $0x3;
	[tilespmem:v43+s26+$0x0] =	vst.idx.msk $0xffff, v42  }
0x12a: {  	v37 =	vadd.s32 v24, v37;
	v62 =	vshrl.u32 v47, $0x3;
	v61 =	vld [tilespmem:s11+$0xFFFFFF60];
	v41 =	vshll.u32 v58, v1;
	[tilespmem:v48+s26+$0x0] =	vst.idx.msk $0xffff, v46  }
0x12b: {  	v36 =	vadd.s32 v28, v36;
	v45 =	vbroadcast v45, $0x0;
	v63 =	vld [tilespmem:s11+$0xFFFFFFB0];
	v41 =	vbroadcast v41, $0x0;
	[tilespmem:v51+s26+$0x0] =	vst.idx.msk $0xffff, v49  }
0x12c: {  	v33 =	vadd.s32 v4, v33;
	s17 =	sadd.s32 $0x280, s11;
	v38 =	vshrl.u32 v38, $0x3;
	v55 =	vshll.u32 v53, v1;
	v48 =	vld [tilespmem:s11+$0xFFFFFDD0];
	[tilespmem:v52+s26+$0x0] =	vst.idx.msk $0xffff, v50  }
0x12d: {  	v40 =	vshll.u32 v57, v1;
	v47 =	vbroadcast v55, $0x0;
	v49 =	vld [tilespmem:s17+$0xFFFFFFD0];
	v50 =	vadd.s32 v29, v41;
	[tilespmem:v35+s26+$0x0] =	vst.idx.msk $0xffff, v56  }
0x12e: {  	v42 =	vshll.u32 v60, v1;
	v40 =	vbroadcast v40, $0x0;
	v35 =	vld [tilespmem:s17+$0xFFFFFDA0];
	v56 =	vadd.s32 v0, v45;
	[tilespmem:v34+s26+$0x0] =	vst.idx.msk $0xffff, v59  }
0x12f: {  	v57 =	vld [tilespmem:s17+$0xFFFFFDF0];
	v44 =	vshll.u32 v62, v1;
	v42 =	vbroadcast v42, $0x0;
	v58 =	vadd.s32 v5, v47;
	[tilespmem:v37+s26+$0x0] =	vst.idx.msk $0xffff, v61  }
0x130: {  	v38 =	vshll.u32 v38, v1;
	v44 =	vbroadcast v44, $0x0;
	v60 =	vadd.s32 v9, v40;
	v59 =	vld [tilespmem:s17+$0xFFFFFE40];
	[tilespmem:v36+s26+$0x0] =	vst.idx.msk $0xffff, v63  }
0x131: {  	v38 =	vbroadcast v38, $0x0;
	v62 =	vadd.s32 v13, v42;
	v61 =	vld [tilespmem:s17+$0xFFFFFE90];
	[tilespmem:v33+s26+$0x0] =	vst.idx.msk $0xffff, v48  }
0x132: {  	v39 =	vshrl.u32 v39, $0x3;
	v63 =	vadd.s32 v17, v44;
	v33 =	vld [tilespmem:s17+$0xFFFFFEE0];
	[tilespmem:v50+s26+$0x0] =	vst.idx.msk $0xffff, v49  }
0x133: {  	v39 =	vshll.u32 v39, v1;
	v34 =	vld [tilespmem:s17+$0xFFFFFF30];
	[tilespmem:v56+s26+$0x0] =	vst.idx.msk $0xffff, v35;
	v56 =	vadd.s32 v21, v38  }
0x134: {  	[tilespmem:v58+s26+$0x0] =	vst.idx.msk $0xffff, v57;
	v35 =	vbroadcast v39, $0x0;
	v49 =	vadd.s32 v30, v41;
	v39 =	vld [tilespmem:s17+$0xFFFFFFE0]  }
0x135: {  	[tilespmem:v60+s26+$0x0] =	vst.idx.msk $0xffff, v59;
	v59 =	vld [tilespmem:s17+$0xFFFFFE00];
	v60 =	vadd.s32 v6, v47  }
0x136: {  	v57 =	vld [tilespmem:s17+$0xFFFFFF80];
	[tilespmem:v62+s26+$0x0] =	vst.idx.msk $0xffff, v61;
	v58 =	vadd.s32 v25, v35  }
0x137: {  	v61 =	vld [tilespmem:s17+$0xFFFFFE50];
	v62 =	vadd.s32 v10, v40;
	[tilespmem:v63+s26+$0x0] =	vst.idx.msk $0xffff, v33  }
0x138: {  	v33 =	vld [tilespmem:s17+$0xFFFFFEA0];
	v63 =	vadd.s32 v14, v42;
	[tilespmem:v56+s26+$0x0] =	vst.idx.msk $0xffff, v34  }
0x139: {  	v56 =	vadd.s32 v18, v44;
	[tilespmem:v49+s26+$0x0] =	vst.idx.msk $0xffff, v39;
	v49 =	vld [tilespmem:s17+$0xFFFFFEF0]  }
0x13a: {  	[tilespmem:v60+s26+$0x0] =	vst.idx.msk $0xffff, v59;
	v39 =	vadd.s32 v31, v41;
	v34 =	vld [tilespmem:s17+$0xFFFFFFF0]  }
0x13b: {  	[tilespmem:v58+s26+$0x0] =	vst.idx.msk $0xffff, v57;
	v57 =	vld [tilespmem:s17+$0xFFFFFF40];
	v58 =	vadd.s32 v22, v38  }
0x13c: {  	[tilespmem:v62+s26+$0x0] =	vst.idx.msk $0xffff, v61;
	v61 =	vld [tilespmem:s17+$0xFFFFFDB0];
	v62 =	vadd.s32 v2, v45  }
0x13d: {  	v60 =	vadd.s32 v26, v35;
	v59 =	vld [tilespmem:s17+$0xFFFFFF90];
	[tilespmem:v63+s26+$0x0] =	vst.idx.msk $0xffff, v33  }
0x13e: {  	v55 =	vadd.s32 v11, v40;
	v54 =	vadd.s32 v32, v41;
	v41 =	vld [tilespmem:s17+$0xFFFFFE60];
	[tilespmem:v56+s26+$0x0] =	vst.idx.msk $0xffff, v49  }
0x13f: {  	v53 =	vadd.s32 v7, v47;
	v63 =	vld [tilespmem:s17+$0xFFFFFE10];
	[tilespmem:v39+s26+$0x0] =	vst.idx.msk $0xffff, v34  }
0x140: {  	v56 =	vld [tilespmem:s17+$0xFFFFFEB0];
	[tilespmem:v58+s26+$0x0] =	vst.idx.msk $0xffff, v57;
	v57 =	vadd.s32 v15, v42  }
0x141: {  	[tilespmem:v62+s26+$0x0] =	vst.idx.msk $0xffff, v61;
	v34 =	vld [tilespmem:s17+$0x0]  }
0x142: {  	v58 =	vld [tilespmem:s17+$0xFFFFFF00];
	[tilespmem:v60+s26+$0x0] =	vst.idx.msk $0xffff, v59;
	v59 =	vadd.s32 v19, v44  }
0x143: {  	v61 =	vadd.s32 v23, v38;
	[tilespmem:v55+s26+$0x0] =	vst.idx.msk $0xffff, v41;
	v60 =	vld [tilespmem:s17+$0xFFFFFF50]  }
0x144: {  	[tilespmem:v53+s26+$0x0] =	vst.idx.msk $0xffff, v63;
	v63 =	vadd.s32 v27, v35;
	v62 =	vld [tilespmem:s17+$0xFFFFFFA0]  }
0x145: {  	v47 =	vadd.s32 v8, v47;
	v55 =	vld [tilespmem:s17+$0xFFFFFE20];
	[tilespmem:v57+s26+$0x0] =	vst.idx.msk $0xffff, v56  }
0x146: {  	v53 =	vld [tilespmem:s17+$0xFFFFFDC0];
	[tilespmem:v54+s26+$0x0] =	vst.idx.msk $0xffff, v34;
	v54 =	vadd.s32 v3, v45  }
0x147: {  	v40 =	vadd.s32 v12, v40;
	v56 =	vld [tilespmem:s17+$0xFFFFFE70];
	[tilespmem:v59+s26+$0x0] =	vst.idx.msk $0xffff, v58  }
0x148: {  	v42 =	vadd.s32 v16, v42;
	v57 =	vld [tilespmem:s17+$0xFFFFFEC0];
	[tilespmem:v61+s26+$0x0] =	vst.idx.msk $0xffff, v60  }
0x149: {  	v59 =	vadd.s32 v20, v44;
	v58 =	vld [tilespmem:s17+$0xFFFFFF10];
	[tilespmem:v63+s26+$0x0] =	vst.idx.msk $0xffff, v62  }
0x14a: {  	v38 =	vadd.s32 v24, v38;
	v60 =	vld [tilespmem:s17+$0xFFFFFF60];
	[tilespmem:v47+s26+$0x0] =	vst.idx.msk $0xffff, v55  }
0x14b: {  	v35 =	vadd.s32 v28, v35;
	v61 =	vld [tilespmem:s17+$0xFFFFFFB0];
	[tilespmem:v54+s26+$0x0] =	vst.idx.msk $0xffff, v53  }
0x14c: {  	v63 =	vadd.s32 v4, v45;
	[tilespmem:v40+s26+$0x0] =	vst.idx.msk $0xffff, v56;
	v62 =	vld [tilespmem:s17+$0xFFFFFDD0]  }
0x14d: {  	[tilespmem:v42+s26+$0x0] =	vst.idx.msk $0xffff, v57  }
0x14e: {  	s19 =	sadd.s32 s6, s7;
	[tilespmem:v59+s26+$0x0] =	vst.idx.msk $0xffff, v58  }
0x14f: {  	s11 =	sshll.u32 s19, $0x7;
	[tilespmem:v38+s26+$0x0] =	vst.idx.msk $0xffff, v60  }
0x150: {  	s11 =	sand.u32 $0x1FFFFF80, s11;
	[tilespmem:v35+s26+$0x0] =	vst.idx.msk $0xffff, v61  }
0x151: {  	s21 =	simm.s32 $0x10300;
	s14 =	sadd.s32 s2, s11;
	[tilespmem:v63+s26+$0x0] =	vst.idx.msk $0xffff, v62  }
0x152: {  	[hbm4b:s14+s3] =	stream.linear.scatter [tilespmem:s21], [sflag:$0x7], $0x80, $0x38;
	[tilespmem:$0x18B00] =	vst v63  }
0x153: {  	s15 =	simm.s32 $0x10388;
	s17 =	sadd.s32 $0x10, s14  }
0x154: {  	[hbm4b:s17+s3] =	stream.linear.scatter [tilespmem:s15], [sflag:$0x7], $0x80, $0x38;
	[tilespmem:$0x18B00] =	vst v63  }
0x155: {  	s19 =	simm.s32 $0x10410;
	s21 =	sadd.s32 $0x20, s14  }
0x156: {  	[hbm4b:s21+s3] =	stream.linear.scatter [tilespmem:s19], [sflag:$0x7], $0x80, $0x38;
	[tilespmem:$0x18B00] =	vst v63  }
0x157: {  	s15 =	simm.s32 $0x10498;
	s17 =	sadd.s32 $0x30, s14  }
0x158: {  	[hbm4b:s17+s3] =	stream.linear.scatter [tilespmem:s15], [sflag:$0x7], $0x80, $0x38;
	[tilespmem:$0x18B00] =	vst v63  }
0x159: {  	s19 =	simm.s32 $0x10520;
	s21 =	sadd.s32 $0x40, s14  }
0x15a: {  	[hbm4b:s21+s3] =	stream.linear.scatter [tilespmem:s19], [sflag:$0x7], $0x80, $0x38;
	[tilespmem:$0x18B00] =	vst v63  }
0x15b: {  	s11 =	simm.s32 $0x440;
	s15 =	simm.s32 $0x105A8;
	s17 =	sadd.s32 $0x50, s14  }
0x15c: {  	[hbm4b:s17+s3] =	stream.linear.scatter [tilespmem:s15], [sflag:$0x7], $0x80, $0x38;
	[tilespmem:$0x18B00] =	vst v63  }
0x15d: {  	s19 =	simm.s32 $0x10630;
	s21 =	sadd.s32 $0x60, s14;
	s15 =	simm.s32 $0x2200  }
0x15e: {  	[hbm4b:s21+s3] =	stream.linear.scatter [tilespmem:s19], [sflag:$0x7], $0x80, $0x38;
	[tilespmem:$0x18B00] =	vst v63  }
0x15f: {  	s17 =	simm.s32 $0x106B8;
	s19 =	sadd.s32 $0x70, s14;
	s14 =	sadd.s32 $0x32000, s14  }
.LBB2_13:
0x160: {  	[hbm4b:s19+s3] =	stream.linear.scatter [tilespmem:s17], [sflag:$0x7], $0x80, $0x38;
	[tilespmem:$0x18B00] =	vst v63  }
0x161: {  	s17 =	smov.u32 s11;
	s11 =	smov.u32 s15  }
0x162: {  	s21 =	sadd.s32 $0x1100, s15;
	s11 =	sshra.s32 s11, $0x2;
	s19 =	sadd.s32 $0x10300, s17  }
0x163: {  	[hbm4b:s14+s3] =	stream.linear.scatter [tilespmem:s19], [sflag:$0x7], $0x80, $0x38;
	[tilespmem:$0x18B00] =	vst v63  }
0x164: {  	p2 =	sne.s32 s15, $0x7700;
	s15 =	sadd.s32 $0x10388, s17;
	s19 =	sadd.s32 $0x10, s14  }
0x165: {  	[hbm4b:s19+s3] =	stream.linear.scatter [tilespmem:s15], [sflag:$0x7], $0x80, $0x38;
	[tilespmem:$0x18B00] =	vst v63  }
0x166: {  	s15 =	sadd.s32 $0x10410, s17;
	s19 =	sadd.s32 $0x20, s14  }
0x167: {  	[hbm4b:s19+s3] =	stream.linear.scatter [tilespmem:s15], [sflag:$0x7], $0x80, $0x38;
	[tilespmem:$0x18B00] =	vst v63  }
0x168: {  	s15 =	sadd.s32 $0x10498, s17;
	s19 =	sadd.s32 $0x30, s14  }
0x169: {  	[hbm4b:s19+s3] =	stream.linear.scatter [tilespmem:s15], [sflag:$0x7], $0x80, $0x38;
	[tilespmem:$0x18B00] =	vst v63  }
0x16a: {  	s15 =	sadd.s32 $0x10520, s17;
	s19 =	sadd.s32 $0x40, s14  }
0x16b: {  	[hbm4b:s19+s3] =	stream.linear.scatter [tilespmem:s15], [sflag:$0x7], $0x80, $0x38;
	[tilespmem:$0x18B00] =	vst v63  }
.Ltmp8:
0x16c: {  	s15 =	sadd.s32 $0x105A8, s17;
	s19 =	sadd.s32 $0x50, s14;
	(pc) =	sbr.rel @p2 .LBB2_13-.Ltmp8, $4  }
0x16d: {  	[hbm4b:s19+s3] =	stream.linear.scatter [tilespmem:s15], [sflag:$0x7], $0x80, $0x38;
	[tilespmem:$0x18B00] =	vst v63  }
0x16e: {  	s15 =	sadd.s32 $0x10630, s17;
	s19 =	sadd.s32 $0x60, s14;
	s17 =	sadd.s32 $0x106B8, s17  }
0x16f: {  	[hbm4b:s19+s3] =	stream.linear.scatter [tilespmem:s15], [sflag:$0x7], $0x80, $0x38;
	[tilespmem:$0x18B00] =	vst v63  }
0x170: {  	s19 =	sadd.s32 $0x70, s14;
	s14 =	sadd.s32 $0x32000, s14;
	s15 =	smov.u32 s21  }
0x171: {  	[hbm4b:s19+s3] =	stream.linear.scatter [tilespmem:s17], [sflag:$0x7], $0x80, $0x38;
	[tilespmem:$0x18B00] =	vst v63  }
0x172: {  	s15 =	sadd.s32 $0x10300, s11  }
0x173: {  	[hbm4b:s14+s3] =	stream.linear.scatter [tilespmem:s15], [sflag:$0x7], $0x80, $0x38;
	[tilespmem:$0x18B00] =	vst v63  }
0x174: {  	s19 =	sadd.s32 $0x10388, s11;
	s21 =	sadd.s32 $0x10, s14  }
0x175: {  	[hbm4b:s21+s3] =	stream.linear.scatter [tilespmem:s19], [sflag:$0x7], $0x80, $0x38;
	[tilespmem:$0x18B00] =	vst v63  }
0x176: {  	s19 =	sadd.s32 $0x10410, s11;
	s21 =	sadd.s32 $0x20, s14  }
0x177: {  	[hbm4b:s21+s3] =	stream.linear.scatter [tilespmem:s19], [sflag:$0x7], $0x80, $0x38;
	[tilespmem:$0x18B00] =	vst v63  }
0x178: {  	s19 =	sadd.s32 $0x10498, s11;
	s21 =	sadd.s32 $0x30, s14  }
0x179: {  	[hbm4b:s21+s3] =	stream.linear.scatter [tilespmem:s19], [sflag:$0x7], $0x80, $0x38;
	[tilespmem:$0x18B00] =	vst v63  }
0x17a: {  	s19 =	sadd.s32 $0x10520, s11;
	s21 =	sadd.s32 $0x40, s14  }
0x17b: {  	[hbm4b:s21+s3] =	stream.linear.scatter [tilespmem:s19], [sflag:$0x7], $0x80, $0x38;
	[tilespmem:$0x18B00] =	vst v63  }
0x17c: {  	s19 =	sadd.s32 $0x105A8, s11;
	s21 =	sadd.s32 $0x50, s14  }
0x17d: {  	[hbm4b:s21+s3] =	stream.linear.scatter [tilespmem:s19], [sflag:$0x7], $0x80, $0x38;
	[tilespmem:$0x18B00] =	vst v63  }
.Ltmp9:
0x17e: {  	_ = 	snop;
	(pc) =	sbr.rel @p1 .LBB2_16-.Ltmp9, $4  }
0x17f: {  	s19 =	sadd.s32 $0x10630, s11;
	s21 =	sadd.s32 $0x60, s14  }
0x180: {  	[hbm4b:s21+s3] =	stream.linear.scatter [tilespmem:s19], [sflag:$0x7], $0x80, $0x38;
	[tilespmem:$0x18B00] =	vst v63  }
0x181: {  	s19 =	sadd.s32 $0x106B8, s11;
	s21 =	sadd.s32 $0x70, s14  }
0x182: {  	[hbm4b:s21+s3] =	stream.linear.scatter [tilespmem:s19], [sflag:$0x7], $0x80, $0x38;
	[tilespmem:$0x18B00] =	vst v63  }
.Ltmp10:
0x183: {  	(pc) =	sbr.rel .LBB2_17-.Ltmp10, $4  }
0x184: {  	_ = 	snop  }
0x185: {  	_ =	swait.ge [sflag:s28], $0x2800  }
0x186: {  	[sflag:s28] =	ssyncset.done $0x0  }
0x187: {  	[sflag:s28] =	ssyncadd.s32 $0xFFFFD800  }
.LBB2_16:
0x188: {  	s11 =	smul.u32 $0xA00, s12;
	_ =	sdelay $0x1  }
0x189: {  	s11 =	sshra.s32 s11, $0x2  }
.Ltmp11:
0x18a: {  	s14 =	simm.s32 $0x4100;
	s11 =	sadd.s32 $0x300, s11;
	(pc) =	sbr.rel @p0 .LBB2_18-.Ltmp11, $4  }
0x18b: {  	[tilespmem:s14], [sflag:$0x2] =	stream.indirect.gather [hbm4b:s5+s13], $0x50, s11, s13, $0xb8;
	[tilespmem:$0x18B00] =	vst v63  }
0x18c: {  	_ =	swait.ge [sflag:s28], $0x2800  }
0x18d: {  	[sflag:s28] =	ssyncset.done $0x0  }
0x18e: {  	[sflag:s28] =	ssyncadd.s32 $0xFFFFD800  }
.LBB2_17:
0x18f: {  	_ =	swait.ge [sflag:s29], $0x2000  }
0x190: {  	[sflag:s29] =	ssyncset.done $0x0  }
0x191: {  	[sflag:s29] =	ssyncadd.s32 $0xFFFFE000  }
.LBB2_18:
0x192: {  	s11 =	simm.s32 $0x0;
	s15 =	simm.s32 $0x1;
	s14 =	simm.s32 $0x2  }
0x193: {  	s17 =	simm.s32 $0x3;
	s19 =	simm.s32 $0x4;
	s21 =	simm.s32 $0x5;
	v33 =	vmov s11;
	v34 =	vmov s15;
	v35 =	vmov s14  }
0x194: {  	s15 =	simm.s32 $0x7;
	v36 =	vmov s17;
	v37 =	vmov s19;
	v39 =	vmov s21;
	s14 =	simm.s32 $0x6  }
0x195: {  	v33 =	vshrl.u32 v33, $0x3;
	v38 =	vmov s15;
	v40 =	vmov s14  }
0x196: {  	v34 =	vshrl.u32 v34, $0x3;
	v35 =	vshrl.u32 v35, $0x3;
	v36 =	vshrl.u32 v36, $0x3  }
0x197: {  	v37 =	vshrl.u32 v37, $0x3;
	v55 =	vshrl.u32 v39, $0x3;
	v33 =	vshll.u32 v33, v1  }
0x198: {  	v38 =	vshrl.u32 v38, $0x3;
	v34 =	vshll.u32 v34, v1;
	v33 =	vbroadcast v33, $0x0  }
0x199: {  	s11 =	simm.s32 $0x6B60;
	v52 =	vshll.u32 v35, v1;
	v38 =	vshll.u32 v38, v1;
	v45 =	vbroadcast v34, $0x0  }
0x19a: {  	v43 =	vld [tilespmem:s11+$0xFFFFFDA0];
	v53 =	vshll.u32 v36, v1;
	v38 =	vbroadcast v38, $0x0;
	v44 =	vadd.s32 v0, v33  }
0x19b: {  	v46 =	vld [tilespmem:s11+$0xFFFFFDF0];
	v54 =	vshll.u32 v37, v1;
	v52 =	vbroadcast v52, $0x0;
	v47 =	vadd.s32 v5, v45  }
0x19c: {  	v41 =	vld [tilespmem:s11+$0xFFFFFFD0];
	v36 =	vshll.u32 v55, v1;
	v35 =	vbroadcast v53, $0x0;
	v42 =	vadd.s32 v29, v38  }
0x19d: {  	v48 =	vld [tilespmem:s11+$0xFFFFFE40];
	v40 =	vshrl.u32 v40, $0x3;
	v34 =	vbroadcast v54, $0x0;
	v49 =	vadd.s32 v9, v52  }
0x19e: {  	v39 =	vld [tilespmem:s11+$0xFFFFFE90];
	v37 =	vbroadcast v36, $0x0;
	v56 =	vshll.u32 v40, v1;
	v50 =	vadd.s32 v13, v35  }
0x19f: {  	v51 =	vld [tilespmem:s11+$0xFFFFFEE0];
	v36 =	vbroadcast v56, $0x0;
	v53 =	vadd.s32 v17, v34;
	[tilespmem:v44+s30+$0x0] =	vst.idx.msk $0xffff, v43  }
0x1a0: {  	v59 =	vld [tilespmem:s11+$0xFFFFFF30];
	v60 =	vadd.s32 v21, v37;
	[tilespmem:v47+s30+$0x0] =	vst.idx.msk $0xffff, v46  }
0x1a1: {  	v61 =	vld [tilespmem:s11+$0xFFFFFF80];
	v62 =	vadd.s32 v25, v36;
	[tilespmem:v42+s30+$0x0] =	vst.idx.msk $0xffff, v41  }
0x1a2: {  	v58 =	vadd.s32 v30, v38;
	[tilespmem:v49+s30+$0x0] =	vst.idx.msk $0xffff, v48;
	v57 =	vld [tilespmem:s11+$0xFFFFFFE0]  }
0x1a3: {  	v63 =	vadd.s32 v6, v45;
	[tilespmem:v50+s30+$0x0] =	vst.idx.msk $0xffff, v39;
	v47 =	vld [tilespmem:s11+$0xFFFFFE00]  }
0x1a4: {  	v55 =	vadd.s32 v10, v52;
	[tilespmem:v53+s30+$0x0] =	vst.idx.msk $0xffff, v51;
	v54 =	vld [tilespmem:s11+$0xFFFFFE50]  }
0x1a5: {  	v56 =	vadd.s32 v14, v35;
	[tilespmem:v60+s30+$0x0] =	vst.idx.msk $0xffff, v59;
	v50 =	vld [tilespmem:s11+$0xFFFFFEA0]  }
0x1a6: {  	v46 =	vadd.s32 v22, v37;
	[tilespmem:v62+s30+$0x0] =	vst.idx.msk $0xffff, v61;
	v44 =	vld [tilespmem:s11+$0xFFFFFF40]  }
0x1a7: {  	v59 =	vadd.s32 v18, v34;
	[tilespmem:v58+s30+$0x0] =	vst.idx.msk $0xffff, v57;
	v58 =	vld [tilespmem:s11+$0xFFFFFEF0]  }
0x1a8: {  	[tilespmem:v63+s30+$0x0] =	vst.idx.msk $0xffff, v47;
	v57 =	vadd.s32 v31, v38;
	v40 =	vld [tilespmem:s11+$0xFFFFFFF0]  }
0x1a9: {  	v61 =	vld [tilespmem:s11+$0xFFFFFDB0];
	v62 =	vadd.s32 v2, v33;
	[tilespmem:v55+s30+$0x0] =	vst.idx.msk $0xffff, v54  }
0x1aa: {  	v60 =	vadd.s32 v26, v36;
	v63 =	vld [tilespmem:s11+$0xFFFFFF90];
	[tilespmem:v56+s30+$0x0] =	vst.idx.msk $0xffff, v50  }
0x1ab: {  	v51 =	vadd.s32 v7, v45;
	[tilespmem:v46+s30+$0x0] =	vst.idx.msk $0xffff, v44;
	v50 =	vld [tilespmem:s11+$0xFFFFFE10]  }
0x1ac: {  	v56 =	vadd.s32 v11, v52;
	v55 =	vld [tilespmem:s11+$0xFFFFFE60];
	[tilespmem:v59+s30+$0x0] =	vst.idx.msk $0xffff, v58  }
0x1ad: {  	v58 =	vadd.s32 v15, v35;
	[tilespmem:v57+s30+$0x0] =	vst.idx.msk $0xffff, v40;
	v57 =	vld [tilespmem:s11+$0xFFFFFEB0]  }
0x1ae: {  	[tilespmem:v62+s30+$0x0] =	vst.idx.msk $0xffff, v61;
	v38 =	vadd.s32 v32, v38;
	v54 =	vld [tilespmem:s11+$0x0]  }
0x1af: {  	s17 =	simm.s32 $0x9;
	[tilespmem:v60+s30+$0x0] =	vst.idx.msk $0xffff, v63;
	v60 =	vadd.s32 v19, v34;
	v59 =	vld [tilespmem:s11+$0xFFFFFF00]  }
0x1b0: {  	s21 =	simm.s32 $0xB;
	v53 =	vmov s17;
	v41 =	vadd.s32 v23, v37;
	[tilespmem:v51+s30+$0x0] =	vst.idx.msk $0xffff, v50;
	v40 =	vld [tilespmem:s11+$0xFFFFFF50]  }
0x1b1: {  	s15 =	simm.s32 $0x8;
	v43 =	vadd.s32 v27, v36;
	s17 =	simm.s32 $0xC;
	v48 =	vadd.s32 v3, v33;
	v44 =	vmov s21;
	v42 =	vld [tilespmem:s11+$0xFFFFFFA0];
	[tilespmem:v56+s30+$0x0] =	vst.idx.msk $0xffff, v55  }
0x1b2: {  	s19 =	simm.s32 $0xA;
	v47 =	vmov s17;
	v52 =	vadd.s32 v12, v52;
	v46 =	vld [tilespmem:s11+$0xFFFFFDC0];
	v63 =	vmov s15;
	[tilespmem:v58+s30+$0x0] =	vst.idx.msk $0xffff, v57  }
0x1b3: {  	s21 =	simm.s32 $0xE;
	v39 =	vshrl.u32 v63, $0x3;
	v51 =	vadd.s32 v8, v45;
	v49 =	vld [tilespmem:s11+$0xFFFFFE20];
	[tilespmem:v38+s30+$0x0] =	vst.idx.msk $0xffff, v54;
	v54 =	vmov s19;
	s19 =	simm.s32 $0xD  }
0x1b4: {  	s14 =	simm.s32 $0x10;
	s15 =	simm.s32 $0xF;
	v45 =	vshll.u32 v39, v1;
	v39 =	vmov s21;
	v50 =	vld [tilespmem:s11+$0xFFFFFE70];
	[tilespmem:v60+s30+$0x0] =	vst.idx.msk $0xffff, v59;
	v38 =	vmov s19  }
.LBB2_19:
0x1b5: {  	p2 =	slt.u32 s14, $0x78;
	v53 =	vshrl.u32 v53, $0x3;
	v55 =	vmov s15;
	v56 =	vld [tilespmem:s11+$0xFFFFFEC0];
	v35 =	vadd.s32 v16, v35;
	[tilespmem:v41+s30+$0x0] =	vst.idx.msk $0xffff, v40  }
0x1b6: {  	v40 =	vshrl.u32 v54, $0x3;
	v34 =	vadd.s32 v20, v34;
	v41 =	vshrl.u32 v55, $0x3;
	v54 =	vld [tilespmem:s11+$0xFFFFFF10];
	[tilespmem:v43+s30+$0x0] =	vst.idx.msk $0xffff, v42  }
0x1b7: {  	v37 =	vadd.s32 v24, v37;
	v42 =	vshrl.u32 v44, $0x3;
	v41 =	vshll.u32 v41, v1;
	[tilespmem:v48+s30+$0x0] =	vst.idx.msk $0xffff, v46;
	v43 =	vld [tilespmem:s11+$0xFFFFFF60]  }
0x1b8: {  	v36 =	vadd.s32 v28, v36;
	v44 =	vshrl.u32 v47, $0x3;
	v41 =	vbroadcast v41, $0x0;
	[tilespmem:v51+s30+$0x0] =	vst.idx.msk $0xffff, v49;
	v46 =	vld [tilespmem:s11+$0xFFFFFFB0]  }
0x1b9: {  	v47 =	vshll.u32 v53, v1;
	v49 =	vadd.s32 v4, v33;
	v33 =	vbroadcast v45, $0x0;
	v48 =	vld [tilespmem:s11+$0xFFFFFDD0];
	[tilespmem:v52+s30+$0x0] =	vst.idx.msk $0xffff, v50;
	s11 =	sadd.s32 $0x280, s11  }
0x1ba: {  	v40 =	vshll.u32 v40, v1;
	v45 =	vbroadcast v47, $0x0;
	v47 =	vld [tilespmem:s11+$0xFFFFFFD0];
	v50 =	vadd.s32 v29, v41;
	[tilespmem:v35+s30+$0x0] =	vst.idx.msk $0xffff, v56  }
0x1bb: {  	v55 =	vbroadcast v40, $0x0;
	v52 =	vadd.s32 v0, v33;
	v35 =	vshll.u32 v42, v1;
	v51 =	vld [tilespmem:s11+$0xFFFFFDA0];
	[tilespmem:v34+s30+$0x0] =	vst.idx.msk $0xffff, v54  }
0x1bc: {  	v42 =	vadd.s32 v5, v45;
	v35 =	vbroadcast v35, $0x0;
	v34 =	vshll.u32 v44, v1;
	v40 =	vld [tilespmem:s11+$0xFFFFFDF0];
	[tilespmem:v37+s30+$0x0] =	vst.idx.msk $0xffff, v43  }
0x1bd: {  	v44 =	vadd.s32 v9, v55;
	v34 =	vbroadcast v34, $0x0;
	v37 =	vshrl.u32 v38, $0x3;
	v43 =	vld [tilespmem:s11+$0xFFFFFE40];
	[tilespmem:v36+s30+$0x0] =	vst.idx.msk $0xffff, v46  }
0x1be: {  	v39 =	vshrl.u32 v39, $0x3;
	v46 =	vadd.s32 v13, v35;
	v36 =	vshll.u32 v37, v1;
	v38 =	vld [tilespmem:s11+$0xFFFFFE90];
	[tilespmem:v49+s30+$0x0] =	vst.idx.msk $0xffff, v48  }
0x1bf: {  	v49 =	vadd.s32 v17, v34;
	v37 =	vbroadcast v36, $0x0;
	v36 =	vshll.u32 v39, v1;
	v48 =	vld [tilespmem:s11+$0xFFFFFEE0];
	[tilespmem:v50+s30+$0x0] =	vst.idx.msk $0xffff, v47  }
0x1c0: {  	v36 =	vbroadcast v36, $0x0;
	v47 =	vadd.s32 v30, v41;
	[tilespmem:v52+s30+$0x0] =	vst.idx.msk $0xffff, v51;
	v39 =	vld [tilespmem:s11+$0xFFFFFFE0]  }
0x1c1: {  	[tilespmem:v42+s30+$0x0] =	vst.idx.msk $0xffff, v40;
	v40 =	vld [tilespmem:s11+$0xFFFFFF30];
	v42 =	vadd.s32 v21, v37  }
0x1c2: {  	[tilespmem:v44+s30+$0x0] =	vst.idx.msk $0xffff, v43;
	v43 =	vld [tilespmem:s11+$0xFFFFFF80];
	v44 =	vadd.s32 v25, v36  }
0x1c3: {  	v51 =	vadd.s32 v6, v45;
	v50 =	vld [tilespmem:s11+$0xFFFFFE00];
	[tilespmem:v46+s30+$0x0] =	vst.idx.msk $0xffff, v38  }
0x1c4: {  	v46 =	vadd.s32 v10, v55;
	v38 =	vld [tilespmem:s11+$0xFFFFFE50];
	[tilespmem:v49+s30+$0x0] =	vst.idx.msk $0xffff, v48  }
0x1c5: {  	v49 =	vadd.s32 v14, v35;
	v48 =	vld [tilespmem:s11+$0xFFFFFEA0];
	[tilespmem:v47+s30+$0x0] =	vst.idx.msk $0xffff, v39  }
0x1c6: {  	[tilespmem:v42+s30+$0x0] =	vst.idx.msk $0xffff, v40;
	v39 =	vld [tilespmem:s11+$0xFFFFFFF0];
	v40 =	vadd.s32 v31, v41  }
0x1c7: {  	v47 =	vadd.s32 v18, v34;
	v42 =	vld [tilespmem:s11+$0xFFFFFEF0];
	[tilespmem:v44+s30+$0x0] =	vst.idx.msk $0xffff, v43  }
0x1c8: {  	v44 =	vadd.s32 v22, v37;
	[tilespmem:v51+s30+$0x0] =	vst.idx.msk $0xffff, v50;
	v43 =	vld [tilespmem:s11+$0xFFFFFF40]  }
0x1c9: {  	[tilespmem:v46+s30+$0x0] =	vst.idx.msk $0xffff, v38;
	v38 =	vld [tilespmem:s11+$0xFFFFFF90];
	v46 =	vadd.s32 v26, v36  }
0x1ca: {  	v51 =	vadd.s32 v2, v33;
	v50 =	vld [tilespmem:s11+$0xFFFFFDB0];
	[tilespmem:v49+s30+$0x0] =	vst.idx.msk $0xffff, v48  }
0x1cb: {  	v49 =	vadd.s32 v7, v45;
	v48 =	vld [tilespmem:s11+$0xFFFFFE10];
	[tilespmem:v40+s30+$0x0] =	vst.idx.msk $0xffff, v39  }
0x1cc: {  	[tilespmem:v47+s30+$0x0] =	vst.idx.msk $0xffff, v42;
	v39 =	vld [tilespmem:s11+$0x0];
	v47 =	vadd.s32 v32, v41  }
0x1cd: {  	v56 =	vadd.s32 v11, v55;
	v52 =	vld [tilespmem:s11+$0xFFFFFE60];
	[tilespmem:v44+s30+$0x0] =	vst.idx.msk $0xffff, v43  }
0x1ce: {  	v58 =	vadd.s32 v15, v35;
	v57 =	vld [tilespmem:s11+$0xFFFFFEB0];
	[tilespmem:v46+s30+$0x0] =	vst.idx.msk $0xffff, v38  }
0x1cf: {  	v60 =	vadd.s32 v19, v34;
	[tilespmem:v51+s30+$0x0] =	vst.idx.msk $0xffff, v50;
	v59 =	vld [tilespmem:s11+$0xFFFFFF00]  }
.Ltmp12:
0x1d0: {  	s15 =	sadd.s32 $0x1, s14;
	v41 =	vadd.s32 v23, v37;
	v38 =	vmov s14;
	[tilespmem:v49+s30+$0x0] =	vst.idx.msk $0xffff, v48;
	v40 =	vld [tilespmem:s11+$0xFFFFFF50];
	(pc) =	sbr.rel @p2 .LBB2_19-.Ltmp12, $4  }
0x1d1: {  	s17 =	sadd.s32 $0x3, s14;
	v53 =	vmov s15;
	s15 =	sadd.s32 $0x2, s14;
	v43 =	vadd.s32 v27, v36;
	v50 =	vshrl.u32 v38, $0x3;
	v42 =	vld [tilespmem:s11+$0xFFFFFFA0];
	[tilespmem:v47+s30+$0x0] =	vst.idx.msk $0xffff, v39  }
0x1d2: {  	v54 =	vmov s15;
	s15 =	sadd.s32 $0x4, s14;
	v44 =	vmov s17;
	s17 =	sadd.s32 $0x5, s14;
	v48 =	vadd.s32 v3, v33;
	v46 =	vld [tilespmem:s11+$0xFFFFFDC0];
	[tilespmem:v56+s30+$0x0] =	vst.idx.msk $0xffff, v52  }
0x1d3: {  	v38 =	vmov s17;
	v51 =	vadd.s32 v8, v45;
	v47 =	vmov s15;
	s15 =	sadd.s32 $0x6, s14;
	v49 =	vld [tilespmem:s11+$0xFFFFFE20];
	[tilespmem:v58+s30+$0x0] =	vst.idx.msk $0xffff, v57  }
0x1d4: {  	v45 =	vshll.u32 v50, v1;
	v39 =	vmov s15;
	s15 =	sadd.s32 $0x7, s14;
	s14 =	sadd.s32 $0x8, s14;
	v52 =	vadd.s32 v12, v55;
	v50 =	vld [tilespmem:s11+$0xFFFFFE70];
	[tilespmem:v60+s30+$0x0] =	vst.idx.msk $0xffff, v59  }
0x1d5: {  	_ =	sdelay $0x2  }
0x1d6: {  	v53 =	vshrl.u32 v53, $0x3  }
0x1d7: {  	v55 =	vmov s15;
	v56 =	vld [tilespmem:s11+$0xFFFFFEC0];
	v35 =	vadd.s32 v16, v35;
	[tilespmem:v41+s30+$0x0] =	vst.idx.msk $0xffff, v40;
	v57 =	vshrl.u32 v54, $0x3  }
0x1d8: {  	v59 =	vld [tilespmem:s11+$0xFFFFFF10];
	v34 =	vadd.s32 v20, v34;
	v60 =	vshrl.u32 v44, $0x3;
	v58 =	vshrl.u32 v55, $0x3;
	[tilespmem:v43+s30+$0x0] =	vst.idx.msk $0xffff, v42  }
0x1d9: {  	v37 =	vadd.s32 v24, v37;
	v62 =	vshrl.u32 v47, $0x3;
	v61 =	vld [tilespmem:s11+$0xFFFFFF60];
	v41 =	vshll.u32 v58, v1;
	[tilespmem:v48+s30+$0x0] =	vst.idx.msk $0xffff, v46  }
0x1da: {  	v36 =	vadd.s32 v28, v36;
	v45 =	vbroadcast v45, $0x0;
	v63 =	vld [tilespmem:s11+$0xFFFFFFB0];
	v41 =	vbroadcast v41, $0x0;
	[tilespmem:v51+s30+$0x0] =	vst.idx.msk $0xffff, v49  }
0x1db: {  	v33 =	vadd.s32 v4, v33;
	s17 =	sadd.s32 $0x280, s11;
	v38 =	vshrl.u32 v38, $0x3;
	v55 =	vshll.u32 v53, v1;
	v48 =	vld [tilespmem:s11+$0xFFFFFDD0];
	[tilespmem:v52+s30+$0x0] =	vst.idx.msk $0xffff, v50  }
0x1dc: {  	v40 =	vshll.u32 v57, v1;
	v47 =	vbroadcast v55, $0x0;
	v49 =	vld [tilespmem:s17+$0xFFFFFFD0];
	v50 =	vadd.s32 v29, v41;
	[tilespmem:v35+s30+$0x0] =	vst.idx.msk $0xffff, v56  }
0x1dd: {  	v42 =	vshll.u32 v60, v1;
	v40 =	vbroadcast v40, $0x0;
	v35 =	vld [tilespmem:s17+$0xFFFFFDA0];
	v56 =	vadd.s32 v0, v45;
	[tilespmem:v34+s30+$0x0] =	vst.idx.msk $0xffff, v59  }
0x1de: {  	v57 =	vld [tilespmem:s17+$0xFFFFFDF0];
	v44 =	vshll.u32 v62, v1;
	v42 =	vbroadcast v42, $0x0;
	v58 =	vadd.s32 v5, v47;
	[tilespmem:v37+s30+$0x0] =	vst.idx.msk $0xffff, v61  }
0x1df: {  	v38 =	vshll.u32 v38, v1;
	v44 =	vbroadcast v44, $0x0;
	v60 =	vadd.s32 v9, v40;
	v59 =	vld [tilespmem:s17+$0xFFFFFE40];
	[tilespmem:v36+s30+$0x0] =	vst.idx.msk $0xffff, v63  }
0x1e0: {  	v38 =	vbroadcast v38, $0x0;
	v62 =	vadd.s32 v13, v42;
	v61 =	vld [tilespmem:s17+$0xFFFFFE90];
	[tilespmem:v33+s30+$0x0] =	vst.idx.msk $0xffff, v48  }
0x1e1: {  	v39 =	vshrl.u32 v39, $0x3;
	v63 =	vadd.s32 v17, v44;
	v33 =	vld [tilespmem:s17+$0xFFFFFEE0];
	[tilespmem:v50+s30+$0x0] =	vst.idx.msk $0xffff, v49  }
0x1e2: {  	v39 =	vshll.u32 v39, v1;
	v34 =	vld [tilespmem:s17+$0xFFFFFF30];
	[tilespmem:v56+s30+$0x0] =	vst.idx.msk $0xffff, v35;
	v56 =	vadd.s32 v21, v38  }
0x1e3: {  	[tilespmem:v58+s30+$0x0] =	vst.idx.msk $0xffff, v57;
	v35 =	vbroadcast v39, $0x0;
	v49 =	vadd.s32 v30, v41;
	v39 =	vld [tilespmem:s17+$0xFFFFFFE0]  }
0x1e4: {  	[tilespmem:v60+s30+$0x0] =	vst.idx.msk $0xffff, v59;
	v59 =	vld [tilespmem:s17+$0xFFFFFE00];
	v60 =	vadd.s32 v6, v47  }
0x1e5: {  	v57 =	vld [tilespmem:s17+$0xFFFFFF80];
	[tilespmem:v62+s30+$0x0] =	vst.idx.msk $0xffff, v61;
	v58 =	vadd.s32 v25, v35  }
0x1e6: {  	v61 =	vld [tilespmem:s17+$0xFFFFFE50];
	v62 =	vadd.s32 v10, v40;
	[tilespmem:v63+s30+$0x0] =	vst.idx.msk $0xffff, v33  }
0x1e7: {  	v33 =	vld [tilespmem:s17+$0xFFFFFEA0];
	v63 =	vadd.s32 v14, v42;
	[tilespmem:v56+s30+$0x0] =	vst.idx.msk $0xffff, v34  }
0x1e8: {  	v56 =	vadd.s32 v18, v44;
	[tilespmem:v49+s30+$0x0] =	vst.idx.msk $0xffff, v39;
	v49 =	vld [tilespmem:s17+$0xFFFFFEF0]  }
0x1e9: {  	[tilespmem:v60+s30+$0x0] =	vst.idx.msk $0xffff, v59;
	v39 =	vadd.s32 v31, v41;
	v34 =	vld [tilespmem:s17+$0xFFFFFFF0]  }
0x1ea: {  	[tilespmem:v58+s30+$0x0] =	vst.idx.msk $0xffff, v57;
	v57 =	vld [tilespmem:s17+$0xFFFFFF40];
	v58 =	vadd.s32 v22, v38  }
0x1eb: {  	[tilespmem:v62+s30+$0x0] =	vst.idx.msk $0xffff, v61;
	v61 =	vld [tilespmem:s17+$0xFFFFFDB0];
	v62 =	vadd.s32 v2, v45  }
0x1ec: {  	v60 =	vadd.s32 v26, v35;
	v59 =	vld [tilespmem:s17+$0xFFFFFF90];
	[tilespmem:v63+s30+$0x0] =	vst.idx.msk $0xffff, v33  }
0x1ed: {  	v55 =	vadd.s32 v11, v40;
	v54 =	vadd.s32 v32, v41;
	v41 =	vld [tilespmem:s17+$0xFFFFFE60];
	[tilespmem:v56+s30+$0x0] =	vst.idx.msk $0xffff, v49  }
0x1ee: {  	v53 =	vadd.s32 v7, v47;
	v63 =	vld [tilespmem:s17+$0xFFFFFE10];
	[tilespmem:v39+s30+$0x0] =	vst.idx.msk $0xffff, v34  }
0x1ef: {  	v56 =	vld [tilespmem:s17+$0xFFFFFEB0];
	[tilespmem:v58+s30+$0x0] =	vst.idx.msk $0xffff, v57;
	v57 =	vadd.s32 v15, v42  }
0x1f0: {  	[tilespmem:v62+s30+$0x0] =	vst.idx.msk $0xffff, v61;
	v34 =	vld [tilespmem:s17+$0x0]  }
0x1f1: {  	v58 =	vld [tilespmem:s17+$0xFFFFFF00];
	[tilespmem:v60+s30+$0x0] =	vst.idx.msk $0xffff, v59;
	v59 =	vadd.s32 v19, v44  }
0x1f2: {  	v61 =	vadd.s32 v23, v38;
	[tilespmem:v55+s30+$0x0] =	vst.idx.msk $0xffff, v41;
	v60 =	vld [tilespmem:s17+$0xFFFFFF50]  }
0x1f3: {  	[tilespmem:v53+s30+$0x0] =	vst.idx.msk $0xffff, v63;
	v63 =	vadd.s32 v27, v35;
	v62 =	vld [tilespmem:s17+$0xFFFFFFA0]  }
0x1f4: {  	v47 =	vadd.s32 v8, v47;
	v55 =	vld [tilespmem:s17+$0xFFFFFE20];
	[tilespmem:v57+s30+$0x0] =	vst.idx.msk $0xffff, v56  }
0x1f5: {  	v53 =	vld [tilespmem:s17+$0xFFFFFDC0];
	[tilespmem:v54+s30+$0x0] =	vst.idx.msk $0xffff, v34;
	v54 =	vadd.s32 v3, v45  }
0x1f6: {  	v40 =	vadd.s32 v12, v40;
	v56 =	vld [tilespmem:s17+$0xFFFFFE70];
	[tilespmem:v59+s30+$0x0] =	vst.idx.msk $0xffff, v58  }
0x1f7: {  	v42 =	vadd.s32 v16, v42;
	v57 =	vld [tilespmem:s17+$0xFFFFFEC0];
	[tilespmem:v61+s30+$0x0] =	vst.idx.msk $0xffff, v60  }
0x1f8: {  	v59 =	vadd.s32 v20, v44;
	v58 =	vld [tilespmem:s17+$0xFFFFFF10];
	[tilespmem:v63+s30+$0x0] =	vst.idx.msk $0xffff, v62  }
0x1f9: {  	v38 =	vadd.s32 v24, v38;
	v60 =	vld [tilespmem:s17+$0xFFFFFF60];
	[tilespmem:v47+s30+$0x0] =	vst.idx.msk $0xffff, v55  }
0x1fa: {  	v35 =	vadd.s32 v28, v35;
	v61 =	vld [tilespmem:s17+$0xFFFFFFB0];
	[tilespmem:v54+s30+$0x0] =	vst.idx.msk $0xffff, v53  }
0x1fb: {  	v63 =	vadd.s32 v4, v45;
	[tilespmem:v40+s30+$0x0] =	vst.idx.msk $0xffff, v56;
	v62 =	vld [tilespmem:s17+$0xFFFFFDD0]  }
0x1fc: {  	[tilespmem:v42+s30+$0x0] =	vst.idx.msk $0xffff, v57  }
0x1fd: {  	s19 =	sadd.s32 s6, s8;
	[tilespmem:v59+s30+$0x0] =	vst.idx.msk $0xffff, v58  }
0x1fe: {  	s11 =	sshll.u32 s19, $0x7;
	[tilespmem:v38+s30+$0x0] =	vst.idx.msk $0xffff, v60  }
0x1ff: {  	s11 =	sand.u32 $0x1FFFFF80, s11;
	[tilespmem:v35+s30+$0x0] =	vst.idx.msk $0xffff, v61  }
0x200: {  	s21 =	simm.s32 $0x12500;
	s14 =	sadd.s32 s2, s11;
	[tilespmem:v63+s30+$0x0] =	vst.idx.msk $0xffff, v62  }
0x201: {  	[hbm4b:s14+s3] =	stream.linear.scatter [tilespmem:s21], [sflag:$0x8], $0x80, $0x38;
	[tilespmem:$0x18B00] =	vst v63  }
0x202: {  	s15 =	simm.s32 $0x12588;
	s17 =	sadd.s32 $0x10, s14  }
0x203: {  	[hbm4b:s17+s3] =	stream.linear.scatter [tilespmem:s15], [sflag:$0x8], $0x80, $0x38;
	[tilespmem:$0x18B00] =	vst v63  }
0x204: {  	s19 =	simm.s32 $0x12610;
	s21 =	sadd.s32 $0x20, s14  }
0x205: {  	[hbm4b:s21+s3] =	stream.linear.scatter [tilespmem:s19], [sflag:$0x8], $0x80, $0x38;
	[tilespmem:$0x18B00] =	vst v63  }
0x206: {  	s15 =	simm.s32 $0x12698;
	s17 =	sadd.s32 $0x30, s14  }
0x207: {  	[hbm4b:s17+s3] =	stream.linear.scatter [tilespmem:s15], [sflag:$0x8], $0x80, $0x38;
	[tilespmem:$0x18B00] =	vst v63  }
0x208: {  	s19 =	simm.s32 $0x12720;
	s21 =	sadd.s32 $0x40, s14  }
0x209: {  	[hbm4b:s21+s3] =	stream.linear.scatter [tilespmem:s19], [sflag:$0x8], $0x80, $0x38;
	[tilespmem:$0x18B00] =	vst v63  }
0x20a: {  	s11 =	simm.s32 $0x440;
	s15 =	simm.s32 $0x127A8;
	s17 =	sadd.s32 $0x50, s14  }
0x20b: {  	[hbm4b:s17+s3] =	stream.linear.scatter [tilespmem:s15], [sflag:$0x8], $0x80, $0x38;
	[tilespmem:$0x18B00] =	vst v63  }
0x20c: {  	s19 =	simm.s32 $0x12830;
	s21 =	sadd.s32 $0x60, s14;
	s15 =	simm.s32 $0x2200  }
0x20d: {  	[hbm4b:s21+s3] =	stream.linear.scatter [tilespmem:s19], [sflag:$0x8], $0x80, $0x38;
	[tilespmem:$0x18B00] =	vst v63  }
0x20e: {  	s17 =	simm.s32 $0x128B8;
	s19 =	sadd.s32 $0x70, s14;
	s14 =	sadd.s32 $0x32000, s14  }
.LBB2_21:
0x20f: {  	[hbm4b:s19+s3] =	stream.linear.scatter [tilespmem:s17], [sflag:$0x8], $0x80, $0x38;
	[tilespmem:$0x18B00] =	vst v63  }
0x210: {  	s17 =	smov.u32 s11;
	s11 =	smov.u32 s15  }
0x211: {  	s21 =	sadd.s32 $0x1100, s15;
	s11 =	sshra.s32 s11, $0x2;
	s19 =	sadd.s32 $0x12500, s17  }
0x212: {  	[hbm4b:s14+s3] =	stream.linear.scatter [tilespmem:s19], [sflag:$0x8], $0x80, $0x38;
	[tilespmem:$0x18B00] =	vst v63  }
0x213: {  	p2 =	sne.s32 s15, $0x7700;
	s15 =	sadd.s32 $0x12588, s17;
	s19 =	sadd.s32 $0x10, s14  }
0x214: {  	[hbm4b:s19+s3] =	stream.linear.scatter [tilespmem:s15], [sflag:$0x8], $0x80, $0x38;
	[tilespmem:$0x18B00] =	vst v63  }
0x215: {  	s15 =	sadd.s32 $0x12610, s17;
	s19 =	sadd.s32 $0x20, s14  }
0x216: {  	[hbm4b:s19+s3] =	stream.linear.scatter [tilespmem:s15], [sflag:$0x8], $0x80, $0x38;
	[tilespmem:$0x18B00] =	vst v63  }
0x217: {  	s15 =	sadd.s32 $0x12698, s17;
	s19 =	sadd.s32 $0x30, s14  }
0x218: {  	[hbm4b:s19+s3] =	stream.linear.scatter [tilespmem:s15], [sflag:$0x8], $0x80, $0x38;
	[tilespmem:$0x18B00] =	vst v63  }
0x219: {  	s15 =	sadd.s32 $0x12720, s17;
	s19 =	sadd.s32 $0x40, s14  }
0x21a: {  	[hbm4b:s19+s3] =	stream.linear.scatter [tilespmem:s15], [sflag:$0x8], $0x80, $0x38;
	[tilespmem:$0x18B00] =	vst v63  }
.Ltmp13:
0x21b: {  	s15 =	sadd.s32 $0x127A8, s17;
	s19 =	sadd.s32 $0x50, s14;
	(pc) =	sbr.rel @p2 .LBB2_21-.Ltmp13, $4  }
0x21c: {  	[hbm4b:s19+s3] =	stream.linear.scatter [tilespmem:s15], [sflag:$0x8], $0x80, $0x38;
	[tilespmem:$0x18B00] =	vst v63  }
0x21d: {  	s15 =	sadd.s32 $0x12830, s17;
	s19 =	sadd.s32 $0x60, s14;
	s17 =	sadd.s32 $0x128B8, s17  }
0x21e: {  	[hbm4b:s19+s3] =	stream.linear.scatter [tilespmem:s15], [sflag:$0x8], $0x80, $0x38;
	[tilespmem:$0x18B00] =	vst v63  }
0x21f: {  	s19 =	sadd.s32 $0x70, s14;
	s14 =	sadd.s32 $0x32000, s14;
	s15 =	smov.u32 s21  }
0x220: {  	[hbm4b:s19+s3] =	stream.linear.scatter [tilespmem:s17], [sflag:$0x8], $0x80, $0x38;
	[tilespmem:$0x18B00] =	vst v63  }
0x221: {  	s15 =	sadd.s32 $0x12500, s11  }
0x222: {  	[hbm4b:s14+s3] =	stream.linear.scatter [tilespmem:s15], [sflag:$0x8], $0x80, $0x38;
	[tilespmem:$0x18B00] =	vst v63  }
0x223: {  	s19 =	sadd.s32 $0x12588, s11;
	s21 =	sadd.s32 $0x10, s14  }
0x224: {  	[hbm4b:s21+s3] =	stream.linear.scatter [tilespmem:s19], [sflag:$0x8], $0x80, $0x38;
	[tilespmem:$0x18B00] =	vst v63  }
0x225: {  	s19 =	sadd.s32 $0x12610, s11;
	s21 =	sadd.s32 $0x20, s14  }
0x226: {  	[hbm4b:s21+s3] =	stream.linear.scatter [tilespmem:s19], [sflag:$0x8], $0x80, $0x38;
	[tilespmem:$0x18B00] =	vst v63  }
0x227: {  	s19 =	sadd.s32 $0x12698, s11;
	s21 =	sadd.s32 $0x30, s14  }
0x228: {  	[hbm4b:s21+s3] =	stream.linear.scatter [tilespmem:s19], [sflag:$0x8], $0x80, $0x38;
	[tilespmem:$0x18B00] =	vst v63  }
0x229: {  	s19 =	sadd.s32 $0x12720, s11;
	s21 =	sadd.s32 $0x40, s14  }
0x22a: {  	[hbm4b:s21+s3] =	stream.linear.scatter [tilespmem:s19], [sflag:$0x8], $0x80, $0x38;
	[tilespmem:$0x18B00] =	vst v63  }
0x22b: {  	s19 =	sadd.s32 $0x127A8, s11;
	s21 =	sadd.s32 $0x50, s14  }
0x22c: {  	[hbm4b:s21+s3] =	stream.linear.scatter [tilespmem:s19], [sflag:$0x8], $0x80, $0x38;
	[tilespmem:$0x18B00] =	vst v63  }
.Ltmp14:
0x22d: {  	_ = 	snop;
	(pc) =	sbr.rel @p1 .LBB2_24-.Ltmp14, $4  }
0x22e: {  	s19 =	sadd.s32 $0x12830, s11;
	s21 =	sadd.s32 $0x60, s14  }
0x22f: {  	[hbm4b:s21+s3] =	stream.linear.scatter [tilespmem:s19], [sflag:$0x8], $0x80, $0x38;
	[tilespmem:$0x18B00] =	vst v63  }
0x230: {  	s19 =	sadd.s32 $0x128B8, s11;
	s21 =	sadd.s32 $0x70, s14  }
0x231: {  	[hbm4b:s21+s3] =	stream.linear.scatter [tilespmem:s19], [sflag:$0x8], $0x80, $0x38;
	[tilespmem:$0x18B00] =	vst v63  }
.Ltmp15:
0x232: {  	(pc) =	sbr.rel .LBB2_25-.Ltmp15, $4  }
0x233: {  	_ = 	snop  }
0x234: {  	_ =	swait.ge [sflag:s31], $0x2800  }
0x235: {  	[sflag:s31] =	ssyncset.done $0x0  }
0x236: {  	[sflag:s31] =	ssyncadd.s32 $0xFFFFD800  }
.LBB2_24:
0x237: {  	s11 =	smul.u32 $0xA00, s12;
	_ =	sdelay $0x1  }
0x238: {  	s11 =	sshra.s32 s11, $0x2  }
.Ltmp16:
0x239: {  	s14 =	simm.s32 $0x6900;
	s11 =	sadd.s32 $0x380, s11;
	(pc) =	sbr.rel @p0 .LBB2_26-.Ltmp16, $4  }
0x23a: {  	[tilespmem:s14], [sflag:$0x3] =	stream.indirect.gather [hbm4b:s5+s13], $0x50, s11, s13, $0xb8;
	[tilespmem:$0x18B00] =	vst v63  }
0x23b: {  	_ =	swait.ge [sflag:s31], $0x2800  }
0x23c: {  	[sflag:s31] =	ssyncset.done $0x0  }
0x23d: {  	[sflag:s31] =	ssyncadd.s32 $0xFFFFD800  }
.LBB2_25:
0x23e: {  	_ =	swait.ge [sflag:s1], $0x2000  }
0x23f: {  	[sflag:s1] =	ssyncset.done $0x0  }
0x240: {  	[sflag:s1] =	ssyncadd.s32 $0xFFFFE000  }
.LBB2_26:
0x241: {  	s11 =	simm.s32 $0x0;
	s15 =	simm.s32 $0x1;
	s14 =	simm.s32 $0x2  }
0x242: {  	s17 =	simm.s32 $0x3;
	s19 =	simm.s32 $0x4;
	s21 =	simm.s32 $0x5;
	v33 =	vmov s11;
	v34 =	vmov s15;
	v35 =	vmov s14  }
0x243: {  	s15 =	simm.s32 $0x7;
	v36 =	vmov s17;
	v37 =	vmov s19;
	v39 =	vmov s21;
	s14 =	simm.s32 $0x6  }
0x244: {  	v33 =	vshrl.u32 v33, $0x3;
	v38 =	vmov s15;
	v40 =	vmov s14  }
0x245: {  	v34 =	vshrl.u32 v34, $0x3;
	v35 =	vshrl.u32 v35, $0x3;
	v36 =	vshrl.u32 v36, $0x3  }
0x246: {  	v37 =	vshrl.u32 v37, $0x3;
	v55 =	vshrl.u32 v39, $0x3;
	v33 =	vshll.u32 v33, v1  }
0x247: {  	v38 =	vshrl.u32 v38, $0x3;
	v34 =	vshll.u32 v34, v1;
	v33 =	vbroadcast v33, $0x0  }
0x248: {  	s11 =	simm.s32 $0x9360;
	v52 =	vshll.u32 v35, v1;
	v38 =	vshll.u32 v38, v1;
	v45 =	vbroadcast v34, $0x0  }
0x249: {  	v43 =	vld [tilespmem:s11+$0xFFFFFDA0];
	v53 =	vshll.u32 v36, v1;
	v38 =	vbroadcast v38, $0x0;
	v44 =	vadd.s32 v0, v33  }
0x24a: {  	v46 =	vld [tilespmem:s11+$0xFFFFFDF0];
	v54 =	vshll.u32 v37, v1;
	v52 =	vbroadcast v52, $0x0;
	v47 =	vadd.s32 v5, v45  }
0x24b: {  	v41 =	vld [tilespmem:s11+$0xFFFFFFD0];
	v36 =	vshll.u32 v55, v1;
	v35 =	vbroadcast v53, $0x0;
	v42 =	vadd.s32 v29, v38  }
0x24c: {  	v48 =	vld [tilespmem:s11+$0xFFFFFE40];
	v40 =	vshrl.u32 v40, $0x3;
	v34 =	vbroadcast v54, $0x0;
	v49 =	vadd.s32 v9, v52  }
0x24d: {  	v39 =	vld [tilespmem:s11+$0xFFFFFE90];
	v37 =	vbroadcast v36, $0x0;
	v56 =	vshll.u32 v40, v1;
	v50 =	vadd.s32 v13, v35  }
0x24e: {  	v51 =	vld [tilespmem:s11+$0xFFFFFEE0];
	v36 =	vbroadcast v56, $0x0;
	v53 =	vadd.s32 v17, v34;
	[tilespmem:v44+s0+$0x0] =	vst.idx.msk $0xffff, v43  }
0x24f: {  	v59 =	vld [tilespmem:s11+$0xFFFFFF30];
	v60 =	vadd.s32 v21, v37;
	[tilespmem:v47+s0+$0x0] =	vst.idx.msk $0xffff, v46  }
0x250: {  	v61 =	vld [tilespmem:s11+$0xFFFFFF80];
	v62 =	vadd.s32 v25, v36;
	[tilespmem:v42+s0+$0x0] =	vst.idx.msk $0xffff, v41  }
0x251: {  	v58 =	vadd.s32 v30, v38;
	[tilespmem:v49+s0+$0x0] =	vst.idx.msk $0xffff, v48;
	v57 =	vld [tilespmem:s11+$0xFFFFFFE0]  }
0x252: {  	v63 =	vadd.s32 v6, v45;
	[tilespmem:v50+s0+$0x0] =	vst.idx.msk $0xffff, v39;
	v47 =	vld [tilespmem:s11+$0xFFFFFE00]  }
0x253: {  	v55 =	vadd.s32 v10, v52;
	[tilespmem:v53+s0+$0x0] =	vst.idx.msk $0xffff, v51;
	v54 =	vld [tilespmem:s11+$0xFFFFFE50]  }
0x254: {  	v56 =	vadd.s32 v14, v35;
	[tilespmem:v60+s0+$0x0] =	vst.idx.msk $0xffff, v59;
	v50 =	vld [tilespmem:s11+$0xFFFFFEA0]  }
0x255: {  	v46 =	vadd.s32 v22, v37;
	[tilespmem:v62+s0+$0x0] =	vst.idx.msk $0xffff, v61;
	v44 =	vld [tilespmem:s11+$0xFFFFFF40]  }
0x256: {  	v59 =	vadd.s32 v18, v34;
	[tilespmem:v58+s0+$0x0] =	vst.idx.msk $0xffff, v57;
	v58 =	vld [tilespmem:s11+$0xFFFFFEF0]  }
0x257: {  	[tilespmem:v63+s0+$0x0] =	vst.idx.msk $0xffff, v47;
	v57 =	vadd.s32 v31, v38;
	v40 =	vld [tilespmem:s11+$0xFFFFFFF0]  }
0x258: {  	v61 =	vld [tilespmem:s11+$0xFFFFFDB0];
	v62 =	vadd.s32 v2, v33;
	[tilespmem:v55+s0+$0x0] =	vst.idx.msk $0xffff, v54  }
0x259: {  	v60 =	vadd.s32 v26, v36;
	v63 =	vld [tilespmem:s11+$0xFFFFFF90];
	[tilespmem:v56+s0+$0x0] =	vst.idx.msk $0xffff, v50  }
0x25a: {  	v51 =	vadd.s32 v7, v45;
	[tilespmem:v46+s0+$0x0] =	vst.idx.msk $0xffff, v44;
	v50 =	vld [tilespmem:s11+$0xFFFFFE10]  }
0x25b: {  	v56 =	vadd.s32 v11, v52;
	v55 =	vld [tilespmem:s11+$0xFFFFFE60];
	[tilespmem:v59+s0+$0x0] =	vst.idx.msk $0xffff, v58  }
0x25c: {  	v58 =	vadd.s32 v15, v35;
	[tilespmem:v57+s0+$0x0] =	vst.idx.msk $0xffff, v40;
	v57 =	vld [tilespmem:s11+$0xFFFFFEB0]  }
0x25d: {  	[tilespmem:v62+s0+$0x0] =	vst.idx.msk $0xffff, v61;
	v38 =	vadd.s32 v32, v38;
	v54 =	vld [tilespmem:s11+$0x0]  }
0x25e: {  	s17 =	simm.s32 $0x9;
	[tilespmem:v60+s0+$0x0] =	vst.idx.msk $0xffff, v63;
	v60 =	vadd.s32 v19, v34;
	v59 =	vld [tilespmem:s11+$0xFFFFFF00]  }
0x25f: {  	s21 =	simm.s32 $0xB;
	v53 =	vmov s17;
	v41 =	vadd.s32 v23, v37;
	[tilespmem:v51+s0+$0x0] =	vst.idx.msk $0xffff, v50;
	v40 =	vld [tilespmem:s11+$0xFFFFFF50]  }
0x260: {  	s15 =	simm.s32 $0x8;
	v43 =	vadd.s32 v27, v36;
	s17 =	simm.s32 $0xC;
	v48 =	vadd.s32 v3, v33;
	v44 =	vmov s21;
	v42 =	vld [tilespmem:s11+$0xFFFFFFA0];
	[tilespmem:v56+s0+$0x0] =	vst.idx.msk $0xffff, v55  }
0x261: {  	s19 =	simm.s32 $0xA;
	v47 =	vmov s17;
	v52 =	vadd.s32 v12, v52;
	v46 =	vld [tilespmem:s11+$0xFFFFFDC0];
	v63 =	vmov s15;
	[tilespmem:v58+s0+$0x0] =	vst.idx.msk $0xffff, v57  }
0x262: {  	s21 =	simm.s32 $0xE;
	v39 =	vshrl.u32 v63, $0x3;
	v51 =	vadd.s32 v8, v45;
	v49 =	vld [tilespmem:s11+$0xFFFFFE20];
	[tilespmem:v38+s0+$0x0] =	vst.idx.msk $0xffff, v54;
	v54 =	vmov s19;
	s19 =	simm.s32 $0xD  }
0x263: {  	s14 =	simm.s32 $0x10;
	s15 =	simm.s32 $0xF;
	v45 =	vshll.u32 v39, v1;
	v39 =	vmov s21;
	v50 =	vld [tilespmem:s11+$0xFFFFFE70];
	[tilespmem:v60+s0+$0x0] =	vst.idx.msk $0xffff, v59;
	v38 =	vmov s19  }
.LBB2_27:
0x264: {  	p2 =	slt.u32 s14, $0x78;
	v53 =	vshrl.u32 v53, $0x3;
	v55 =	vmov s15;
	v56 =	vld [tilespmem:s11+$0xFFFFFEC0];
	v35 =	vadd.s32 v16, v35;
	[tilespmem:v41+s0+$0x0] =	vst.idx.msk $0xffff, v40  }
0x265: {  	v40 =	vshrl.u32 v54, $0x3;
	v34 =	vadd.s32 v20, v34;
	v41 =	vshrl.u32 v55, $0x3;
	v54 =	vld [tilespmem:s11+$0xFFFFFF10];
	[tilespmem:v43+s0+$0x0] =	vst.idx.msk $0xffff, v42  }
0x266: {  	v37 =	vadd.s32 v24, v37;
	v42 =	vshrl.u32 v44, $0x3;
	v41 =	vshll.u32 v41, v1;
	[tilespmem:v48+s0+$0x0] =	vst.idx.msk $0xffff, v46;
	v43 =	vld [tilespmem:s11+$0xFFFFFF60]  }
0x267: {  	v36 =	vadd.s32 v28, v36;
	v44 =	vshrl.u32 v47, $0x3;
	v41 =	vbroadcast v41, $0x0;
	[tilespmem:v51+s0+$0x0] =	vst.idx.msk $0xffff, v49;
	v46 =	vld [tilespmem:s11+$0xFFFFFFB0]  }
0x268: {  	v47 =	vshll.u32 v53, v1;
	v49 =	vadd.s32 v4, v33;
	v33 =	vbroadcast v45, $0x0;
	v48 =	vld [tilespmem:s11+$0xFFFFFDD0];
	[tilespmem:v52+s0+$0x0] =	vst.idx.msk $0xffff, v50;
	s11 =	sadd.s32 $0x280, s11  }
0x269: {  	v40 =	vshll.u32 v40, v1;
	v45 =	vbroadcast v47, $0x0;
	v47 =	vld [tilespmem:s11+$0xFFFFFFD0];
	v50 =	vadd.s32 v29, v41;
	[tilespmem:v35+s0+$0x0] =	vst.idx.msk $0xffff, v56  }
0x26a: {  	v55 =	vbroadcast v40, $0x0;
	v52 =	vadd.s32 v0, v33;
	v35 =	vshll.u32 v42, v1;
	v51 =	vld [tilespmem:s11+$0xFFFFFDA0];
	[tilespmem:v34+s0+$0x0] =	vst.idx.msk $0xffff, v54  }
0x26b: {  	v42 =	vadd.s32 v5, v45;
	v35 =	vbroadcast v35, $0x0;
	v34 =	vshll.u32 v44, v1;
	v40 =	vld [tilespmem:s11+$0xFFFFFDF0];
	[tilespmem:v37+s0+$0x0] =	vst.idx.msk $0xffff, v43  }
0x26c: {  	v44 =	vadd.s32 v9, v55;
	v34 =	vbroadcast v34, $0x0;
	v37 =	vshrl.u32 v38, $0x3;
	v43 =	vld [tilespmem:s11+$0xFFFFFE40];
	[tilespmem:v36+s0+$0x0] =	vst.idx.msk $0xffff, v46  }
0x26d: {  	v39 =	vshrl.u32 v39, $0x3;
	v46 =	vadd.s32 v13, v35;
	v36 =	vshll.u32 v37, v1;
	v38 =	vld [tilespmem:s11+$0xFFFFFE90];
	[tilespmem:v49+s0+$0x0] =	vst.idx.msk $0xffff, v48  }
0x26e: {  	v49 =	vadd.s32 v17, v34;
	v37 =	vbroadcast v36, $0x0;
	v36 =	vshll.u32 v39, v1;
	v48 =	vld [tilespmem:s11+$0xFFFFFEE0];
	[tilespmem:v50+s0+$0x0] =	vst.idx.msk $0xffff, v47  }
0x26f: {  	v36 =	vbroadcast v36, $0x0;
	v47 =	vadd.s32 v30, v41;
	[tilespmem:v52+s0+$0x0] =	vst.idx.msk $0xffff, v51;
	v39 =	vld [tilespmem:s11+$0xFFFFFFE0]  }
0x270: {  	[tilespmem:v42+s0+$0x0] =	vst.idx.msk $0xffff, v40;
	v40 =	vld [tilespmem:s11+$0xFFFFFF30];
	v42 =	vadd.s32 v21, v37  }
0x271: {  	[tilespmem:v44+s0+$0x0] =	vst.idx.msk $0xffff, v43;
	v43 =	vld [tilespmem:s11+$0xFFFFFF80];
	v44 =	vadd.s32 v25, v36  }
0x272: {  	v51 =	vadd.s32 v6, v45;
	v50 =	vld [tilespmem:s11+$0xFFFFFE00];
	[tilespmem:v46+s0+$0x0] =	vst.idx.msk $0xffff, v38  }
0x273: {  	v46 =	vadd.s32 v10, v55;
	v38 =	vld [tilespmem:s11+$0xFFFFFE50];
	[tilespmem:v49+s0+$0x0] =	vst.idx.msk $0xffff, v48  }
0x274: {  	v49 =	vadd.s32 v14, v35;
	v48 =	vld [tilespmem:s11+$0xFFFFFEA0];
	[tilespmem:v47+s0+$0x0] =	vst.idx.msk $0xffff, v39  }
0x275: {  	[tilespmem:v42+s0+$0x0] =	vst.idx.msk $0xffff, v40;
	v39 =	vld [tilespmem:s11+$0xFFFFFFF0];
	v40 =	vadd.s32 v31, v41  }
0x276: {  	v47 =	vadd.s32 v18, v34;
	v42 =	vld [tilespmem:s11+$0xFFFFFEF0];
	[tilespmem:v44+s0+$0x0] =	vst.idx.msk $0xffff, v43  }
0x277: {  	v44 =	vadd.s32 v22, v37;
	[tilespmem:v51+s0+$0x0] =	vst.idx.msk $0xffff, v50;
	v43 =	vld [tilespmem:s11+$0xFFFFFF40]  }
0x278: {  	[tilespmem:v46+s0+$0x0] =	vst.idx.msk $0xffff, v38;
	v38 =	vld [tilespmem:s11+$0xFFFFFF90];
	v46 =	vadd.s32 v26, v36  }
0x279: {  	v51 =	vadd.s32 v2, v33;
	v50 =	vld [tilespmem:s11+$0xFFFFFDB0];
	[tilespmem:v49+s0+$0x0] =	vst.idx.msk $0xffff, v48  }
0x27a: {  	v49 =	vadd.s32 v7, v45;
	v48 =	vld [tilespmem:s11+$0xFFFFFE10];
	[tilespmem:v40+s0+$0x0] =	vst.idx.msk $0xffff, v39  }
0x27b: {  	[tilespmem:v47+s0+$0x0] =	vst.idx.msk $0xffff, v42;
	v39 =	vld [tilespmem:s11+$0x0];
	v47 =	vadd.s32 v32, v41  }
0x27c: {  	v56 =	vadd.s32 v11, v55;
	v52 =	vld [tilespmem:s11+$0xFFFFFE60];
	[tilespmem:v44+s0+$0x0] =	vst.idx.msk $0xffff, v43  }
0x27d: {  	v58 =	vadd.s32 v15, v35;
	v57 =	vld [tilespmem:s11+$0xFFFFFEB0];
	[tilespmem:v46+s0+$0x0] =	vst.idx.msk $0xffff, v38  }
0x27e: {  	v60 =	vadd.s32 v19, v34;
	[tilespmem:v51+s0+$0x0] =	vst.idx.msk $0xffff, v50;
	v59 =	vld [tilespmem:s11+$0xFFFFFF00]  }
.Ltmp17:
0x27f: {  	s15 =	sadd.s32 $0x1, s14;
	v41 =	vadd.s32 v23, v37;
	v38 =	vmov s14;
	[tilespmem:v49+s0+$0x0] =	vst.idx.msk $0xffff, v48;
	v40 =	vld [tilespmem:s11+$0xFFFFFF50];
	(pc) =	sbr.rel @p2 .LBB2_27-.Ltmp17, $4  }
0x280: {  	s17 =	sadd.s32 $0x3, s14;
	v53 =	vmov s15;
	s15 =	sadd.s32 $0x2, s14;
	v43 =	vadd.s32 v27, v36;
	v50 =	vshrl.u32 v38, $0x3;
	v42 =	vld [tilespmem:s11+$0xFFFFFFA0];
	[tilespmem:v47+s0+$0x0] =	vst.idx.msk $0xffff, v39  }
0x281: {  	v54 =	vmov s15;
	s15 =	sadd.s32 $0x4, s14;
	v44 =	vmov s17;
	s17 =	sadd.s32 $0x5, s14;
	v48 =	vadd.s32 v3, v33;
	v46 =	vld [tilespmem:s11+$0xFFFFFDC0];
	[tilespmem:v56+s0+$0x0] =	vst.idx.msk $0xffff, v52  }
0x282: {  	v38 =	vmov s17;
	v51 =	vadd.s32 v8, v45;
	v47 =	vmov s15;
	s15 =	sadd.s32 $0x6, s14;
	v49 =	vld [tilespmem:s11+$0xFFFFFE20];
	[tilespmem:v58+s0+$0x0] =	vst.idx.msk $0xffff, v57  }
0x283: {  	v45 =	vshll.u32 v50, v1;
	v39 =	vmov s15;
	s15 =	sadd.s32 $0x7, s14;
	s14 =	sadd.s32 $0x8, s14;
	v52 =	vadd.s32 v12, v55;
	v50 =	vld [tilespmem:s11+$0xFFFFFE70];
	[tilespmem:v60+s0+$0x0] =	vst.idx.msk $0xffff, v59  }
0x284: {  	_ =	sdelay $0x2  }
0x285: {  	v53 =	vshrl.u32 v53, $0x3  }
0x286: {  	v55 =	vmov s15;
	v56 =	vld [tilespmem:s11+$0xFFFFFEC0];
	v35 =	vadd.s32 v16, v35;
	[tilespmem:v41+s0+$0x0] =	vst.idx.msk $0xffff, v40;
	v57 =	vshrl.u32 v54, $0x3  }
0x287: {  	v59 =	vld [tilespmem:s11+$0xFFFFFF10];
	v34 =	vadd.s32 v20, v34;
	v60 =	vshrl.u32 v44, $0x3;
	v58 =	vshrl.u32 v55, $0x3;
	[tilespmem:v43+s0+$0x0] =	vst.idx.msk $0xffff, v42  }
0x288: {  	v37 =	vadd.s32 v24, v37;
	v62 =	vshrl.u32 v47, $0x3;
	v61 =	vld [tilespmem:s11+$0xFFFFFF60];
	v41 =	vshll.u32 v58, v1;
	[tilespmem:v48+s0+$0x0] =	vst.idx.msk $0xffff, v46  }
0x289: {  	v36 =	vadd.s32 v28, v36;
	v45 =	vbroadcast v45, $0x0;
	v63 =	vld [tilespmem:s11+$0xFFFFFFB0];
	v41 =	vbroadcast v41, $0x0;
	[tilespmem:v51+s0+$0x0] =	vst.idx.msk $0xffff, v49  }
0x28a: {  	v33 =	vadd.s32 v4, v33;
	s17 =	sadd.s32 $0x280, s11;
	v38 =	vshrl.u32 v38, $0x3;
	v55 =	vshll.u32 v53, v1;
	v48 =	vld [tilespmem:s11+$0xFFFFFDD0];
	[tilespmem:v52+s0+$0x0] =	vst.idx.msk $0xffff, v50  }
0x28b: {  	v40 =	vshll.u32 v57, v1;
	v47 =	vbroadcast v55, $0x0;
	v49 =	vld [tilespmem:s17+$0xFFFFFFD0];
	v50 =	vadd.s32 v29, v41;
	[tilespmem:v35+s0+$0x0] =	vst.idx.msk $0xffff, v56  }
0x28c: {  	v42 =	vshll.u32 v60, v1;
	v40 =	vbroadcast v40, $0x0;
	v35 =	vld [tilespmem:s17+$0xFFFFFDA0];
	v56 =	vadd.s32 v0, v45;
	[tilespmem:v34+s0+$0x0] =	vst.idx.msk $0xffff, v59  }
0x28d: {  	v57 =	vld [tilespmem:s17+$0xFFFFFDF0];
	v44 =	vshll.u32 v62, v1;
	v42 =	vbroadcast v42, $0x0;
	v58 =	vadd.s32 v5, v47;
	[tilespmem:v37+s0+$0x0] =	vst.idx.msk $0xffff, v61  }
0x28e: {  	v38 =	vshll.u32 v38, v1;
	v44 =	vbroadcast v44, $0x0;
	v60 =	vadd.s32 v9, v40;
	v59 =	vld [tilespmem:s17+$0xFFFFFE40];
	[tilespmem:v36+s0+$0x0] =	vst.idx.msk $0xffff, v63  }
0x28f: {  	v38 =	vbroadcast v38, $0x0;
	v62 =	vadd.s32 v13, v42;
	v61 =	vld [tilespmem:s17+$0xFFFFFE90];
	[tilespmem:v33+s0+$0x0] =	vst.idx.msk $0xffff, v48  }
0x290: {  	v39 =	vshrl.u32 v39, $0x3;
	v63 =	vadd.s32 v17, v44;
	v33 =	vld [tilespmem:s17+$0xFFFFFEE0];
	[tilespmem:v50+s0+$0x0] =	vst.idx.msk $0xffff, v49  }
0x291: {  	v39 =	vshll.u32 v39, v1;
	v34 =	vld [tilespmem:s17+$0xFFFFFF30];
	[tilespmem:v56+s0+$0x0] =	vst.idx.msk $0xffff, v35;
	v56 =	vadd.s32 v21, v38  }
0x292: {  	[tilespmem:v58+s0+$0x0] =	vst.idx.msk $0xffff, v57;
	v35 =	vbroadcast v39, $0x0;
	v49 =	vadd.s32 v30, v41;
	v39 =	vld [tilespmem:s17+$0xFFFFFFE0]  }
0x293: {  	[tilespmem:v60+s0+$0x0] =	vst.idx.msk $0xffff, v59;
	v59 =	vld [tilespmem:s17+$0xFFFFFE00];
	v60 =	vadd.s32 v6, v47  }
0x294: {  	v57 =	vld [tilespmem:s17+$0xFFFFFF80];
	[tilespmem:v62+s0+$0x0] =	vst.idx.msk $0xffff, v61;
	v58 =	vadd.s32 v25, v35  }
0x295: {  	v61 =	vld [tilespmem:s17+$0xFFFFFE50];
	v62 =	vadd.s32 v10, v40;
	[tilespmem:v63+s0+$0x0] =	vst.idx.msk $0xffff, v33  }
0x296: {  	v33 =	vld [tilespmem:s17+$0xFFFFFEA0];
	v63 =	vadd.s32 v14, v42;
	[tilespmem:v56+s0+$0x0] =	vst.idx.msk $0xffff, v34  }
0x297: {  	v56 =	vadd.s32 v18, v44;
	[tilespmem:v49+s0+$0x0] =	vst.idx.msk $0xffff, v39;
	v49 =	vld [tilespmem:s17+$0xFFFFFEF0]  }
0x298: {  	[tilespmem:v60+s0+$0x0] =	vst.idx.msk $0xffff, v59;
	v39 =	vadd.s32 v31, v41;
	v34 =	vld [tilespmem:s17+$0xFFFFFFF0]  }
0x299: {  	[tilespmem:v58+s0+$0x0] =	vst.idx.msk $0xffff, v57;
	v57 =	vld [tilespmem:s17+$0xFFFFFF40];
	v58 =	vadd.s32 v22, v38  }
0x29a: {  	[tilespmem:v62+s0+$0x0] =	vst.idx.msk $0xffff, v61;
	v61 =	vld [tilespmem:s17+$0xFFFFFDB0];
	v62 =	vadd.s32 v2, v45  }
0x29b: {  	v60 =	vadd.s32 v26, v35;
	v59 =	vld [tilespmem:s17+$0xFFFFFF90];
	[tilespmem:v63+s0+$0x0] =	vst.idx.msk $0xffff, v33  }
0x29c: {  	v55 =	vadd.s32 v11, v40;
	v54 =	vadd.s32 v32, v41;
	v41 =	vld [tilespmem:s17+$0xFFFFFE60];
	[tilespmem:v56+s0+$0x0] =	vst.idx.msk $0xffff, v49  }
0x29d: {  	v53 =	vadd.s32 v7, v47;
	v63 =	vld [tilespmem:s17+$0xFFFFFE10];
	[tilespmem:v39+s0+$0x0] =	vst.idx.msk $0xffff, v34  }
0x29e: {  	v56 =	vld [tilespmem:s17+$0xFFFFFEB0];
	[tilespmem:v58+s0+$0x0] =	vst.idx.msk $0xffff, v57;
	v57 =	vadd.s32 v15, v42  }
0x29f: {  	[tilespmem:v62+s0+$0x0] =	vst.idx.msk $0xffff, v61;
	v34 =	vld [tilespmem:s17+$0x0]  }
0x2a0: {  	v58 =	vld [tilespmem:s17+$0xFFFFFF00];
	[tilespmem:v60+s0+$0x0] =	vst.idx.msk $0xffff, v59;
	v59 =	vadd.s32 v19, v44  }
0x2a1: {  	v61 =	vadd.s32 v23, v38;
	[tilespmem:v55+s0+$0x0] =	vst.idx.msk $0xffff, v41;
	v60 =	vld [tilespmem:s17+$0xFFFFFF50]  }
0x2a2: {  	[tilespmem:v53+s0+$0x0] =	vst.idx.msk $0xffff, v63;
	v63 =	vadd.s32 v27, v35;
	v62 =	vld [tilespmem:s17+$0xFFFFFFA0]  }
0x2a3: {  	v47 =	vadd.s32 v8, v47;
	v55 =	vld [tilespmem:s17+$0xFFFFFE20];
	[tilespmem:v57+s0+$0x0] =	vst.idx.msk $0xffff, v56  }
0x2a4: {  	v53 =	vld [tilespmem:s17+$0xFFFFFDC0];
	[tilespmem:v54+s0+$0x0] =	vst.idx.msk $0xffff, v34;
	v54 =	vadd.s32 v3, v45  }
0x2a5: {  	v40 =	vadd.s32 v12, v40;
	v56 =	vld [tilespmem:s17+$0xFFFFFE70];
	[tilespmem:v59+s0+$0x0] =	vst.idx.msk $0xffff, v58  }
0x2a6: {  	v42 =	vadd.s32 v16, v42;
	v57 =	vld [tilespmem:s17+$0xFFFFFEC0];
	[tilespmem:v61+s0+$0x0] =	vst.idx.msk $0xffff, v60  }
0x2a7: {  	v59 =	vadd.s32 v20, v44;
	v58 =	vld [tilespmem:s17+$0xFFFFFF10];
	[tilespmem:v63+s0+$0x0] =	vst.idx.msk $0xffff, v62  }
0x2a8: {  	v38 =	vadd.s32 v24, v38;
	v60 =	vld [tilespmem:s17+$0xFFFFFF60];
	[tilespmem:v47+s0+$0x0] =	vst.idx.msk $0xffff, v55  }
0x2a9: {  	v35 =	vadd.s32 v28, v35;
	v61 =	vld [tilespmem:s17+$0xFFFFFFB0];
	[tilespmem:v54+s0+$0x0] =	vst.idx.msk $0xffff, v53  }
0x2aa: {  	v63 =	vadd.s32 v4, v45;
	[tilespmem:v40+s0+$0x0] =	vst.idx.msk $0xffff, v56;
	v62 =	vld [tilespmem:s17+$0xFFFFFDD0]  }
0x2ab: {  	[tilespmem:v42+s0+$0x0] =	vst.idx.msk $0xffff, v57  }
0x2ac: {  	s19 =	sadd.s32 s6, s9;
	[tilespmem:v59+s0+$0x0] =	vst.idx.msk $0xffff, v58  }
0x2ad: {  	s11 =	sshll.u32 s19, $0x7;
	[tilespmem:v38+s0+$0x0] =	vst.idx.msk $0xffff, v60  }
0x2ae: {  	s11 =	sand.u32 $0x1FFFFF80, s11;
	[tilespmem:v35+s0+$0x0] =	vst.idx.msk $0xffff, v61  }
0x2af: {  	s21 =	simm.s32 $0x14700;
	s14 =	sadd.s32 s2, s11;
	[tilespmem:v63+s0+$0x0] =	vst.idx.msk $0xffff, v62  }
0x2b0: {  	[hbm4b:s14+s3] =	stream.linear.scatter [tilespmem:s21], [sflag:$0x9], $0x80, $0x38;
	[tilespmem:$0x18B00] =	vst v63  }
0x2b1: {  	s15 =	simm.s32 $0x14788;
	s17 =	sadd.s32 $0x10, s14  }
0x2b2: {  	[hbm4b:s17+s3] =	stream.linear.scatter [tilespmem:s15], [sflag:$0x9], $0x80, $0x38;
	[tilespmem:$0x18B00] =	vst v63  }
0x2b3: {  	s19 =	simm.s32 $0x14810;
	s21 =	sadd.s32 $0x20, s14  }
0x2b4: {  	[hbm4b:s21+s3] =	stream.linear.scatter [tilespmem:s19], [sflag:$0x9], $0x80, $0x38;
	[tilespmem:$0x18B00] =	vst v63  }
0x2b5: {  	s15 =	simm.s32 $0x14898;
	s17 =	sadd.s32 $0x30, s14  }
0x2b6: {  	[hbm4b:s17+s3] =	stream.linear.scatter [tilespmem:s15], [sflag:$0x9], $0x80, $0x38;
	[tilespmem:$0x18B00] =	vst v63  }
0x2b7: {  	s19 =	simm.s32 $0x14920;
	s21 =	sadd.s32 $0x40, s14  }
0x2b8: {  	[hbm4b:s21+s3] =	stream.linear.scatter [tilespmem:s19], [sflag:$0x9], $0x80, $0x38;
	[tilespmem:$0x18B00] =	vst v63  }
0x2b9: {  	s11 =	simm.s32 $0x440;
	s15 =	simm.s32 $0x149A8;
	s17 =	sadd.s32 $0x50, s14  }
0x2ba: {  	[hbm4b:s17+s3] =	stream.linear.scatter [tilespmem:s15], [sflag:$0x9], $0x80, $0x38;
	[tilespmem:$0x18B00] =	vst v63  }
0x2bb: {  	s19 =	simm.s32 $0x14A30;
	s21 =	sadd.s32 $0x60, s14;
	s15 =	simm.s32 $0x2200  }
0x2bc: {  	[hbm4b:s21+s3] =	stream.linear.scatter [tilespmem:s19], [sflag:$0x9], $0x80, $0x38;
	[tilespmem:$0x18B00] =	vst v63  }
0x2bd: {  	s17 =	simm.s32 $0x14AB8;
	s19 =	sadd.s32 $0x70, s14;
	s14 =	sadd.s32 $0x32000, s14  }
.LBB2_29:
0x2be: {  	[hbm4b:s19+s3] =	stream.linear.scatter [tilespmem:s17], [sflag:$0x9], $0x80, $0x38;
	[tilespmem:$0x18B00] =	vst v63  }
0x2bf: {  	s17 =	smov.u32 s11;
	s11 =	smov.u32 s15  }
0x2c0: {  	s21 =	sadd.s32 $0x1100, s15;
	s11 =	sshra.s32 s11, $0x2;
	s19 =	sadd.s32 $0x14700, s17  }
0x2c1: {  	[hbm4b:s14+s3] =	stream.linear.scatter [tilespmem:s19], [sflag:$0x9], $0x80, $0x38;
	[tilespmem:$0x18B00] =	vst v63  }
0x2c2: {  	p2 =	sne.s32 s15, $0x7700;
	s15 =	sadd.s32 $0x14788, s17;
	s19 =	sadd.s32 $0x10, s14  }
0x2c3: {  	[hbm4b:s19+s3] =	stream.linear.scatter [tilespmem:s15], [sflag:$0x9], $0x80, $0x38;
	[tilespmem:$0x18B00] =	vst v63  }
0x2c4: {  	s15 =	sadd.s32 $0x14810, s17;
	s19 =	sadd.s32 $0x20, s14  }
0x2c5: {  	[hbm4b:s19+s3] =	stream.linear.scatter [tilespmem:s15], [sflag:$0x9], $0x80, $0x38;
	[tilespmem:$0x18B00] =	vst v63  }
0x2c6: {  	s15 =	sadd.s32 $0x14898, s17;
	s19 =	sadd.s32 $0x30, s14  }
0x2c7: {  	[hbm4b:s19+s3] =	stream.linear.scatter [tilespmem:s15], [sflag:$0x9], $0x80, $0x38;
	[tilespmem:$0x18B00] =	vst v63  }
0x2c8: {  	s15 =	sadd.s32 $0x14920, s17;
	s19 =	sadd.s32 $0x40, s14  }
0x2c9: {  	[hbm4b:s19+s3] =	stream.linear.scatter [tilespmem:s15], [sflag:$0x9], $0x80, $0x38;
	[tilespmem:$0x18B00] =	vst v63  }
.Ltmp18:
0x2ca: {  	s15 =	sadd.s32 $0x149A8, s17;
	s19 =	sadd.s32 $0x50, s14;
	(pc) =	sbr.rel @p2 .LBB2_29-.Ltmp18, $4  }
0x2cb: {  	[hbm4b:s19+s3] =	stream.linear.scatter [tilespmem:s15], [sflag:$0x9], $0x80, $0x38;
	[tilespmem:$0x18B00] =	vst v63  }
0x2cc: {  	s15 =	sadd.s32 $0x14A30, s17;
	s19 =	sadd.s32 $0x60, s14;
	s17 =	sadd.s32 $0x14AB8, s17  }
0x2cd: {  	[hbm4b:s19+s3] =	stream.linear.scatter [tilespmem:s15], [sflag:$0x9], $0x80, $0x38;
	[tilespmem:$0x18B00] =	vst v63  }
0x2ce: {  	s19 =	sadd.s32 $0x70, s14;
	s14 =	sadd.s32 $0x32000, s14;
	s15 =	smov.u32 s21  }
0x2cf: {  	[hbm4b:s19+s3] =	stream.linear.scatter [tilespmem:s17], [sflag:$0x9], $0x80, $0x38;
	[tilespmem:$0x18B00] =	vst v63  }
0x2d0: {  	s15 =	sadd.s32 $0x14700, s11  }
0x2d1: {  	[hbm4b:s14+s3] =	stream.linear.scatter [tilespmem:s15], [sflag:$0x9], $0x80, $0x38;
	[tilespmem:$0x18B00] =	vst v63  }
0x2d2: {  	s19 =	sadd.s32 $0x14788, s11;
	s21 =	sadd.s32 $0x10, s14  }
0x2d3: {  	[hbm4b:s21+s3] =	stream.linear.scatter [tilespmem:s19], [sflag:$0x9], $0x80, $0x38;
	[tilespmem:$0x18B00] =	vst v63  }
0x2d4: {  	s19 =	sadd.s32 $0x14810, s11;
	s21 =	sadd.s32 $0x20, s14  }
0x2d5: {  	[hbm4b:s21+s3] =	stream.linear.scatter [tilespmem:s19], [sflag:$0x9], $0x80, $0x38;
	[tilespmem:$0x18B00] =	vst v63  }
0x2d6: {  	s19 =	sadd.s32 $0x14898, s11;
	s21 =	sadd.s32 $0x30, s14  }
0x2d7: {  	[hbm4b:s21+s3] =	stream.linear.scatter [tilespmem:s19], [sflag:$0x9], $0x80, $0x38;
	[tilespmem:$0x18B00] =	vst v63  }
0x2d8: {  	s19 =	sadd.s32 $0x14920, s11;
	s21 =	sadd.s32 $0x40, s14  }
0x2d9: {  	[hbm4b:s21+s3] =	stream.linear.scatter [tilespmem:s19], [sflag:$0x9], $0x80, $0x38;
	[tilespmem:$0x18B00] =	vst v63  }
0x2da: {  	s19 =	sadd.s32 $0x149A8, s11;
	s21 =	sadd.s32 $0x50, s14  }
0x2db: {  	[hbm4b:s21+s3] =	stream.linear.scatter [tilespmem:s19], [sflag:$0x9], $0x80, $0x38;
	[tilespmem:$0x18B00] =	vst v63  }
.Ltmp19:
0x2dc: {  	_ = 	snop;
	(pc) =	sbr.rel @p1 .LBB2_32-.Ltmp19, $4  }
0x2dd: {  	s19 =	sadd.s32 $0x14A30, s11;
	s21 =	sadd.s32 $0x60, s14  }
0x2de: {  	[hbm4b:s21+s3] =	stream.linear.scatter [tilespmem:s19], [sflag:$0x9], $0x80, $0x38;
	[tilespmem:$0x18B00] =	vst v63  }
0x2df: {  	s19 =	sadd.s32 $0x14AB8, s11;
	s21 =	sadd.s32 $0x70, s14  }
0x2e0: {  	[hbm4b:s21+s3] =	stream.linear.scatter [tilespmem:s19], [sflag:$0x9], $0x80, $0x38;
	[tilespmem:$0x18B00] =	vst v63  }
.Ltmp20:
0x2e1: {  	(pc) =	sbr.rel .LBB2_33-.Ltmp20, $4  }
0x2e2: {  	_ = 	snop  }
0x2e3: {  	_ =	swait.ge [sflag:s16], $0x2800  }
0x2e4: {  	[sflag:s16] =	ssyncset.done $0x0  }
0x2e5: {  	[sflag:s16] =	ssyncadd.s32 $0xFFFFD800  }
.LBB2_32:
0x2e6: {  	s11 =	smul.u32 $0xA00, s12;
	_ =	sdelay $0x1  }
0x2e7: {  	s11 =	sshra.s32 s11, $0x2  }
.Ltmp21:
0x2e8: {  	s14 =	simm.s32 $0x9100;
	s11 =	sadd.s32 $0x400, s11;
	(pc) =	sbr.rel @p0 .LBB2_34-.Ltmp21, $4  }
0x2e9: {  	[tilespmem:s14], [sflag:$0x4] =	stream.indirect.gather [hbm4b:s5+s13], $0x50, s11, s13, $0xb8;
	[tilespmem:$0x18B00] =	vst v63  }
0x2ea: {  	_ =	swait.ge [sflag:s16], $0x2800  }
0x2eb: {  	[sflag:s16] =	ssyncset.done $0x0  }
0x2ec: {  	[sflag:s16] =	ssyncadd.s32 $0xFFFFD800  }
.LBB2_33:
0x2ed: {  	_ =	swait.ge [sflag:s18], $0x2000  }
0x2ee: {  	[sflag:s18] =	ssyncset.done $0x0  }
0x2ef: {  	[sflag:s18] =	ssyncadd.s32 $0xFFFFE000  }
.LBB2_34:
0x2f0: {  	s11 =	simm.s32 $0x0;
	s15 =	simm.s32 $0x1;
	s14 =	simm.s32 $0x2  }
0x2f1: {  	s17 =	simm.s32 $0x3;
	s19 =	simm.s32 $0x4;
	s21 =	simm.s32 $0x5;
	v33 =	vmov s11;
	v34 =	vmov s15;
	v35 =	vmov s14  }
0x2f2: {  	s15 =	simm.s32 $0x7;
	v36 =	vmov s17;
	v37 =	vmov s19;
	v39 =	vmov s21;
	s14 =	simm.s32 $0x6  }
0x2f3: {  	v33 =	vshrl.u32 v33, $0x3;
	v38 =	vmov s15;
	v40 =	vmov s14  }
0x2f4: {  	v34 =	vshrl.u32 v34, $0x3;
	v35 =	vshrl.u32 v35, $0x3;
	v36 =	vshrl.u32 v36, $0x3  }
0x2f5: {  	v37 =	vshrl.u32 v37, $0x3;
	v55 =	vshrl.u32 v39, $0x3;
	v33 =	vshll.u32 v33, v1  }
0x2f6: {  	v38 =	vshrl.u32 v38, $0x3;
	v34 =	vshll.u32 v34, v1;
	v33 =	vbroadcast v33, $0x0  }
0x2f7: {  	s11 =	simm.s32 $0xBB60;
	v52 =	vshll.u32 v35, v1;
	v38 =	vshll.u32 v38, v1;
	v45 =	vbroadcast v34, $0x0  }
0x2f8: {  	v43 =	vld [tilespmem:s11+$0xFFFFFDA0];
	v53 =	vshll.u32 v36, v1;
	v38 =	vbroadcast v38, $0x0;
	v44 =	vadd.s32 v0, v33  }
0x2f9: {  	v46 =	vld [tilespmem:s11+$0xFFFFFDF0];
	v54 =	vshll.u32 v37, v1;
	v52 =	vbroadcast v52, $0x0;
	v47 =	vadd.s32 v5, v45  }
0x2fa: {  	v41 =	vld [tilespmem:s11+$0xFFFFFFD0];
	v36 =	vshll.u32 v55, v1;
	v35 =	vbroadcast v53, $0x0;
	v42 =	vadd.s32 v29, v38  }
0x2fb: {  	v48 =	vld [tilespmem:s11+$0xFFFFFE40];
	v40 =	vshrl.u32 v40, $0x3;
	v34 =	vbroadcast v54, $0x0;
	v49 =	vadd.s32 v9, v52  }
0x2fc: {  	v39 =	vld [tilespmem:s11+$0xFFFFFE90];
	v37 =	vbroadcast v36, $0x0;
	v56 =	vshll.u32 v40, v1;
	v50 =	vadd.s32 v13, v35  }
0x2fd: {  	v51 =	vld [tilespmem:s11+$0xFFFFFEE0];
	v36 =	vbroadcast v56, $0x0;
	v53 =	vadd.s32 v17, v34;
	[tilespmem:v44+s20+$0x0] =	vst.idx.msk $0xffff, v43  }
0x2fe: {  	v59 =	vld [tilespmem:s11+$0xFFFFFF30];
	v60 =	vadd.s32 v21, v37;
	[tilespmem:v47+s20+$0x0] =	vst.idx.msk $0xffff, v46  }
0x2ff: {  	v61 =	vld [tilespmem:s11+$0xFFFFFF80];
	v62 =	vadd.s32 v25, v36;
	[tilespmem:v42+s20+$0x0] =	vst.idx.msk $0xffff, v41  }
0x300: {  	v58 =	vadd.s32 v30, v38;
	[tilespmem:v49+s20+$0x0] =	vst.idx.msk $0xffff, v48;
	v57 =	vld [tilespmem:s11+$0xFFFFFFE0]  }
0x301: {  	v63 =	vadd.s32 v6, v45;
	[tilespmem:v50+s20+$0x0] =	vst.idx.msk $0xffff, v39;
	v47 =	vld [tilespmem:s11+$0xFFFFFE00]  }
0x302: {  	v55 =	vadd.s32 v10, v52;
	[tilespmem:v53+s20+$0x0] =	vst.idx.msk $0xffff, v51;
	v54 =	vld [tilespmem:s11+$0xFFFFFE50]  }
0x303: {  	v56 =	vadd.s32 v14, v35;
	[tilespmem:v60+s20+$0x0] =	vst.idx.msk $0xffff, v59;
	v50 =	vld [tilespmem:s11+$0xFFFFFEA0]  }
0x304: {  	v46 =	vadd.s32 v22, v37;
	[tilespmem:v62+s20+$0x0] =	vst.idx.msk $0xffff, v61;
	v44 =	vld [tilespmem:s11+$0xFFFFFF40]  }
0x305: {  	v59 =	vadd.s32 v18, v34;
	[tilespmem:v58+s20+$0x0] =	vst.idx.msk $0xffff, v57;
	v58 =	vld [tilespmem:s11+$0xFFFFFEF0]  }
0x306: {  	[tilespmem:v63+s20+$0x0] =	vst.idx.msk $0xffff, v47;
	v57 =	vadd.s32 v31, v38;
	v40 =	vld [tilespmem:s11+$0xFFFFFFF0]  }
0x307: {  	v61 =	vld [tilespmem:s11+$0xFFFFFDB0];
	v62 =	vadd.s32 v2, v33;
	[tilespmem:v55+s20+$0x0] =	vst.idx.msk $0xffff, v54  }
0x308: {  	v60 =	vadd.s32 v26, v36;
	v63 =	vld [tilespmem:s11+$0xFFFFFF90];
	[tilespmem:v56+s20+$0x0] =	vst.idx.msk $0xffff, v50  }
0x309: {  	v51 =	vadd.s32 v7, v45;
	[tilespmem:v46+s20+$0x0] =	vst.idx.msk $0xffff, v44;
	v50 =	vld [tilespmem:s11+$0xFFFFFE10]  }
0x30a: {  	v56 =	vadd.s32 v11, v52;
	v55 =	vld [tilespmem:s11+$0xFFFFFE60];
	[tilespmem:v59+s20+$0x0] =	vst.idx.msk $0xffff, v58  }
0x30b: {  	v58 =	vadd.s32 v15, v35;
	[tilespmem:v57+s20+$0x0] =	vst.idx.msk $0xffff, v40;
	v57 =	vld [tilespmem:s11+$0xFFFFFEB0]  }
0x30c: {  	[tilespmem:v62+s20+$0x0] =	vst.idx.msk $0xffff, v61;
	v38 =	vadd.s32 v32, v38;
	v54 =	vld [tilespmem:s11+$0x0]  }
0x30d: {  	s17 =	simm.s32 $0x9;
	[tilespmem:v60+s20+$0x0] =	vst.idx.msk $0xffff, v63;
	v60 =	vadd.s32 v19, v34;
	v59 =	vld [tilespmem:s11+$0xFFFFFF00]  }
0x30e: {  	s21 =	simm.s32 $0xB;
	v53 =	vmov s17;
	v41 =	vadd.s32 v23, v37;
	[tilespmem:v51+s20+$0x0] =	vst.idx.msk $0xffff, v50;
	v40 =	vld [tilespmem:s11+$0xFFFFFF50]  }
0x30f: {  	s15 =	simm.s32 $0x8;
	v43 =	vadd.s32 v27, v36;
	s17 =	simm.s32 $0xC;
	v48 =	vadd.s32 v3, v33;
	v44 =	vmov s21;
	v42 =	vld [tilespmem:s11+$0xFFFFFFA0];
	[tilespmem:v56+s20+$0x0] =	vst.idx.msk $0xffff, v55  }
0x310: {  	s19 =	simm.s32 $0xA;
	v47 =	vmov s17;
	v52 =	vadd.s32 v12, v52;
	v46 =	vld [tilespmem:s11+$0xFFFFFDC0];
	v63 =	vmov s15;
	[tilespmem:v58+s20+$0x0] =	vst.idx.msk $0xffff, v57  }
0x311: {  	s21 =	simm.s32 $0xE;
	v39 =	vshrl.u32 v63, $0x3;
	v51 =	vadd.s32 v8, v45;
	v49 =	vld [tilespmem:s11+$0xFFFFFE20];
	[tilespmem:v38+s20+$0x0] =	vst.idx.msk $0xffff, v54;
	v54 =	vmov s19;
	s19 =	simm.s32 $0xD  }
0x312: {  	s14 =	simm.s32 $0x10;
	s15 =	simm.s32 $0xF;
	v45 =	vshll.u32 v39, v1;
	v39 =	vmov s21;
	v50 =	vld [tilespmem:s11+$0xFFFFFE70];
	[tilespmem:v60+s20+$0x0] =	vst.idx.msk $0xffff, v59;
	v38 =	vmov s19  }
.LBB2_35:
0x313: {  	p0 =	slt.u32 s14, $0x78;
	v53 =	vshrl.u32 v53, $0x3;
	v55 =	vmov s15;
	v56 =	vld [tilespmem:s11+$0xFFFFFEC0];
	v35 =	vadd.s32 v16, v35;
	[tilespmem:v41+s20+$0x0] =	vst.idx.msk $0xffff, v40  }
0x314: {  	v40 =	vshrl.u32 v54, $0x3;
	v34 =	vadd.s32 v20, v34;
	v41 =	vshrl.u32 v55, $0x3;
	v54 =	vld [tilespmem:s11+$0xFFFFFF10];
	[tilespmem:v43+s20+$0x0] =	vst.idx.msk $0xffff, v42  }
0x315: {  	v37 =	vadd.s32 v24, v37;
	v42 =	vshrl.u32 v44, $0x3;
	v41 =	vshll.u32 v41, v1;
	[tilespmem:v48+s20+$0x0] =	vst.idx.msk $0xffff, v46;
	v43 =	vld [tilespmem:s11+$0xFFFFFF60]  }
0x316: {  	v36 =	vadd.s32 v28, v36;
	v44 =	vshrl.u32 v47, $0x3;
	v41 =	vbroadcast v41, $0x0;
	[tilespmem:v51+s20+$0x0] =	vst.idx.msk $0xffff, v49;
	v46 =	vld [tilespmem:s11+$0xFFFFFFB0]  }
0x317: {  	v47 =	vshll.u32 v53, v1;
	v49 =	vadd.s32 v4, v33;
	v33 =	vbroadcast v45, $0x0;
	v48 =	vld [tilespmem:s11+$0xFFFFFDD0];
	[tilespmem:v52+s20+$0x0] =	vst.idx.msk $0xffff, v50;
	s11 =	sadd.s32 $0x280, s11  }
0x318: {  	v40 =	vshll.u32 v40, v1;
	v45 =	vbroadcast v47, $0x0;
	v47 =	vld [tilespmem:s11+$0xFFFFFFD0];
	v50 =	vadd.s32 v29, v41;
	[tilespmem:v35+s20+$0x0] =	vst.idx.msk $0xffff, v56  }
0x319: {  	v55 =	vbroadcast v40, $0x0;
	v52 =	vadd.s32 v0, v33;
	v35 =	vshll.u32 v42, v1;
	v51 =	vld [tilespmem:s11+$0xFFFFFDA0];
	[tilespmem:v34+s20+$0x0] =	vst.idx.msk $0xffff, v54  }
0x31a: {  	v42 =	vadd.s32 v5, v45;
	v35 =	vbroadcast v35, $0x0;
	v34 =	vshll.u32 v44, v1;
	v40 =	vld [tilespmem:s11+$0xFFFFFDF0];
	[tilespmem:v37+s20+$0x0] =	vst.idx.msk $0xffff, v43  }
0x31b: {  	v44 =	vadd.s32 v9, v55;
	v34 =	vbroadcast v34, $0x0;
	v37 =	vshrl.u32 v38, $0x3;
	v43 =	vld [tilespmem:s11+$0xFFFFFE40];
	[tilespmem:v36+s20+$0x0] =	vst.idx.msk $0xffff, v46  }
0x31c: {  	v39 =	vshrl.u32 v39, $0x3;
	v46 =	vadd.s32 v13, v35;
	v36 =	vshll.u32 v37, v1;
	v38 =	vld [tilespmem:s11+$0xFFFFFE90];
	[tilespmem:v49+s20+$0x0] =	vst.idx.msk $0xffff, v48  }
0x31d: {  	v49 =	vadd.s32 v17, v34;
	v37 =	vbroadcast v36, $0x0;
	v36 =	vshll.u32 v39, v1;
	v48 =	vld [tilespmem:s11+$0xFFFFFEE0];
	[tilespmem:v50+s20+$0x0] =	vst.idx.msk $0xffff, v47  }
0x31e: {  	v36 =	vbroadcast v36, $0x0;
	v47 =	vadd.s32 v30, v41;
	[tilespmem:v52+s20+$0x0] =	vst.idx.msk $0xffff, v51;
	v39 =	vld [tilespmem:s11+$0xFFFFFFE0]  }
0x31f: {  	[tilespmem:v42+s20+$0x0] =	vst.idx.msk $0xffff, v40;
	v40 =	vld [tilespmem:s11+$0xFFFFFF30];
	v42 =	vadd.s32 v21, v37  }
0x320: {  	[tilespmem:v44+s20+$0x0] =	vst.idx.msk $0xffff, v43;
	v43 =	vld [tilespmem:s11+$0xFFFFFF80];
	v44 =	vadd.s32 v25, v36  }
0x321: {  	v51 =	vadd.s32 v6, v45;
	v50 =	vld [tilespmem:s11+$0xFFFFFE00];
	[tilespmem:v46+s20+$0x0] =	vst.idx.msk $0xffff, v38  }
0x322: {  	v46 =	vadd.s32 v10, v55;
	v38 =	vld [tilespmem:s11+$0xFFFFFE50];
	[tilespmem:v49+s20+$0x0] =	vst.idx.msk $0xffff, v48  }
0x323: {  	v49 =	vadd.s32 v14, v35;
	v48 =	vld [tilespmem:s11+$0xFFFFFEA0];
	[tilespmem:v47+s20+$0x0] =	vst.idx.msk $0xffff, v39  }
0x324: {  	[tilespmem:v42+s20+$0x0] =	vst.idx.msk $0xffff, v40;
	v39 =	vld [tilespmem:s11+$0xFFFFFFF0];
	v40 =	vadd.s32 v31, v41  }
0x325: {  	v47 =	vadd.s32 v18, v34;
	v42 =	vld [tilespmem:s11+$0xFFFFFEF0];
	[tilespmem:v44+s20+$0x0] =	vst.idx.msk $0xffff, v43  }
0x326: {  	v44 =	vadd.s32 v22, v37;
	[tilespmem:v51+s20+$0x0] =	vst.idx.msk $0xffff, v50;
	v43 =	vld [tilespmem:s11+$0xFFFFFF40]  }
0x327: {  	[tilespmem:v46+s20+$0x0] =	vst.idx.msk $0xffff, v38;
	v38 =	vld [tilespmem:s11+$0xFFFFFF90];
	v46 =	vadd.s32 v26, v36  }
0x328: {  	v51 =	vadd.s32 v2, v33;
	v50 =	vld [tilespmem:s11+$0xFFFFFDB0];
	[tilespmem:v49+s20+$0x0] =	vst.idx.msk $0xffff, v48  }
0x329: {  	v49 =	vadd.s32 v7, v45;
	v48 =	vld [tilespmem:s11+$0xFFFFFE10];
	[tilespmem:v40+s20+$0x0] =	vst.idx.msk $0xffff, v39  }
0x32a: {  	[tilespmem:v47+s20+$0x0] =	vst.idx.msk $0xffff, v42;
	v39 =	vld [tilespmem:s11+$0x0];
	v47 =	vadd.s32 v32, v41  }
0x32b: {  	v56 =	vadd.s32 v11, v55;
	v52 =	vld [tilespmem:s11+$0xFFFFFE60];
	[tilespmem:v44+s20+$0x0] =	vst.idx.msk $0xffff, v43  }
0x32c: {  	v58 =	vadd.s32 v15, v35;
	v57 =	vld [tilespmem:s11+$0xFFFFFEB0];
	[tilespmem:v46+s20+$0x0] =	vst.idx.msk $0xffff, v38  }
0x32d: {  	v60 =	vadd.s32 v19, v34;
	[tilespmem:v51+s20+$0x0] =	vst.idx.msk $0xffff, v50;
	v59 =	vld [tilespmem:s11+$0xFFFFFF00]  }
.Ltmp22:
0x32e: {  	s15 =	sadd.s32 $0x1, s14;
	v41 =	vadd.s32 v23, v37;
	v38 =	vmov s14;
	[tilespmem:v49+s20+$0x0] =	vst.idx.msk $0xffff, v48;
	v40 =	vld [tilespmem:s11+$0xFFFFFF50];
	(pc) =	sbr.rel @p0 .LBB2_35-.Ltmp22, $4  }
0x32f: {  	s17 =	sadd.s32 $0x3, s14;
	v53 =	vmov s15;
	s15 =	sadd.s32 $0x2, s14;
	v43 =	vadd.s32 v27, v36;
	v50 =	vshrl.u32 v38, $0x3;
	v42 =	vld [tilespmem:s11+$0xFFFFFFA0];
	[tilespmem:v47+s20+$0x0] =	vst.idx.msk $0xffff, v39  }
0x330: {  	v54 =	vmov s15;
	s15 =	sadd.s32 $0x4, s14;
	v44 =	vmov s17;
	s17 =	sadd.s32 $0x5, s14;
	v48 =	vadd.s32 v3, v33;
	v46 =	vld [tilespmem:s11+$0xFFFFFDC0];
	[tilespmem:v56+s20+$0x0] =	vst.idx.msk $0xffff, v52  }
0x331: {  	v38 =	vmov s17;
	v51 =	vadd.s32 v8, v45;
	v47 =	vmov s15;
	s15 =	sadd.s32 $0x6, s14;
	v49 =	vld [tilespmem:s11+$0xFFFFFE20];
	[tilespmem:v58+s20+$0x0] =	vst.idx.msk $0xffff, v57  }
0x332: {  	v45 =	vshll.u32 v50, v1;
	v39 =	vmov s15;
	s15 =	sadd.s32 $0x7, s14;
	s14 =	sadd.s32 $0x8, s14;
	v52 =	vadd.s32 v12, v55;
	v50 =	vld [tilespmem:s11+$0xFFFFFE70];
	[tilespmem:v60+s20+$0x0] =	vst.idx.msk $0xffff, v59  }
0x333: {  	_ =	sdelay $0x2  }
0x334: {  	v53 =	vshrl.u32 v53, $0x3  }
0x335: {  	v55 =	vmov s15;
	v56 =	vld [tilespmem:s11+$0xFFFFFEC0];
	v35 =	vadd.s32 v16, v35;
	[tilespmem:v41+s20+$0x0] =	vst.idx.msk $0xffff, v40;
	v57 =	vshrl.u32 v54, $0x3  }
0x336: {  	v59 =	vld [tilespmem:s11+$0xFFFFFF10];
	v34 =	vadd.s32 v20, v34;
	v60 =	vshrl.u32 v44, $0x3;
	v58 =	vshrl.u32 v55, $0x3;
	[tilespmem:v43+s20+$0x0] =	vst.idx.msk $0xffff, v42  }
0x337: {  	v37 =	vadd.s32 v24, v37;
	v62 =	vshrl.u32 v47, $0x3;
	v61 =	vld [tilespmem:s11+$0xFFFFFF60];
	v41 =	vshll.u32 v58, v1;
	[tilespmem:v48+s20+$0x0] =	vst.idx.msk $0xffff, v46  }
0x338: {  	v36 =	vadd.s32 v28, v36;
	v45 =	vbroadcast v45, $0x0;
	v63 =	vld [tilespmem:s11+$0xFFFFFFB0];
	v41 =	vbroadcast v41, $0x0;
	[tilespmem:v51+s20+$0x0] =	vst.idx.msk $0xffff, v49  }
0x339: {  	v33 =	vadd.s32 v4, v33;
	s14 =	sadd.s32 $0x280, s11;
	v38 =	vshrl.u32 v38, $0x3;
	v55 =	vshll.u32 v53, v1;
	v48 =	vld [tilespmem:s11+$0xFFFFFDD0];
	[tilespmem:v52+s20+$0x0] =	vst.idx.msk $0xffff, v50  }
0x33a: {  	v40 =	vshll.u32 v57, v1;
	v47 =	vbroadcast v55, $0x0;
	v49 =	vld [tilespmem:s14+$0xFFFFFFD0];
	v50 =	vadd.s32 v29, v41;
	[tilespmem:v35+s20+$0x0] =	vst.idx.msk $0xffff, v56  }
0x33b: {  	v42 =	vshll.u32 v60, v1;
	v40 =	vbroadcast v40, $0x0;
	v35 =	vld [tilespmem:s14+$0xFFFFFDA0];
	v56 =	vadd.s32 v0, v45;
	[tilespmem:v34+s20+$0x0] =	vst.idx.msk $0xffff, v59  }
0x33c: {  	v57 =	vld [tilespmem:s14+$0xFFFFFDF0];
	v44 =	vshll.u32 v62, v1;
	v42 =	vbroadcast v42, $0x0;
	v58 =	vadd.s32 v5, v47;
	[tilespmem:v37+s20+$0x0] =	vst.idx.msk $0xffff, v61  }
0x33d: {  	v38 =	vshll.u32 v38, v1;
	v44 =	vbroadcast v44, $0x0;
	v60 =	vadd.s32 v9, v40;
	v59 =	vld [tilespmem:s14+$0xFFFFFE40];
	[tilespmem:v36+s20+$0x0] =	vst.idx.msk $0xffff, v63  }
0x33e: {  	v38 =	vbroadcast v38, $0x0;
	v62 =	vadd.s32 v13, v42;
	v61 =	vld [tilespmem:s14+$0xFFFFFE90];
	[tilespmem:v33+s20+$0x0] =	vst.idx.msk $0xffff, v48  }
0x33f: {  	v39 =	vshrl.u32 v39, $0x3;
	v63 =	vadd.s32 v17, v44;
	v33 =	vld [tilespmem:s14+$0xFFFFFEE0];
	[tilespmem:v50+s20+$0x0] =	vst.idx.msk $0xffff, v49  }
0x340: {  	v39 =	vshll.u32 v39, v1;
	v34 =	vld [tilespmem:s14+$0xFFFFFF30];
	[tilespmem:v56+s20+$0x0] =	vst.idx.msk $0xffff, v35;
	v56 =	vadd.s32 v21, v38  }
0x341: {  	[tilespmem:v58+s20+$0x0] =	vst.idx.msk $0xffff, v57;
	v35 =	vbroadcast v39, $0x0;
	v49 =	vadd.s32 v30, v41;
	v39 =	vld [tilespmem:s14+$0xFFFFFFE0]  }
0x342: {  	[tilespmem:v60+s20+$0x0] =	vst.idx.msk $0xffff, v59;
	v59 =	vld [tilespmem:s14+$0xFFFFFE00];
	v60 =	vadd.s32 v6, v47  }
0x343: {  	v57 =	vld [tilespmem:s14+$0xFFFFFF80];
	[tilespmem:v62+s20+$0x0] =	vst.idx.msk $0xffff, v61;
	v58 =	vadd.s32 v25, v35  }
0x344: {  	v61 =	vld [tilespmem:s14+$0xFFFFFE50];
	v62 =	vadd.s32 v10, v40;
	[tilespmem:v63+s20+$0x0] =	vst.idx.msk $0xffff, v33  }
0x345: {  	v33 =	vld [tilespmem:s14+$0xFFFFFEA0];
	v63 =	vadd.s32 v14, v42;
	[tilespmem:v56+s20+$0x0] =	vst.idx.msk $0xffff, v34  }
0x346: {  	v56 =	vadd.s32 v18, v44;
	[tilespmem:v49+s20+$0x0] =	vst.idx.msk $0xffff, v39;
	v49 =	vld [tilespmem:s14+$0xFFFFFEF0]  }
0x347: {  	[tilespmem:v60+s20+$0x0] =	vst.idx.msk $0xffff, v59;
	v39 =	vadd.s32 v31, v41;
	v34 =	vld [tilespmem:s14+$0xFFFFFFF0]  }
0x348: {  	[tilespmem:v58+s20+$0x0] =	vst.idx.msk $0xffff, v57;
	v57 =	vld [tilespmem:s14+$0xFFFFFF40];
	v58 =	vadd.s32 v22, v38  }
0x349: {  	[tilespmem:v62+s20+$0x0] =	vst.idx.msk $0xffff, v61;
	v61 =	vld [tilespmem:s14+$0xFFFFFDB0];
	v62 =	vadd.s32 v2, v45  }
0x34a: {  	v60 =	vadd.s32 v26, v35;
	v59 =	vld [tilespmem:s14+$0xFFFFFF90];
	[tilespmem:v63+s20+$0x0] =	vst.idx.msk $0xffff, v33  }
0x34b: {  	v55 =	vadd.s32 v11, v40;
	v54 =	vadd.s32 v32, v41;
	v41 =	vld [tilespmem:s14+$0xFFFFFE60];
	[tilespmem:v56+s20+$0x0] =	vst.idx.msk $0xffff, v49  }
0x34c: {  	v53 =	vadd.s32 v7, v47;
	v63 =	vld [tilespmem:s14+$0xFFFFFE10];
	[tilespmem:v39+s20+$0x0] =	vst.idx.msk $0xffff, v34  }
0x34d: {  	v56 =	vld [tilespmem:s14+$0xFFFFFEB0];
	[tilespmem:v58+s20+$0x0] =	vst.idx.msk $0xffff, v57;
	v57 =	vadd.s32 v15, v42  }
0x34e: {  	[tilespmem:v62+s20+$0x0] =	vst.idx.msk $0xffff, v61;
	v34 =	vld [tilespmem:s14+$0x0]  }
0x34f: {  	v58 =	vld [tilespmem:s14+$0xFFFFFF00];
	[tilespmem:v60+s20+$0x0] =	vst.idx.msk $0xffff, v59;
	v59 =	vadd.s32 v19, v44  }
0x350: {  	v61 =	vadd.s32 v23, v38;
	[tilespmem:v55+s20+$0x0] =	vst.idx.msk $0xffff, v41;
	v60 =	vld [tilespmem:s14+$0xFFFFFF50]  }
0x351: {  	[tilespmem:v53+s20+$0x0] =	vst.idx.msk $0xffff, v63;
	v63 =	vadd.s32 v27, v35;
	v62 =	vld [tilespmem:s14+$0xFFFFFFA0]  }
0x352: {  	v47 =	vadd.s32 v8, v47;
	v55 =	vld [tilespmem:s14+$0xFFFFFE20];
	[tilespmem:v57+s20+$0x0] =	vst.idx.msk $0xffff, v56  }
0x353: {  	v53 =	vld [tilespmem:s14+$0xFFFFFDC0];
	[tilespmem:v54+s20+$0x0] =	vst.idx.msk $0xffff, v34;
	v54 =	vadd.s32 v3, v45  }
0x354: {  	v40 =	vadd.s32 v12, v40;
	v56 =	vld [tilespmem:s14+$0xFFFFFE70];
	[tilespmem:v59+s20+$0x0] =	vst.idx.msk $0xffff, v58  }
0x355: {  	v42 =	vadd.s32 v16, v42;
	v57 =	vld [tilespmem:s14+$0xFFFFFEC0];
	[tilespmem:v61+s20+$0x0] =	vst.idx.msk $0xffff, v60  }
0x356: {  	v59 =	vadd.s32 v20, v44;
	v58 =	vld [tilespmem:s14+$0xFFFFFF10];
	[tilespmem:v63+s20+$0x0] =	vst.idx.msk $0xffff, v62  }
0x357: {  	v38 =	vadd.s32 v24, v38;
	v60 =	vld [tilespmem:s14+$0xFFFFFF60];
	[tilespmem:v47+s20+$0x0] =	vst.idx.msk $0xffff, v55  }
0x358: {  	v35 =	vadd.s32 v28, v35;
	v61 =	vld [tilespmem:s14+$0xFFFFFFB0];
	[tilespmem:v54+s20+$0x0] =	vst.idx.msk $0xffff, v53  }
0x359: {  	v63 =	vadd.s32 v4, v45;
	[tilespmem:v40+s20+$0x0] =	vst.idx.msk $0xffff, v56;
	v62 =	vld [tilespmem:s14+$0xFFFFFDD0]  }
0x35a: {  	[tilespmem:v42+s20+$0x0] =	vst.idx.msk $0xffff, v57  }
0x35b: {  	s6 =	sadd.s32 s6, s10;
	[tilespmem:v59+s20+$0x0] =	vst.idx.msk $0xffff, v58  }
0x35c: {  	s6 =	sshll.u32 s6, $0x7;
	[tilespmem:v38+s20+$0x0] =	vst.idx.msk $0xffff, v60  }
0x35d: {  	s6 =	sand.u32 $0x1FFFFF80, s6;
	[tilespmem:v35+s20+$0x0] =	vst.idx.msk $0xffff, v61  }
0x35e: {  	s15 =	simm.s32 $0x16900;
	s11 =	sadd.s32 s2, s6;
	[tilespmem:v63+s20+$0x0] =	vst.idx.msk $0xffff, v62  }
0x35f: {  	[hbm4b:s11+s3] =	stream.linear.scatter [tilespmem:s15], [sflag:$0xA], $0x80, $0x38;
	[tilespmem:$0x18B00] =	vst v63  }
0x360: {  	s17 =	simm.s32 $0x16988;
	s14 =	sadd.s32 $0x10, s11  }
0x361: {  	[hbm4b:s14+s3] =	stream.linear.scatter [tilespmem:s17], [sflag:$0xA], $0x80, $0x38;
	[tilespmem:$0x18B00] =	vst v63  }
0x362: {  	s19 =	simm.s32 $0x16A10;
	s6 =	simm.s32 $0x440;
	s21 =	sadd.s32 $0x20, s11  }
0x363: {  	[hbm4b:s21+s3] =	stream.linear.scatter [tilespmem:s19], [sflag:$0xA], $0x80, $0x38;
	[tilespmem:$0x18B00] =	vst v63  }
0x364: {  	s15 =	simm.s32 $0x16A98;
	s17 =	sadd.s32 $0x30, s11;
	s14 =	simm.s32 $0x2200  }
0x365: {  	[hbm4b:s17+s3] =	stream.linear.scatter [tilespmem:s15], [sflag:$0xA], $0x80, $0x38;
	[tilespmem:$0x18B00] =	vst v63  }
0x366: {  	s19 =	simm.s32 $0x16B20;
	s21 =	sadd.s32 $0x40, s11;
	s15 =	simm.s32 $0x16BA8  }
0x367: {  	[hbm4b:s21+s3] =	stream.linear.scatter [tilespmem:s19], [sflag:$0xA], $0x80, $0x38;
	[tilespmem:$0x18B00] =	vst v63  }
0x368: {  	s17 =	sadd.s32 $0x50, s11;
	s19 =	simm.s32 $0x16C30;
	s21 =	sadd.s32 $0x60, s11  }
0x369: {  	[hbm4b:s17+s3] =	stream.linear.scatter [tilespmem:s15], [sflag:$0xA], $0x80, $0x38;
	[tilespmem:$0x18B00] =	vst v63  }
0x36a: {  	s15 =	simm.s32 $0x16CB8;
	s17 =	sadd.s32 $0x70, s11;
	s11 =	sadd.s32 $0x32000, s11  }
0x36b: {  	[hbm4b:s21+s3] =	stream.linear.scatter [tilespmem:s19], [sflag:$0xA], $0x80, $0x38;
	[tilespmem:$0x18B00] =	vst v63  }
.LBB2_37:
0x36c: {  	[hbm4b:s17+s3] =	stream.linear.scatter [tilespmem:s15], [sflag:$0xA], $0x80, $0x38;
	[tilespmem:$0x18B00] =	vst v63  }
0x36d: {  	s15 =	smov.u32 s6;
	s6 =	smov.u32 s14  }
0x36e: {  	s19 =	sadd.s32 $0x1100, s14;
	s6 =	sshra.s32 s6, $0x2;
	s17 =	sadd.s32 $0x16900, s15  }
0x36f: {  	[hbm4b:s11+s3] =	stream.linear.scatter [tilespmem:s17], [sflag:$0xA], $0x80, $0x38;
	[tilespmem:$0x18B00] =	vst v63  }
0x370: {  	p0 =	sne.s32 s14, $0x7700;
	s14 =	sadd.s32 $0x16988, s15;
	s17 =	sadd.s32 $0x10, s11  }
0x371: {  	[hbm4b:s17+s3] =	stream.linear.scatter [tilespmem:s14], [sflag:$0xA], $0x80, $0x38;
	[tilespmem:$0x18B00] =	vst v63  }
0x372: {  	s14 =	sadd.s32 $0x16A10, s15;
	s17 =	sadd.s32 $0x20, s11  }
0x373: {  	[hbm4b:s17+s3] =	stream.linear.scatter [tilespmem:s14], [sflag:$0xA], $0x80, $0x38;
	[tilespmem:$0x18B00] =	vst v63  }
0x374: {  	s14 =	sadd.s32 $0x16A98, s15;
	s17 =	sadd.s32 $0x30, s11  }
0x375: {  	[hbm4b:s17+s3] =	stream.linear.scatter [tilespmem:s14], [sflag:$0xA], $0x80, $0x38;
	[tilespmem:$0x18B00] =	vst v63  }
0x376: {  	s14 =	sadd.s32 $0x16B20, s15;
	s17 =	sadd.s32 $0x40, s11  }
0x377: {  	[hbm4b:s17+s3] =	stream.linear.scatter [tilespmem:s14], [sflag:$0xA], $0x80, $0x38;
	[tilespmem:$0x18B00] =	vst v63  }
.Ltmp23:
0x378: {  	s14 =	sadd.s32 $0x16BA8, s15;
	s17 =	sadd.s32 $0x50, s11;
	(pc) =	sbr.rel @p0 .LBB2_37-.Ltmp23, $4  }
0x379: {  	[hbm4b:s17+s3] =	stream.linear.scatter [tilespmem:s14], [sflag:$0xA], $0x80, $0x38;
	[tilespmem:$0x18B00] =	vst v63  }
0x37a: {  	s14 =	sadd.s32 $0x16C30, s15;
	s17 =	sadd.s32 $0x60, s11;
	s15 =	sadd.s32 $0x16CB8, s15  }
0x37b: {  	[hbm4b:s17+s3] =	stream.linear.scatter [tilespmem:s14], [sflag:$0xA], $0x80, $0x38;
	[tilespmem:$0x18B00] =	vst v63  }
0x37c: {  	s17 =	sadd.s32 $0x70, s11;
	s11 =	sadd.s32 $0x32000, s11;
	s14 =	smov.u32 s19  }
0x37d: {  	[hbm4b:s17+s3] =	stream.linear.scatter [tilespmem:s15], [sflag:$0xA], $0x80, $0x38;
	[tilespmem:$0x18B00] =	vst v63  }
0x37e: {  	s14 =	sadd.s32 $0x16900, s6  }
0x37f: {  	[hbm4b:s11+s3] =	stream.linear.scatter [tilespmem:s14], [sflag:$0xA], $0x80, $0x38;
	[tilespmem:$0x18B00] =	vst v63  }
0x380: {  	s19 =	sadd.s32 $0x16988, s6;
	s21 =	sadd.s32 $0x10, s11  }
0x381: {  	[hbm4b:s21+s3] =	stream.linear.scatter [tilespmem:s19], [sflag:$0xA], $0x80, $0x38;
	[tilespmem:$0x18B00] =	vst v63  }
0x382: {  	s15 =	sadd.s32 $0x16A10, s6;
	s17 =	sadd.s32 $0x20, s11  }
0x383: {  	[hbm4b:s17+s3] =	stream.linear.scatter [tilespmem:s15], [sflag:$0xA], $0x80, $0x38;
	[tilespmem:$0x18B00] =	vst v63  }
0x384: {  	s19 =	sadd.s32 $0x16A98, s6;
	s21 =	sadd.s32 $0x30, s11  }
0x385: {  	[hbm4b:s21+s3] =	stream.linear.scatter [tilespmem:s19], [sflag:$0xA], $0x80, $0x38;
	[tilespmem:$0x18B00] =	vst v63  }
0x386: {  	s15 =	sadd.s32 $0x16B20, s6;
	s17 =	sadd.s32 $0x40, s11  }
0x387: {  	[hbm4b:s17+s3] =	stream.linear.scatter [tilespmem:s15], [sflag:$0xA], $0x80, $0x38;
	[tilespmem:$0x18B00] =	vst v63  }
0x388: {  	p0 =	seq.s32 s12, $0x9;
	s19 =	sadd.s32 $0x16BA8, s6;
	s21 =	sadd.s32 $0x50, s11  }
0x389: {  	[hbm4b:s21+s3] =	stream.linear.scatter [tilespmem:s19], [sflag:$0xA], $0x80, $0x38;
	[tilespmem:$0x18B00] =	vst v63  }
.Ltmp24:
0x38a: {  	_ = 	snop;
	(pc) =	sbr.rel @p0 .LBB2_40-.Ltmp24, $4  }
0x38b: {  	s15 =	sadd.s32 $0x16C30, s6;
	s17 =	sadd.s32 $0x60, s11  }
0x38c: {  	[hbm4b:s17+s3] =	stream.linear.scatter [tilespmem:s15], [sflag:$0xA], $0x80, $0x38;
	[tilespmem:$0x18B00] =	vst v63  }
0x38d: {  	s19 =	sadd.s32 $0x16CB8, s6;
	s21 =	sadd.s32 $0x70, s11  }
0x38e: {  	[hbm4b:s21+s3] =	stream.linear.scatter [tilespmem:s19], [sflag:$0xA], $0x80, $0x38;
	[tilespmem:$0x18B00] =	vst v63  }
0x38f: {  	s6 =	smul.u32 $0xA00, s12  }
.Ltmp25:
0x390: {  	_ = 	snop;
	(pc) =	sbr.rel .LBB2_2-.Ltmp25, $4  }
0x391: {  	_ = 	snop  }
0x392: {  	s6 =	sshra.s32 s6, $0x2  }
0x393: {  	s11 =	simm.s32 $0xB900;
	s12 =	sadd.s32 $0x1, s12;
	s6 =	sadd.s32 $0x480, s6  }
0x394: {  	[tilespmem:s11], [sflag:$0x5] =	stream.indirect.gather [hbm4b:s5+s13], $0x50, s6, s13, $0xb8;
	[tilespmem:$0x18B00] =	vst v63  }
.LBB2_41:
0x395: {  	_ =	sfence.sel $0x180000  }
0x396: {  	[bflag:$0x0] =	sbarrier.arrive $0xFFFF  }
0x397: {  	_ =	strace $0x90000047  }
0x398: {  	s0 =	stileid.u32;
	[bflag:$0x2] =	sbarrier.arrive $0xFFFF  }
0x399: {  	p0 =	sne.s32 s0, $0x0;
	s0 =	rddreg [dreg:$0x3]  }
0x39a: {  	s0 =	sadd.s32 @!p0 $0x100000, s0  }
0x39b: {  	[sflag:s0] =	ssyncadd.tile.s32 @!p0 $0x1;
	_ =	shalt  }
.Lfunc_end2:
_tile_overlayer_lowered:
.L_overlay_start_2:
0x39c: {  	(tag) =	ssettag $0x2  }
0x39d: {  	s0 =	rddreg [dreg:$0x0];
	s2 =	stileid.u32  }
0x39e: {  	s1 =	rddreg [dreg:$0x1];
	p0 =	sne.s32 s2, $0x0  }
0x39f: {  	s3 =	rddreg [dreg:$0x2];
	[bflag:$0x3] =	sbarrier.arrive $0xFFFF;
	s2 =	simm.s32 @!p0 $0x1C0B  }
0x3a0: {  	[timem:s3], [sflag:s2] =	dma.local @!p0 [hbm:s0], s1  }
0x3a1: {  	s0 =	simm.s32 @!p0 $0xB  }
0x3a2: {  	_ =	swait.ge @!p0 [sflag:s0], s1  }
0x3a3: {  	s1 =	ssub.s32 @!p0 $0x0, s1;
	[sflag:s0] =	ssyncset.done @!p0 $0x0  }
0x3a4: {  	[sflag:s0] =	ssyncadd.s32 @!p0 s1  }
0x3a5: {  	[bflag:$0x3] =	sbarrier.arrive $0xFFFF  }
0x3a6: {  	_ =	shalt  }

</sc_bundles>
